<compile_context>
chip_gen: v7x
topology: tpu7x:2x2x1
jax: 0.10.2.dev20260603
libtpu: 0.0.44.dev20260713+nightly
codegen_flags: <defaults>
</compile_context>

<pallas_src>
import jax
import jax.numpy as jnp
from jax import lax
from jax.experimental import pallas as pl
from jax.experimental.pallas import tpu as pltpu
from jax.experimental.pallas import tpu_sc as plsc

NUM_CORES = 2
NUM_SUBCORES = 16
LANES = 16
NW = NUM_CORES * NUM_SUBCORES

NROWS = 1000000
EMBED_DIM = 64
PAIR_DIM = 2 * EMBED_DIM
BATCH = 16384
B_PER_W = BATCH // NW
ICHUNK = 128
N_ICHUNKS = B_PER_W // ICHUNK
CCHUNK = LANES
N_CCHUNKS = B_PER_W // CCHUNK

TCOLS = 16384
QUART = TCOLS // 4
BLK_SHIFT = 14
QUART_SHIFT = 12
TGRID = -(-NROWS // TCOLS)
G_ROWS = TGRID * QUART


def _tc_repack(tt_ref, out_ref):
    x = tt_ref[...]
    u = lax.bitcast_convert_type(x, jnp.int32)
    ur = u + jnp.int32(0x8000)
    lo = (lax.slice(ur, (0, 0), (32, TCOLS)) >> 16) & jnp.int32(0xFFFF)
    hi = lax.slice(ur, (32, 0), (64, TCOLS)) & jnp.int32(-65536)
    w = lo | hi
    w4 = jnp.concatenate(
        [lax.slice(w, (0, q * QUART), (32, (q + 1) * QUART))
         for q in range(4)], axis=0)
    out_ref[...] = lax.transpose(w4, (1, 0))


def _repack_table(tablet):
    return pl.pallas_call(
        _tc_repack,
        grid=(TGRID,),
        in_specs=[pl.BlockSpec((EMBED_DIM, TCOLS), lambda i: (0, i))],
        out_specs=pl.BlockSpec((QUART, PAIR_DIM), lambda i: (i, 0)),
        out_shape=jax.ShapeDtypeStruct((G_ROWS, PAIR_DIM), jnp.int32),
        compiler_params=pltpu.CompilerParams(
            dimension_semantics=("arbitrary",)),
    )(tablet)


def _rsqrt(x):
    i = plsc.bitcast(x, jnp.int32)
    y = plsc.bitcast(jnp.int32(0x5F3759DF) - (i >> 1), jnp.float32)
    for _ in range(3):
        y = y * (jnp.float32(1.5) - jnp.float32(0.5) * x * y * y)
    return y


def _gather_descs(table_hbm, hi_v, rows_v, gsem):
    for k in range(N_ICHUNKS):
        yield pltpu.make_async_copy(
            table_hbm.at[hi_v.at[k]],
            rows_v.at[pl.ds(k * ICHUNK, ICHUNK)], gsem)


def _sc_body(table_hbm, nodes_hbm, out_hbm, idx_v, hi_v, rows_v, t_v, gsem):
    wid = lax.axis_index("s") * NUM_CORES + lax.axis_index("c")
    base = wid * B_PER_W

    pltpu.sync_copy(nodes_hbm.at[wid], idx_v)
    for k in range(N_ICHUNKS):
        for j in range(ICHUNK // LANES):
            sl = pl.ds(j * LANES, LANES)
            iv = idx_v[k, sl]
            hi_v[k, sl] = ((iv >> BLK_SHIFT) << QUART_SHIFT) + \
                (iv & (QUART - 1))

    for c in _gather_descs(table_hbm, hi_v, rows_v, gsem):
        c.start()
    for c in _gather_descs(table_hbm, hi_v, rows_v, gsem):
        c.wait()

    lane = lax.broadcasted_iota(jnp.int32, (LANES,), 0)
    himask = jnp.int32(-65536)

    def chunk_body(c):
        row = c * CCHUNK + lane
        iv = plsc.load_gather(idx_v, [row >> 7, row & (ICHUNK - 1)])
        wb = ((iv >> QUART_SHIFT) & 3) * 32
        acc = jnp.zeros((LANES,), jnp.float32)
        for dp in range(EMBED_DIM // 2):
            w = plsc.load_gather(rows_v, [row, wb + dp])
            ve = plsc.bitcast(w << 16, jnp.float32)
            vo = plsc.bitcast(w & himask, jnp.float32)
            acc = acc + ve * ve + vo * vo
            t_v[dp, pl.ds(c * CCHUNK, CCHUNK)] = ve
            t_v[dp + 32, pl.ds(c * CCHUNK, CCHUNK)] = vo
        r = _rsqrt(acc)
        for d in range(EMBED_DIM):
            sl = pl.ds(c * CCHUNK, CCHUNK)
            t_v[d, sl] = t_v[d, sl] * r

    pl.loop(0, N_CCHUNKS)(chunk_body)

    pltpu.sync_copy(t_v, out_hbm.at[:, pl.ds(base, B_PER_W)])


@jax.jit
def _encode(nodes, table):
    nodes_r = nodes.astype(jnp.int32).reshape(NW, N_ICHUNKS, ICHUNK)
    table_p = _repack_table(table.T)
    mesh = plsc.VectorSubcoreMesh(core_axis_name="c", subcore_axis_name="s")
    return pl.kernel(
        _sc_body,
        out_type=jax.ShapeDtypeStruct((EMBED_DIM, BATCH), jnp.float32),
        mesh=mesh,
        compiler_params=pltpu.CompilerParams(needs_layout_passes=False),
        scratch_types=[
            pltpu.VMEM((N_ICHUNKS, ICHUNK), jnp.int32),
            pltpu.VMEM((N_ICHUNKS, ICHUNK), jnp.int32),
            pltpu.VMEM((B_PER_W, PAIR_DIM), jnp.int32),
            pltpu.VMEM((EMBED_DIM, B_PER_W), jnp.float32),
            pltpu.SemaphoreType.DMA,
        ],
    )(table_p, nodes_r)


def kernel(nodes, table):
    return _encode(nodes, table)

# --- scband reference (transcript-rebuilt; emitter-appended) ---
"""Pipeline reference for scband-direct-encoder-5368709120502 (READ-ONLY COPY).

The authoritative reference and input builder live on the scoring server;
editing this copy changes nothing except your own understanding.
"""

import jax, jax.numpy as jnp
import numpy as np

NUM_EMBEDDINGS = 1000000
EMBED_DIM = 64
BATCH = 16384

def setup_inputs(seed: int = 0) -> dict:
    key = jax.random.key(seed)
    k1, k2 = jax.random.split(key)
    nodes = jax.random.randint(k1, (BATCH,), 0, NUM_EMBEDDINGS)
    table = jax.random.normal(k2, (NUM_EMBEDDINGS, EMBED_DIM), dtype=jnp.float32) * 0.02
    return {"nodes": nodes, "table": table}

def reference(nodes, table):
    # DirectEncoder.forward with offset=None:
    #   embeds = features(nodes, mode).t()  -> [embed_dim, batch]
    #   norm = embeds.norm(p=2, dim=0, keepdim=True)
    #   return embeds / norm
    embeds = jnp.take(table, nodes, axis=0).T  # [embed_dim, batch]
    norm = jnp.sqrt(jnp.sum(embeds * embeds, axis=0, keepdims=True))
    return embeds / norm

if __name__ == "__main__":
    import jax
    _d = setup_inputs()
    print(jax.jit(kernel)(*tuple(_d.values())))

</pallas_src>

<mosaic_0001>
#map = affine_map<(d0, d1) -> (0, 0)>
#map1 = affine_map<(d0, d1) -> (0, 0, 0)>
module attributes {stable_mosaic.version = 14 : i64} {
  func.func @_sc_body(%arg0: i32, %arg1: i32, %arg2: memref<253952x128xi32, #tpu.memory_space<hbm>>, %arg3: memref<32x4x128xi32, #tpu.memory_space<hbm>>, %arg4: memref<64x16384xf32, #tpu.memory_space<hbm>>, %arg5: memref<4x128xi32, #tpu.memory_space<vmem>>, %arg6: memref<4x128xi32, #tpu.memory_space<vmem>>, %arg7: memref<512x128xi32, #tpu.memory_space<vmem>>, %arg8: memref<64x512xf32, #tpu.memory_space<vmem>>, %arg9: memref<!tpu.dma_semaphore, #tpu.memory_space<semaphore_mem>>) attributes {dimension_semantics = [#tpu.dimension_semantics<core_parallel>, #tpu.dimension_semantics<subcore_parallel>], iteration_bounds = array<i64: 2, 16>, scalar_prefetch = 0 : i64, scratch_operands = 5 : i64, tpu.core_type = #tpu.core_type<sc_vector_subcore>, window_params = [{transform_indices = #map}, {transform_indices = #map1}, {transform_indices = #map}]} {
    %mul3A = arith.constant 2 : i32
    %mul3A_0 = arith.muli %arg1, %mul3A : i32
    %add3A = arith.addi %mul3A_0, %arg0 : i32
    %mul3A_1 = arith.constant 512 : i32
    %mul3A_2 = arith.muli %add3A, %mul3A_1 : i32
    "tpu.region"() ({
      %run_scoped3A = tpu.sem_alloc : memref<!tpu.dma_semaphore, #tpu.memory_space<semaphore_mem>>
      %dma_start3A_657 = arith.constant 0 : i32
      %dma_start3A_658 = arith.constant 0 : i32
      %dma_start3A_659 = tpu.memref_slice %arg3[%add3A, %dma_start3A_657, %dma_start3A_658] : memref<32x4x128xi32, #tpu.memory_space<hbm>> -> memref<1x4x128xi32, #tpu.memory_space<hbm>>
      %dma_start3A_660 = tpu.memref_squeeze %dma_start3A_659 : memref<1x4x128xi32, #tpu.memory_space<hbm>> -> memref<4x128xi32, #tpu.memory_space<hbm>>
      %dma_start3A_661 = arith.constant 0 : i32
      %dma_start3A_662 = arith.constant 0 : i32
      %dma_start3A_663 = tpu.memref_slice %arg3[%add3A, %dma_start3A_661, %dma_start3A_662] : memref<32x4x128xi32, #tpu.memory_space<hbm>> -> memref<1x4x128xi32, #tpu.memory_space<hbm>>
      %dma_start3A_664 = tpu.memref_squeeze %dma_start3A_663 : memref<1x4x128xi32, #tpu.memory_space<hbm>> -> memref<4x128xi32, #tpu.memory_space<hbm>>
      tpu.enqueue_dma source(%dma_start3A_664 : memref<4x128xi32, #tpu.memory_space<hbm>>) target(%arg5 : memref<4x128xi32, #tpu.memory_space<vmem>>) target_semaphore(%run_scoped3A : memref<!tpu.dma_semaphore, #tpu.memory_space<semaphore_mem>>)
      %dma_wait3A_665 = arith.constant 0 : i32
      %dma_wait3A_666 = arith.constant 0 : i32
      %dma_wait3A_667 = tpu.memref_slice %arg3[%add3A, %dma_wait3A_665, %dma_wait3A_666] : memref<32x4x128xi32, #tpu.memory_space<hbm>> -> memref<1x4x128xi32, #tpu.memory_space<hbm>>
      %dma_wait3A_668 = tpu.memref_squeeze %dma_wait3A_667 : memref<1x4x128xi32, #tpu.memory_space<hbm>> -> memref<4x128xi32, #tpu.memory_space<hbm>>
      %dma_wait3A_669 = arith.constant 0 : i32
      %dma_wait3A_670 = arith.constant 0 : i32
      %dma_wait3A_671 = tpu.memref_slice %arg3[%add3A, %dma_wait3A_669, %dma_wait3A_670] : memref<32x4x128xi32, #tpu.memory_space<hbm>> -> memref<1x4x128xi32, #tpu.memory_space<hbm>>
      %dma_wait3A_672 = tpu.memref_squeeze %dma_wait3A_671 : memref<1x4x128xi32, #tpu.memory_space<hbm>> -> memref<4x128xi32, #tpu.memory_space<hbm>>
      tpu.wait_dma2 semaphore(%run_scoped3A : memref<!tpu.dma_semaphore, #tpu.memory_space<semaphore_mem>>) src(%dma_wait3A_672 : memref<4x128xi32, #tpu.memory_space<hbm>>) dst(%arg5 : memref<4x128xi32, #tpu.memory_space<vmem>>)
      tpu.yield
    }) : () -> ()
    %get3A = arith.constant 0 : i32
    %get3A_3 = arith.index_cast %get3A : i32 to index
    %get3A_4 = arith.constant 0 : index
    %get3A_5 = tpu.vector_load %arg5[%get3A_3, %get3A_4] {strides = array<i32>} : memref<4x128xi32, #tpu.memory_space<vmem>>, vector<16xi32>,
    %shift_right_arithmetic3A = arith.constant 14 : i32
    %shift_right_arithmetic3A_6 = vector.broadcast %shift_right_arithmetic3A : i32 to vector<16xi32>
    %shift_right_arithmetic3A_7 = arith.shrsi %get3A_5, %shift_right_arithmetic3A_6 : vector<16xi32>
    %shift_left3A = arith.constant 12 : i32
    %shift_left3A_8 = vector.broadcast %shift_left3A : i32 to vector<16xi32>
    %shift_left3A_9 = arith.shli %shift_right_arithmetic3A_7, %shift_left3A_8 : vector<16xi32>
    %and3A = arith.constant 4095 : i32
    %and3A_10 = vector.broadcast %and3A : i32 to vector<16xi32>
    %and3A_11 = arith.andi %get3A_5, %and3A_10 : vector<16xi32>
    %add3A_12 = arith.addi %shift_left3A_9, %and3A_11 : vector<16xi32>
    %swap3A = arith.constant 0 : i32
    %swap3A_13 = arith.index_cast %swap3A : i32 to index
    %swap3A_14 = arith.constant 0 : index
    %swap3A_15 = tpu.vector_load %arg6[%swap3A_13, %swap3A_14] {strides = array<i32>} : memref<4x128xi32, #tpu.memory_space<vmem>>, vector<16xi32>,
    tpu.vector_store %arg6[%swap3A_13, %swap3A_14], %add3A_12 {strides = array<i32>} : memref<4x128xi32, #tpu.memory_space<vmem>>, vector<16xi32>,
    %get3A_16 = arith.constant 0 : i32
    %get3A_17 = arith.index_cast %get3A_16 : i32 to index
    %get3A_18 = arith.constant 16 : index
    %get3A_19 = tpu.vector_load %arg5[%get3A_17, %get3A_18] {strides = array<i32>} : memref<4x128xi32, #tpu.memory_space<vmem>>, vector<16xi32>,
    %shift_right_arithmetic3A_20 = arith.constant 14 : i32
    %shift_right_arithmetic3A_21 = vector.broadcast %shift_right_arithmetic3A_20 : i32 to vector<16xi32>
    %shift_right_arithmetic3A_22 = arith.shrsi %get3A_19, %shift_right_arithmetic3A_21 : vector<16xi32>
    %shift_left3A_23 = arith.constant 12 : i32
    %shift_left3A_24 = vector.broadcast %shift_left3A_23 : i32 to vector<16xi32>
    %shift_left3A_25 = arith.shli %shift_right_arithmetic3A_22, %shift_left3A_24 : vector<16xi32>
    %and3A_26 = arith.constant 4095 : i32
    %and3A_27 = vector.broadcast %and3A_26 : i32 to vector<16xi32>
    %and3A_28 = arith.andi %get3A_19, %and3A_27 : vector<16xi32>
    %add3A_29 = arith.addi %shift_left3A_25, %and3A_28 : vector<16xi32>
    %swap3A_30 = arith.constant 0 : i32
    %swap3A_31 = arith.index_cast %swap3A_30 : i32 to index
    %swap3A_32 = arith.constant 16 : index
    %swap3A_33 = tpu.vector_load %arg6[%swap3A_31, %swap3A_32] {strides = array<i32>} : memref<4x128xi32, #tpu.memory_space<vmem>>, vector<16xi32>,
    tpu.vector_store %arg6[%swap3A_31, %swap3A_32], %add3A_29 {strides = array<i32>} : memref<4x128xi32, #tpu.memory_space<vmem>>, vector<16xi32>,
    %get3A_34 = arith.constant 0 : i32
    %get3A_35 = arith.index_cast %get3A_34 : i32 to index
    %get3A_36 = arith.constant 32 : index
    %get3A_37 = tpu.vector_load %arg5[%get3A_35, %get3A_36] {strides = array<i32>} : memref<4x128xi32, #tpu.memory_space<vmem>>, vector<16xi32>,
    %shift_right_arithmetic3A_38 = arith.constant 14 : i32
    %shift_right_arithmetic3A_39 = vector.broadcast %shift_right_arithmetic3A_38 : i32 to vector<16xi32>
    %shift_right_arithmetic3A_40 = arith.shrsi %get3A_37, %shift_right_arithmetic3A_39 : vector<16xi32>
    %shift_left3A_41 = arith.constant 12 : i32
    %shift_left3A_42 = vector.broadcast %shift_left3A_41 : i32 to vector<16xi32>
    %shift_left3A_43 = arith.shli %shift_right_arithmetic3A_40, %shift_left3A_42 : vector<16xi32>
    %and3A_44 = arith.constant 4095 : i32
    %and3A_45 = vector.broadcast %and3A_44 : i32 to vector<16xi32>
    %and3A_46 = arith.andi %get3A_37, %and3A_45 : vector<16xi32>
    %add3A_47 = arith.addi %shift_left3A_43, %and3A_46 : vector<16xi32>
    %swap3A_48 = arith.constant 0 : i32
    %swap3A_49 = arith.index_cast %swap3A_48 : i32 to index
    %swap3A_50 = arith.constant 32 : index
    %swap3A_51 = tpu.vector_load %arg6[%swap3A_49, %swap3A_50] {strides = array<i32>} : memref<4x128xi32, #tpu.memory_space<vmem>>, vector<16xi32>,
    tpu.vector_store %arg6[%swap3A_49, %swap3A_50], %add3A_47 {strides = array<i32>} : memref<4x128xi32, #tpu.memory_space<vmem>>, vector<16xi32>,
    %get3A_52 = arith.constant 0 : i32
    %get3A_53 = arith.index_cast %get3A_52 : i32 to index
    %get3A_54 = arith.constant 48 : index
    %get3A_55 = tpu.vector_load %arg5[%get3A_53, %get3A_54] {strides = array<i32>} : memref<4x128xi32, #tpu.memory_space<vmem>>, vector<16xi32>,
    %shift_right_arithmetic3A_56 = arith.constant 14 : i32
    %shift_right_arithmetic3A_57 = vector.broadcast %shift_right_arithmetic3A_56 : i32 to vector<16xi32>
    %shift_right_arithmetic3A_58 = arith.shrsi %get3A_55, %shift_right_arithmetic3A_57 : vector<16xi32>
    %shift_left3A_59 = arith.constant 12 : i32
    %shift_left3A_60 = vector.broadcast %shift_left3A_59 : i32 to vector<16xi32>
    %shift_left3A_61 = arith.shli %shift_right_arithmetic3A_58, %shift_left3A_60 : vector<16xi32>
    %and3A_62 = arith.constant 4095 : i32
    %and3A_63 = vector.broadcast %and3A_62 : i32 to vector<16xi32>
    %and3A_64 = arith.andi %get3A_55, %and3A_63 : vector<16xi32>
    %add3A_65 = arith.addi %shift_left3A_61, %and3A_64 : vector<16xi32>
    %swap3A_66 = arith.constant 0 : i32
    %swap3A_67 = arith.index_cast %swap3A_66 : i32 to index
    %swap3A_68 = arith.constant 48 : index
    %swap3A_69 = tpu.vector_load %arg6[%swap3A_67, %swap3A_68] {strides = array<i32>} : memref<4x128xi32, #tpu.memory_space<vmem>>, vector<16xi32>,
    tpu.vector_store %arg6[%swap3A_67, %swap3A_68], %add3A_65 {strides = array<i32>} : memref<4x128xi32, #tpu.memory_space<vmem>>, vector<16xi32>,
    %get3A_70 = arith.constant 0 : i32
    %get3A_71 = arith.index_cast %get3A_70 : i32 to index
    %get3A_72 = arith.constant 64 : index
    %get3A_73 = tpu.vector_load %arg5[%get3A_71, %get3A_72] {strides = array<i32>} : memref<4x128xi32, #tpu.memory_space<vmem>>, vector<16xi32>,
    %shift_right_arithmetic3A_74 = arith.constant 14 : i32
    %shift_right_arithmetic3A_75 = vector.broadcast %shift_right_arithmetic3A_74 : i32 to vector<16xi32>
    %shift_right_arithmetic3A_76 = arith.shrsi %get3A_73, %shift_right_arithmetic3A_75 : vector<16xi32>
    %shift_left3A_77 = arith.constant 12 : i32
    %shift_left3A_78 = vector.broadcast %shift_left3A_77 : i32 to vector<16xi32>
    %shift_left3A_79 = arith.shli %shift_right_arithmetic3A_76, %shift_left3A_78 : vector<16xi32>
    %and3A_80 = arith.constant 4095 : i32
    %and3A_81 = vector.broadcast %and3A_80 : i32 to vector<16xi32>
    %and3A_82 = arith.andi %get3A_73, %and3A_81 : vector<16xi32>
    %add3A_83 = arith.addi %shift_left3A_79, %and3A_82 : vector<16xi32>
    %swap3A_84 = arith.constant 0 : i32
    %swap3A_85 = arith.index_cast %swap3A_84 : i32 to index
    %swap3A_86 = arith.constant 64 : index
    %swap3A_87 = tpu.vector_load %arg6[%swap3A_85, %swap3A_86] {strides = array<i32>} : memref<4x128xi32, #tpu.memory_space<vmem>>, vector<16xi32>,
    tpu.vector_store %arg6[%swap3A_85, %swap3A_86], %add3A_83 {strides = array<i32>} : memref<4x128xi32, #tpu.memory_space<vmem>>, vector<16xi32>,
    %get3A_88 = arith.constant 0 : i32
    %get3A_89 = arith.index_cast %get3A_88 : i32 to index
    %get3A_90 = arith.constant 80 : index
    %get3A_91 = tpu.vector_load %arg5[%get3A_89, %get3A_90] {strides = array<i32>} : memref<4x128xi32, #tpu.memory_space<vmem>>, vector<16xi32>,
    %shift_right_arithmetic3A_92 = arith.constant 14 : i32
    %shift_right_arithmetic3A_93 = vector.broadcast %shift_right_arithmetic3A_92 : i32 to vector<16xi32>
    %shift_right_arithmetic3A_94 = arith.shrsi %get3A_91, %shift_right_arithmetic3A_93 : vector<16xi32>
    %shift_left3A_95 = arith.constant 12 : i32
    %shift_left3A_96 = vector.broadcast %shift_left3A_95 : i32 to vector<16xi32>
    %shift_left3A_97 = arith.shli %shift_right_arithmetic3A_94, %shift_left3A_96 : vector<16xi32>
    %and3A_98 = arith.constant 4095 : i32
    %and3A_99 = vector.broadcast %and3A_98 : i32 to vector<16xi32>
    %and3A_100 = arith.andi %get3A_91, %and3A_99 : vector<16xi32>
    %add3A_101 = arith.addi %shift_left3A_97, %and3A_100 : vector<16xi32>
    %swap3A_102 = arith.constant 0 : i32
    %swap3A_103 = arith.index_cast %swap3A_102 : i32 to index
    %swap3A_104 = arith.constant 80 : index
    %swap3A_105 = tpu.vector_load %arg6[%swap3A_103, %swap3A_104] {strides = array<i32>} : memref<4x128xi32, #tpu.memory_space<vmem>>, vector<16xi32>,
    tpu.vector_store %arg6[%swap3A_103, %swap3A_104], %add3A_101 {strides = array<i32>} : memref<4x128xi32, #tpu.memory_space<vmem>>, vector<16xi32>,
    %get3A_106 = arith.constant 0 : i32
    %get3A_107 = arith.index_cast %get3A_106 : i32 to index
    %get3A_108 = arith.constant 96 : index
    %get3A_109 = tpu.vector_load %arg5[%get3A_107, %get3A_108] {strides = array<i32>} : memref<4x128xi32, #tpu.memory_space<vmem>>, vector<16xi32>,
    %shift_right_arithmetic3A_110 = arith.constant 14 : i32
    %shift_right_arithmetic3A_111 = vector.broadcast %shift_right_arithmetic3A_110 : i32 to vector<16xi32>
    %shift_right_arithmetic3A_112 = arith.shrsi %get3A_109, %shift_right_arithmetic3A_111 : vector<16xi32>
    %shift_left3A_113 = arith.constant 12 : i32
    %shift_left3A_114 = vector.broadcast %shift_left3A_113 : i32 to vector<16xi32>
    %shift_left3A_115 = arith.shli %shift_right_arithmetic3A_112, %shift_left3A_114 : vector<16xi32>
    %and3A_116 = arith.constant 4095 : i32
    %and3A_117 = vector.broadcast %and3A_116 : i32 to vector<16xi32>
    %and3A_118 = arith.andi %get3A_109, %and3A_117 : vector<16xi32>
    %add3A_119 = arith.addi %shift_left3A_115, %and3A_118 : vector<16xi32>
    %swap3A_120 = arith.constant 0 : i32
    %swap3A_121 = arith.index_cast %swap3A_120 : i32 to index
    %swap3A_122 = arith.constant 96 : index
    %swap3A_123 = tpu.vector_load %arg6[%swap3A_121, %swap3A_122] {strides = array<i32>} : memref<4x128xi32, #tpu.memory_space<vmem>>, vector<16xi32>,
    tpu.vector_store %arg6[%swap3A_121, %swap3A_122], %add3A_119 {strides = array<i32>} : memref<4x128xi32, #tpu.memory_space<vmem>>, vector<16xi32>,
    %get3A_124 = arith.constant 0 : i32
    %get3A_125 = arith.index_cast %get3A_124 : i32 to index
    %get3A_126 = arith.constant 112 : index
    %get3A_127 = tpu.vector_load %arg5[%get3A_125, %get3A_126] {strides = array<i32>} : memref<4x128xi32, #tpu.memory_space<vmem>>, vector<16xi32>,
    %shift_right_arithmetic3A_128 = arith.constant 14 : i32
    %shift_right_arithmetic3A_129 = vector.broadcast %shift_right_arithmetic3A_128 : i32 to vector<16xi32>
    %shift_right_arithmetic3A_130 = arith.shrsi %get3A_127, %shift_right_arithmetic3A_129 : vector<16xi32>
    %shift_left3A_131 = arith.constant 12 : i32
    %shift_left3A_132 = vector.broadcast %shift_left3A_131 : i32 to vector<16xi32>
    %shift_left3A_133 = arith.shli %shift_right_arithmetic3A_130, %shift_left3A_132 : vector<16xi32>
    %and3A_134 = arith.constant 4095 : i32
    %and3A_135 = vector.broadcast %and3A_134 : i32 to vector<16xi32>
    %and3A_136 = arith.andi %get3A_127, %and3A_135 : vector<16xi32>
    %add3A_137 = arith.addi %shift_left3A_133, %and3A_136 : vector<16xi32>
    %swap3A_138 = arith.constant 0 : i32
    %swap3A_139 = arith.index_cast %swap3A_138 : i32 to index
    %swap3A_140 = arith.constant 112 : index
    %swap3A_141 = tpu.vector_load %arg6[%swap3A_139, %swap3A_140] {strides = array<i32>} : memref<4x128xi32, #tpu.memory_space<vmem>>, vector<16xi32>,
    tpu.vector_store %arg6[%swap3A_139, %swap3A_140], %add3A_137 {strides = array<i32>} : memref<4x128xi32, #tpu.memory_space<vmem>>, vector<16xi32>,
    %get3A_142 = arith.constant 1 : i32
    %get3A_143 = arith.index_cast %get3A_142 : i32 to index
    %get3A_144 = arith.constant 0 : index
    %get3A_145 = tpu.vector_load %arg5[%get3A_143, %get3A_144] {strides = array<i32>} : memref<4x128xi32, #tpu.memory_space<vmem>>, vector<16xi32>,
    %shift_right_arithmetic3A_146 = arith.constant 14 : i32
    %shift_right_arithmetic3A_147 = vector.broadcast %shift_right_arithmetic3A_146 : i32 to vector<16xi32>
    %shift_right_arithmetic3A_148 = arith.shrsi %get3A_145, %shift_right_arithmetic3A_147 : vector<16xi32>
    %shift_left3A_149 = arith.constant 12 : i32
    %shift_left3A_150 = vector.broadcast %shift_left3A_149 : i32 to vector<16xi32>
    %shift_left3A_151 = arith.shli %shift_right_arithmetic3A_148, %shift_left3A_150 : vector<16xi32>
    %and3A_152 = arith.constant 4095 : i32
    %and3A_153 = vector.broadcast %and3A_152 : i32 to vector<16xi32>
    %and3A_154 = arith.andi %get3A_145, %and3A_153 : vector<16xi32>
    %add3A_155 = arith.addi %shift_left3A_151, %and3A_154 : vector<16xi32>
    %swap3A_156 = arith.constant 1 : i32
    %swap3A_157 = arith.index_cast %swap3A_156 : i32 to index
    %swap3A_158 = arith.constant 0 : index
    %swap3A_159 = tpu.vector_load %arg6[%swap3A_157, %swap3A_158] {strides = array<i32>} : memref<4x128xi32, #tpu.memory_space<vmem>>, vector<16xi32>,
    tpu.vector_store %arg6[%swap3A_157, %swap3A_158], %add3A_155 {strides = array<i32>} : memref<4x128xi32, #tpu.memory_space<vmem>>, vector<16xi32>,
    %get3A_160 = arith.constant 1 : i32
    %get3A_161 = arith.index_cast %get3A_160 : i32 to index
    %get3A_162 = arith.constant 16 : index
    %get3A_163 = tpu.vector_load %arg5[%get3A_161, %get3A_162] {strides = array<i32>} : memref<4x128xi32, #tpu.memory_space<vmem>>, vector<16xi32>,
    %shift_right_arithmetic3A_164 = arith.constant 14 : i32
    %shift_right_arithmetic3A_165 = vector.broadcast %shift_right_arithmetic3A_164 : i32 to vector<16xi32>
    %shift_right_arithmetic3A_166 = arith.shrsi %get3A_163, %shift_right_arithmetic3A_165 : vector<16xi32>
    %shift_left3A_167 = arith.constant 12 : i32
    %shift_left3A_168 = vector.broadcast %shift_left3A_167 : i32 to vector<16xi32>
    %shift_left3A_169 = arith.shli %shift_right_arithmetic3A_166, %shift_left3A_168 : vector<16xi32>
    %and3A_170 = arith.constant 4095 : i32
    %and3A_171 = vector.broadcast %and3A_170 : i32 to vector<16xi32>
    %and3A_172 = arith.andi %get3A_163, %and3A_171 : vector<16xi32>
    %add3A_173 = arith.addi %shift_left3A_169, %and3A_172 : vector<16xi32>
    %swap3A_174 = arith.constant 1 : i32
    %swap3A_175 = arith.index_cast %swap3A_174 : i32 to index
    %swap3A_176 = arith.constant 16 : index
    %swap3A_177 = tpu.vector_load %arg6[%swap3A_175, %swap3A_176] {strides = array<i32>} : memref<4x128xi32, #tpu.memory_space<vmem>>, vector<16xi32>,
    tpu.vector_store %arg6[%swap3A_175, %swap3A_176], %add3A_173 {strides = array<i32>} : memref<4x128xi32, #tpu.memory_space<vmem>>, vector<16xi32>,
    %get3A_178 = arith.constant 1 : i32
    %get3A_179 = arith.index_cast %get3A_178 : i32 to index
    %get3A_180 = arith.constant 32 : index
    %get3A_181 = tpu.vector_load %arg5[%get3A_179, %get3A_180] {strides = array<i32>} : memref<4x128xi32, #tpu.memory_space<vmem>>, vector<16xi32>,
    %shift_right_arithmetic3A_182 = arith.constant 14 : i32
    %shift_right_arithmetic3A_183 = vector.broadcast %shift_right_arithmetic3A_182 : i32 to vector<16xi32>
    %shift_right_arithmetic3A_184 = arith.shrsi %get3A_181, %shift_right_arithmetic3A_183 : vector<16xi32>
    %shift_left3A_185 = arith.constant 12 : i32
    %shift_left3A_186 = vector.broadcast %shift_left3A_185 : i32 to vector<16xi32>
    %shift_left3A_187 = arith.shli %shift_right_arithmetic3A_184, %shift_left3A_186 : vector<16xi32>
    %and3A_188 = arith.constant 4095 : i32
    %and3A_189 = vector.broadcast %and3A_188 : i32 to vector<16xi32>
    %and3A_190 = arith.andi %get3A_181, %and3A_189 : vector<16xi32>
    %add3A_191 = arith.addi %shift_left3A_187, %and3A_190 : vector<16xi32>
    %swap3A_192 = arith.constant 1 : i32
    %swap3A_193 = arith.index_cast %swap3A_192 : i32 to index
    %swap3A_194 = arith.constant 32 : index
    %swap3A_195 = tpu.vector_load %arg6[%swap3A_193, %swap3A_194] {strides = array<i32>} : memref<4x128xi32, #tpu.memory_space<vmem>>, vector<16xi32>,
    tpu.vector_store %arg6[%swap3A_193, %swap3A_194], %add3A_191 {strides = array<i32>} : memref<4x128xi32, #tpu.memory_space<vmem>>, vector<16xi32>,
    %get3A_196 = arith.constant 1 : i32
    %get3A_197 = arith.index_cast %get3A_196 : i32 to index
    %get3A_198 = arith.constant 48 : index
    %get3A_199 = tpu.vector_load %arg5[%get3A_197, %get3A_198] {strides = array<i32>} : memref<4x128xi32, #tpu.memory_space<vmem>>, vector<16xi32>,
    %shift_right_arithmetic3A_200 = arith.constant 14 : i32
    %shift_right_arithmetic3A_201 = vector.broadcast %shift_right_arithmetic3A_200 : i32 to vector<16xi32>
    %shift_right_arithmetic3A_202 = arith.shrsi %get3A_199, %shift_right_arithmetic3A_201 : vector<16xi32>
    %shift_left3A_203 = arith.constant 12 : i32
    %shift_left3A_204 = vector.broadcast %shift_left3A_203 : i32 to vector<16xi32>
    %shift_left3A_205 = arith.shli %shift_right_arithmetic3A_202, %shift_left3A_204 : vector<16xi32>
    %and3A_206 = arith.constant 4095 : i32
    %and3A_207 = vector.broadcast %and3A_206 : i32 to vector<16xi32>
    %and3A_208 = arith.andi %get3A_199, %and3A_207 : vector<16xi32>
    %add3A_209 = arith.addi %shift_left3A_205, %and3A_208 : vector<16xi32>
    %swap3A_210 = arith.constant 1 : i32
    %swap3A_211 = arith.index_cast %swap3A_210 : i32 to index
    %swap3A_212 = arith.constant 48 : index
    %swap3A_213 = tpu.vector_load %arg6[%swap3A_211, %swap3A_212] {strides = array<i32>} : memref<4x128xi32, #tpu.memory_space<vmem>>, vector<16xi32>,
    tpu.vector_store %arg6[%swap3A_211, %swap3A_212], %add3A_209 {strides = array<i32>} : memref<4x128xi32, #tpu.memory_space<vmem>>, vector<16xi32>,
    %get3A_214 = arith.constant 1 : i32
    %get3A_215 = arith.index_cast %get3A_214 : i32 to index
    %get3A_216 = arith.constant 64 : index
    %get3A_217 = tpu.vector_load %arg5[%get3A_215, %get3A_216] {strides = array<i32>} : memref<4x128xi32, #tpu.memory_space<vmem>>, vector<16xi32>,
    %shift_right_arithmetic3A_218 = arith.constant 14 : i32
    %shift_right_arithmetic3A_219 = vector.broadcast %shift_right_arithmetic3A_218 : i32 to vector<16xi32>
    %shift_right_arithmetic3A_220 = arith.shrsi %get3A_217, %shift_right_arithmetic3A_219 : vector<16xi32>
    %shift_left3A_221 = arith.constant 12 : i32
    %shift_left3A_222 = vector.broadcast %shift_left3A_221 : i32 to vector<16xi32>
    %shift_left3A_223 = arith.shli %shift_right_arithmetic3A_220, %shift_left3A_222 : vector<16xi32>
    %and3A_224 = arith.constant 4095 : i32
    %and3A_225 = vector.broadcast %and3A_224 : i32 to vector<16xi32>
    %and3A_226 = arith.andi %get3A_217, %and3A_225 : vector<16xi32>
    %add3A_227 = arith.addi %shift_left3A_223, %and3A_226 : vector<16xi32>
    %swap3A_228 = arith.constant 1 : i32
    %swap3A_229 = arith.index_cast %swap3A_228 : i32 to index
    %swap3A_230 = arith.constant 64 : index
    %swap3A_231 = tpu.vector_load %arg6[%swap3A_229, %swap3A_230] {strides = array<i32>} : memref<4x128xi32, #tpu.memory_space<vmem>>, vector<16xi32>,
    tpu.vector_store %arg6[%swap3A_229, %swap3A_230], %add3A_227 {strides = array<i32>} : memref<4x128xi32, #tpu.memory_space<vmem>>, vector<16xi32>,
    %get3A_232 = arith.constant 1 : i32
    %get3A_233 = arith.index_cast %get3A_232 : i32 to index
    %get3A_234 = arith.constant 80 : index
    %get3A_235 = tpu.vector_load %arg5[%get3A_233, %get3A_234] {strides = array<i32>} : memref<4x128xi32, #tpu.memory_space<vmem>>, vector<16xi32>,
    %shift_right_arithmetic3A_236 = arith.constant 14 : i32
    %shift_right_arithmetic3A_237 = vector.broadcast %shift_right_arithmetic3A_236 : i32 to vector<16xi32>
    %shift_right_arithmetic3A_238 = arith.shrsi %get3A_235, %shift_right_arithmetic3A_237 : vector<16xi32>
    %shift_left3A_239 = arith.constant 12 : i32
    %shift_left3A_240 = vector.broadcast %shift_left3A_239 : i32 to vector<16xi32>
    %shift_left3A_241 = arith.shli %shift_right_arithmetic3A_238, %shift_left3A_240 : vector<16xi32>
    %and3A_242 = arith.constant 4095 : i32
    %and3A_243 = vector.broadcast %and3A_242 : i32 to vector<16xi32>
    %and3A_244 = arith.andi %get3A_235, %and3A_243 : vector<16xi32>
    %add3A_245 = arith.addi %shift_left3A_241, %and3A_244 : vector<16xi32>
    %swap3A_246 = arith.constant 1 : i32
    %swap3A_247 = arith.index_cast %swap3A_246 : i32 to index
    %swap3A_248 = arith.constant 80 : index
    %swap3A_249 = tpu.vector_load %arg6[%swap3A_247, %swap3A_248] {strides = array<i32>} : memref<4x128xi32, #tpu.memory_space<vmem>>, vector<16xi32>,
    tpu.vector_store %arg6[%swap3A_247, %swap3A_248], %add3A_245 {strides = array<i32>} : memref<4x128xi32, #tpu.memory_space<vmem>>, vector<16xi32>,
    %get3A_250 = arith.constant 1 : i32
    %get3A_251 = arith.index_cast %get3A_250 : i32 to index
    %get3A_252 = arith.constant 96 : index
    %get3A_253 = tpu.vector_load %arg5[%get3A_251, %get3A_252] {strides = array<i32>} : memref<4x128xi32, #tpu.memory_space<vmem>>, vector<16xi32>,
    %shift_right_arithmetic3A_254 = arith.constant 14 : i32
    %shift_right_arithmetic3A_255 = vector.broadcast %shift_right_arithmetic3A_254 : i32 to vector<16xi32>
    %shift_right_arithmetic3A_256 = arith.shrsi %get3A_253, %shift_right_arithmetic3A_255 : vector<16xi32>
    %shift_left3A_257 = arith.constant 12 : i32
    %shift_left3A_258 = vector.broadcast %shift_left3A_257 : i32 to vector<16xi32>
    %shift_left3A_259 = arith.shli %shift_right_arithmetic3A_256, %shift_left3A_258 : vector<16xi32>
    %and3A_260 = arith.constant 4095 : i32
    %and3A_261 = vector.broadcast %and3A_260 : i32 to vector<16xi32>
    %and3A_262 = arith.andi %get3A_253, %and3A_261 : vector<16xi32>
    %add3A_263 = arith.addi %shift_left3A_259, %and3A_262 : vector<16xi32>
    %swap3A_264 = arith.constant 1 : i32
    %swap3A_265 = arith.index_cast %swap3A_264 : i32 to index
    %swap3A_266 = arith.constant 96 : index
    %swap3A_267 = tpu.vector_load %arg6[%swap3A_265, %swap3A_266] {strides = array<i32>} : memref<4x128xi32, #tpu.memory_space<vmem>>, vector<16xi32>,
    tpu.vector_store %arg6[%swap3A_265, %swap3A_266], %add3A_263 {strides = array<i32>} : memref<4x128xi32, #tpu.memory_space<vmem>>, vector<16xi32>,
    %get3A_268 = arith.constant 1 : i32
    %get3A_269 = arith.index_cast %get3A_268 : i32 to index
    %get3A_270 = arith.constant 112 : index
    %get3A_271 = tpu.vector_load %arg5[%get3A_269, %get3A_270] {strides = array<i32>} : memref<4x128xi32, #tpu.memory_space<vmem>>, vector<16xi32>,
    %shift_right_arithmetic3A_272 = arith.constant 14 : i32
    %shift_right_arithmetic3A_273 = vector.broadcast %shift_right_arithmetic3A_272 : i32 to vector<16xi32>
    %shift_right_arithmetic3A_274 = arith.shrsi %get3A_271, %shift_right_arithmetic3A_273 : vector<16xi32>
    %shift_left3A_275 = arith.constant 12 : i32
    %shift_left3A_276 = vector.broadcast %shift_left3A_275 : i32 to vector<16xi32>
    %shift_left3A_277 = arith.shli %shift_right_arithmetic3A_274, %shift_left3A_276 : vector<16xi32>
    %and3A_278 = arith.constant 4095 : i32
    %and3A_279 = vector.broadcast %and3A_278 : i32 to vector<16xi32>
    %and3A_280 = arith.andi %get3A_271, %and3A_279 : vector<16xi32>
    %add3A_281 = arith.addi %shift_left3A_277, %and3A_280 : vector<16xi32>
    %swap3A_282 = arith.constant 1 : i32
    %swap3A_283 = arith.index_cast %swap3A_282 : i32 to index
    %swap3A_284 = arith.constant 112 : index
    %swap3A_285 = tpu.vector_load %arg6[%swap3A_283, %swap3A_284] {strides = array<i32>} : memref<4x128xi32, #tpu.memory_space<vmem>>, vector<16xi32>,
    tpu.vector_store %arg6[%swap3A_283, %swap3A_284], %add3A_281 {strides = array<i32>} : memref<4x128xi32, #tpu.memory_space<vmem>>, vector<16xi32>,
    %get3A_286 = arith.constant 2 : i32
    %get3A_287 = arith.index_cast %get3A_286 : i32 to index
    %get3A_288 = arith.constant 0 : index
    %get3A_289 = tpu.vector_load %arg5[%get3A_287, %get3A_288] {strides = array<i32>} : memref<4x128xi32, #tpu.memory_space<vmem>>, vector<16xi32>,
    %shift_right_arithmetic3A_290 = arith.constant 14 : i32
    %shift_right_arithmetic3A_291 = vector.broadcast %shift_right_arithmetic3A_290 : i32 to vector<16xi32>
    %shift_right_arithmetic3A_292 = arith.shrsi %get3A_289, %shift_right_arithmetic3A_291 : vector<16xi32>
    %shift_left3A_293 = arith.constant 12 : i32
    %shift_left3A_294 = vector.broadcast %shift_left3A_293 : i32 to vector<16xi32>
    %shift_left3A_295 = arith.shli %shift_right_arithmetic3A_292, %shift_left3A_294 : vector<16xi32>
    %and3A_296 = arith.constant 4095 : i32
    %and3A_297 = vector.broadcast %and3A_296 : i32 to vector<16xi32>
    %and3A_298 = arith.andi %get3A_289, %and3A_297 : vector<16xi32>
    %add3A_299 = arith.addi %shift_left3A_295, %and3A_298 : vector<16xi32>
    %swap3A_300 = arith.constant 2 : i32
    %swap3A_301 = arith.index_cast %swap3A_300 : i32 to index
    %swap3A_302 = arith.constant 0 : index
    %swap3A_303 = tpu.vector_load %arg6[%swap3A_301, %swap3A_302] {strides = array<i32>} : memref<4x128xi32, #tpu.memory_space<vmem>>, vector<16xi32>,
    tpu.vector_store %arg6[%swap3A_301, %swap3A_302], %add3A_299 {strides = array<i32>} : memref<4x128xi32, #tpu.memory_space<vmem>>, vector<16xi32>,
    %get3A_304 = arith.constant 2 : i32
    %get3A_305 = arith.index_cast %get3A_304 : i32 to index
    %get3A_306 = arith.constant 16 : index
    %get3A_307 = tpu.vector_load %arg5[%get3A_305, %get3A_306] {strides = array<i32>} : memref<4x128xi32, #tpu.memory_space<vmem>>, vector<16xi32>,
    %shift_right_arithmetic3A_308 = arith.constant 14 : i32
    %shift_right_arithmetic3A_309 = vector.broadcast %shift_right_arithmetic3A_308 : i32 to vector<16xi32>
    %shift_right_arithmetic3A_310 = arith.shrsi %get3A_307, %shift_right_arithmetic3A_309 : vector<16xi32>
    %shift_left3A_311 = arith.constant 12 : i32
    %shift_left3A_312 = vector.broadcast %shift_left3A_311 : i32 to vector<16xi32>
    %shift_left3A_313 = arith.shli %shift_right_arithmetic3A_310, %shift_left3A_312 : vector<16xi32>
    %and3A_314 = arith.constant 4095 : i32
    %and3A_315 = vector.broadcast %and3A_314 : i32 to vector<16xi32>
    %and3A_316 = arith.andi %get3A_307, %and3A_315 : vector<16xi32>
    %add3A_317 = arith.addi %shift_left3A_313, %and3A_316 : vector<16xi32>
    %swap3A_318 = arith.constant 2 : i32
    %swap3A_319 = arith.index_cast %swap3A_318 : i32 to index
    %swap3A_320 = arith.constant 16 : index
    %swap3A_321 = tpu.vector_load %arg6[%swap3A_319, %swap3A_320] {strides = array<i32>} : memref<4x128xi32, #tpu.memory_space<vmem>>, vector<16xi32>,
    tpu.vector_store %arg6[%swap3A_319, %swap3A_320], %add3A_317 {strides = array<i32>} : memref<4x128xi32, #tpu.memory_space<vmem>>, vector<16xi32>,
    %get3A_322 = arith.constant 2 : i32
    %get3A_323 = arith.index_cast %get3A_322 : i32 to index
    %get3A_324 = arith.constant 32 : index
    %get3A_325 = tpu.vector_load %arg5[%get3A_323, %get3A_324] {strides = array<i32>} : memref<4x128xi32, #tpu.memory_space<vmem>>, vector<16xi32>,
    %shift_right_arithmetic3A_326 = arith.constant 14 : i32
    %shift_right_arithmetic3A_327 = vector.broadcast %shift_right_arithmetic3A_326 : i32 to vector<16xi32>
    %shift_right_arithmetic3A_328 = arith.shrsi %get3A_325, %shift_right_arithmetic3A_327 : vector<16xi32>
    %shift_left3A_329 = arith.constant 12 : i32
    %shift_left3A_330 = vector.broadcast %shift_left3A_329 : i32 to vector<16xi32>
    %shift_left3A_331 = arith.shli %shift_right_arithmetic3A_328, %shift_left3A_330 : vector<16xi32>
    %and3A_332 = arith.constant 4095 : i32
    %and3A_333 = vector.broadcast %and3A_332 : i32 to vector<16xi32>
    %and3A_334 = arith.andi %get3A_325, %and3A_333 : vector<16xi32>
    %add3A_335 = arith.addi %shift_left3A_331, %and3A_334 : vector<16xi32>
    %swap3A_336 = arith.constant 2 : i32
    %swap3A_337 = arith.index_cast %swap3A_336 : i32 to index
    %swap3A_338 = arith.constant 32 : index
    %swap3A_339 = tpu.vector_load %arg6[%swap3A_337, %swap3A_338] {strides = array<i32>} : memref<4x128xi32, #tpu.memory_space<vmem>>, vector<16xi32>,
    tpu.vector_store %arg6[%swap3A_337, %swap3A_338], %add3A_335 {strides = array<i32>} : memref<4x128xi32, #tpu.memory_space<vmem>>, vector<16xi32>,
    %get3A_340 = arith.constant 2 : i32
    %get3A_341 = arith.index_cast %get3A_340 : i32 to index
    %get3A_342 = arith.constant 48 : index
    %get3A_343 = tpu.vector_load %arg5[%get3A_341, %get3A_342] {strides = array<i32>} : memref<4x128xi32, #tpu.memory_space<vmem>>, vector<16xi32>,
    %shift_right_arithmetic3A_344 = arith.constant 14 : i32
    %shift_right_arithmetic3A_345 = vector.broadcast %shift_right_arithmetic3A_344 : i32 to vector<16xi32>
    %shift_right_arithmetic3A_346 = arith.shrsi %get3A_343, %shift_right_arithmetic3A_345 : vector<16xi32>
    %shift_left3A_347 = arith.constant 12 : i32
    %shift_left3A_348 = vector.broadcast %shift_left3A_347 : i32 to vector<16xi32>
    %shift_left3A_349 = arith.shli %shift_right_arithmetic3A_346, %shift_left3A_348 : vector<16xi32>
    %and3A_350 = arith.constant 4095 : i32
    %and3A_351 = vector.broadcast %and3A_350 : i32 to vector<16xi32>
    %and3A_352 = arith.andi %get3A_343, %and3A_351 : vector<16xi32>
    %add3A_353 = arith.addi %shift_left3A_349, %and3A_352 : vector<16xi32>
    %swap3A_354 = arith.constant 2 : i32
    %swap3A_355 = arith.index_cast %swap3A_354 : i32 to index
    %swap3A_356 = arith.constant 48 : index
    %swap3A_357 = tpu.vector_load %arg6[%swap3A_355, %swap3A_356] {strides = array<i32>} : memref<4x128xi32, #tpu.memory_space<vmem>>, vector<16xi32>,
    tpu.vector_store %arg6[%swap3A_355, %swap3A_356], %add3A_353 {strides = array<i32>} : memref<4x128xi32, #tpu.memory_space<vmem>>, vector<16xi32>,
    %get3A_358 = arith.constant 2 : i32
    %get3A_359 = arith.index_cast %get3A_358 : i32 to index
    %get3A_360 = arith.constant 64 : index
    %get3A_361 = tpu.vector_load %arg5[%get3A_359, %get3A_360] {strides = array<i32>} : memref<4x128xi32, #tpu.memory_space<vmem>>, vector<16xi32>,
    %shift_right_arithmetic3A_362 = arith.constant 14 : i32
    %shift_right_arithmetic3A_363 = vector.broadcast %shift_right_arithmetic3A_362 : i32 to vector<16xi32>
    %shift_right_arithmetic3A_364 = arith.shrsi %get3A_361, %shift_right_arithmetic3A_363 : vector<16xi32>
    %shift_left3A_365 = arith.constant 12 : i32
    %shift_left3A_366 = vector.broadcast %shift_left3A_365 : i32 to vector<16xi32>
    %shift_left3A_367 = arith.shli %shift_right_arithmetic3A_364, %shift_left3A_366 : vector<16xi32>
    %and3A_368 = arith.constant 4095 : i32
    %and3A_369 = vector.broadcast %and3A_368 : i32 to vector<16xi32>
    %and3A_370 = arith.andi %get3A_361, %and3A_369 : vector<16xi32>
    %add3A_371 = arith.addi %shift_left3A_367, %and3A_370 : vector<16xi32>
    %swap3A_372 = arith.constant 2 : i32
    %swap3A_373 = arith.index_cast %swap3A_372 : i32 to index
    %swap3A_374 = arith.constant 64 : index
    %swap3A_375 = tpu.vector_load %arg6[%swap3A_373, %swap3A_374] {strides = array<i32>} : memref<4x128xi32, #tpu.memory_space<vmem>>, vector<16xi32>,
    tpu.vector_store %arg6[%swap3A_373, %swap3A_374], %add3A_371 {strides = array<i32>} : memref<4x128xi32, #tpu.memory_space<vmem>>, vector<16xi32>,
    %get3A_376 = arith.constant 2 : i32
    %get3A_377 = arith.index_cast %get3A_376 : i32 to index
    %get3A_378 = arith.constant 80 : index
    %get3A_379 = tpu.vector_load %arg5[%get3A_377, %get3A_378] {strides = array<i32>} : memref<4x128xi32, #tpu.memory_space<vmem>>, vector<16xi32>,
    %shift_right_arithmetic3A_380 = arith.constant 14 : i32
    %shift_right_arithmetic3A_381 = vector.broadcast %shift_right_arithmetic3A_380 : i32 to vector<16xi32>
    %shift_right_arithmetic3A_382 = arith.shrsi %get3A_379, %shift_right_arithmetic3A_381 : vector<16xi32>
    %shift_left3A_383 = arith.constant 12 : i32
    %shift_left3A_384 = vector.broadcast %shift_left3A_383 : i32 to vector<16xi32>
    %shift_left3A_385 = arith.shli %shift_right_arithmetic3A_382, %shift_left3A_384 : vector<16xi32>
    %and3A_386 = arith.constant 4095 : i32
    %and3A_387 = vector.broadcast %and3A_386 : i32 to vector<16xi32>
    %and3A_388 = arith.andi %get3A_379, %and3A_387 : vector<16xi32>
    %add3A_389 = arith.addi %shift_left3A_385, %and3A_388 : vector<16xi32>
    %swap3A_390 = arith.constant 2 : i32
    %swap3A_391 = arith.index_cast %swap3A_390 : i32 to index
    %swap3A_392 = arith.constant 80 : index
    %swap3A_393 = tpu.vector_load %arg6[%swap3A_391, %swap3A_392] {strides = array<i32>} : memref<4x128xi32, #tpu.memory_space<vmem>>, vector<16xi32>,
    tpu.vector_store %arg6[%swap3A_391, %swap3A_392], %add3A_389 {strides = array<i32>} : memref<4x128xi32, #tpu.memory_space<vmem>>, vector<16xi32>,
    %get3A_394 = arith.constant 2 : i32
    %get3A_395 = arith.index_cast %get3A_394 : i32 to index
    %get3A_396 = arith.constant 96 : index
    %get3A_397 = tpu.vector_load %arg5[%get3A_395, %get3A_396] {strides = array<i32>} : memref<4x128xi32, #tpu.memory_space<vmem>>, vector<16xi32>,
    %shift_right_arithmetic3A_398 = arith.constant 14 : i32
    %shift_right_arithmetic3A_399 = vector.broadcast %shift_right_arithmetic3A_398 : i32 to vector<16xi32>
    %shift_right_arithmetic3A_400 = arith.shrsi %get3A_397, %shift_right_arithmetic3A_399 : vector<16xi32>
    %shift_left3A_401 = arith.constant 12 : i32
    %shift_left3A_402 = vector.broadcast %shift_left3A_401 : i32 to vector<16xi32>
    %shift_left3A_403 = arith.shli %shift_right_arithmetic3A_400, %shift_left3A_402 : vector<16xi32>
    %and3A_404 = arith.constant 4095 : i32
    %and3A_405 = vector.broadcast %and3A_404 : i32 to vector<16xi32>
    %and3A_406 = arith.andi %get3A_397, %and3A_405 : vector<16xi32>
    %add3A_407 = arith.addi %shift_left3A_403, %and3A_406 : vector<16xi32>
    %swap3A_408 = arith.constant 2 : i32
    %swap3A_409 = arith.index_cast %swap3A_408 : i32 to index
    %swap3A_410 = arith.constant 96 : index
    %swap3A_411 = tpu.vector_load %arg6[%swap3A_409, %swap3A_410] {strides = array<i32>} : memref<4x128xi32, #tpu.memory_space<vmem>>, vector<16xi32>,
    tpu.vector_store %arg6[%swap3A_409, %swap3A_410], %add3A_407 {strides = array<i32>} : memref<4x128xi32, #tpu.memory_space<vmem>>, vector<16xi32>,
    %get3A_412 = arith.constant 2 : i32
    %get3A_413 = arith.index_cast %get3A_412 : i32 to index
    %get3A_414 = arith.constant 112 : index
    %get3A_415 = tpu.vector_load %arg5[%get3A_413, %get3A_414] {strides = array<i32>} : memref<4x128xi32, #tpu.memory_space<vmem>>, vector<16xi32>,
    %shift_right_arithmetic3A_416 = arith.constant 14 : i32
    %shift_right_arithmetic3A_417 = vector.broadcast %shift_right_arithmetic3A_416 : i32 to vector<16xi32>
    %shift_right_arithmetic3A_418 = arith.shrsi %get3A_415, %shift_right_arithmetic3A_417 : vector<16xi32>
    %shift_left3A_419 = arith.constant 12 : i32
    %shift_left3A_420 = vector.broadcast %shift_left3A_419 : i32 to vector<16xi32>
    %shift_left3A_421 = arith.shli %shift_right_arithmetic3A_418, %shift_left3A_420 : vector<16xi32>
    %and3A_422 = arith.constant 4095 : i32
    %and3A_423 = vector.broadcast %and3A_422 : i32 to vector<16xi32>
    %and3A_424 = arith.andi %get3A_415, %and3A_423 : vector<16xi32>
    %add3A_425 = arith.addi %shift_left3A_421, %and3A_424 : vector<16xi32>
    %swap3A_426 = arith.constant 2 : i32
    %swap3A_427 = arith.index_cast %swap3A_426 : i32 to index
    %swap3A_428 = arith.constant 112 : index
    %swap3A_429 = tpu.vector_load %arg6[%swap3A_427, %swap3A_428] {strides = array<i32>} : memref<4x128xi32, #tpu.memory_space<vmem>>, vector<16xi32>,
    tpu.vector_store %arg6[%swap3A_427, %swap3A_428], %add3A_425 {strides = array<i32>} : memref<4x128xi32, #tpu.memory_space<vmem>>, vector<16xi32>,
    %get3A_430 = arith.constant 3 : i32
    %get3A_431 = arith.index_cast %get3A_430 : i32 to index
    %get3A_432 = arith.constant 0 : index
    %get3A_433 = tpu.vector_load %arg5[%get3A_431, %get3A_432] {strides = array<i32>} : memref<4x128xi32, #tpu.memory_space<vmem>>, vector<16xi32>,
    %shift_right_arithmetic3A_434 = arith.constant 14 : i32
    %shift_right_arithmetic3A_435 = vector.broadcast %shift_right_arithmetic3A_434 : i32 to vector<16xi32>
    %shift_right_arithmetic3A_436 = arith.shrsi %get3A_433, %shift_right_arithmetic3A_435 : vector<16xi32>
    %shift_left3A_437 = arith.constant 12 : i32
    %shift_left3A_438 = vector.broadcast %shift_left3A_437 : i32 to vector<16xi32>
    %shift_left3A_439 = arith.shli %shift_right_arithmetic3A_436, %shift_left3A_438 : vector<16xi32>
    %and3A_440 = arith.constant 4095 : i32
    %and3A_441 = vector.broadcast %and3A_440 : i32 to vector<16xi32>
    %and3A_442 = arith.andi %get3A_433, %and3A_441 : vector<16xi32>
    %add3A_443 = arith.addi %shift_left3A_439, %and3A_442 : vector<16xi32>
    %swap3A_444 = arith.constant 3 : i32
    %swap3A_445 = arith.index_cast %swap3A_444 : i32 to index
    %swap3A_446 = arith.constant 0 : index
    %swap3A_447 = tpu.vector_load %arg6[%swap3A_445, %swap3A_446] {strides = array<i32>} : memref<4x128xi32, #tpu.memory_space<vmem>>, vector<16xi32>,
    tpu.vector_store %arg6[%swap3A_445, %swap3A_446], %add3A_443 {strides = array<i32>} : memref<4x128xi32, #tpu.memory_space<vmem>>, vector<16xi32>,
    %get3A_448 = arith.constant 3 : i32
    %get3A_449 = arith.index_cast %get3A_448 : i32 to index
    %get3A_450 = arith.constant 16 : index
    %get3A_451 = tpu.vector_load %arg5[%get3A_449, %get3A_450] {strides = array<i32>} : memref<4x128xi32, #tpu.memory_space<vmem>>, vector<16xi32>,
    %shift_right_arithmetic3A_452 = arith.constant 14 : i32
    %shift_right_arithmetic3A_453 = vector.broadcast %shift_right_arithmetic3A_452 : i32 to vector<16xi32>
    %shift_right_arithmetic3A_454 = arith.shrsi %get3A_451, %shift_right_arithmetic3A_453 : vector<16xi32>
    %shift_left3A_455 = arith.constant 12 : i32
    %shift_left3A_456 = vector.broadcast %shift_left3A_455 : i32 to vector<16xi32>
    %shift_left3A_457 = arith.shli %shift_right_arithmetic3A_454, %shift_left3A_456 : vector<16xi32>
    %and3A_458 = arith.constant 4095 : i32
    %and3A_459 = vector.broadcast %and3A_458 : i32 to vector<16xi32>
    %and3A_460 = arith.andi %get3A_451, %and3A_459 : vector<16xi32>
    %add3A_461 = arith.addi %shift_left3A_457, %and3A_460 : vector<16xi32>
    %swap3A_462 = arith.constant 3 : i32
    %swap3A_463 = arith.index_cast %swap3A_462 : i32 to index
    %swap3A_464 = arith.constant 16 : index
    %swap3A_465 = tpu.vector_load %arg6[%swap3A_463, %swap3A_464] {strides = array<i32>} : memref<4x128xi32, #tpu.memory_space<vmem>>, vector<16xi32>,
    tpu.vector_store %arg6[%swap3A_463, %swap3A_464], %add3A_461 {strides = array<i32>} : memref<4x128xi32, #tpu.memory_space<vmem>>, vector<16xi32>,
    %get3A_466 = arith.constant 3 : i32
    %get3A_467 = arith.index_cast %get3A_466 : i32 to index
    %get3A_468 = arith.constant 32 : index
    %get3A_469 = tpu.vector_load %arg5[%get3A_467, %get3A_468] {strides = array<i32>} : memref<4x128xi32, #tpu.memory_space<vmem>>, vector<16xi32>,
    %shift_right_arithmetic3A_470 = arith.constant 14 : i32
    %shift_right_arithmetic3A_471 = vector.broadcast %shift_right_arithmetic3A_470 : i32 to vector<16xi32>
    %shift_right_arithmetic3A_472 = arith.shrsi %get3A_469, %shift_right_arithmetic3A_471 : vector<16xi32>
    %shift_left3A_473 = arith.constant 12 : i32
    %shift_left3A_474 = vector.broadcast %shift_left3A_473 : i32 to vector<16xi32>
    %shift_left3A_475 = arith.shli %shift_right_arithmetic3A_472, %shift_left3A_474 : vector<16xi32>
    %and3A_476 = arith.constant 4095 : i32
    %and3A_477 = vector.broadcast %and3A_476 : i32 to vector<16xi32>
    %and3A_478 = arith.andi %get3A_469, %and3A_477 : vector<16xi32>
    %add3A_479 = arith.addi %shift_left3A_475, %and3A_478 : vector<16xi32>
    %swap3A_480 = arith.constant 3 : i32
    %swap3A_481 = arith.index_cast %swap3A_480 : i32 to index
    %swap3A_482 = arith.constant 32 : index
    %swap3A_483 = tpu.vector_load %arg6[%swap3A_481, %swap3A_482] {strides = array<i32>} : memref<4x128xi32, #tpu.memory_space<vmem>>, vector<16xi32>,
    tpu.vector_store %arg6[%swap3A_481, %swap3A_482], %add3A_479 {strides = array<i32>} : memref<4x128xi32, #tpu.memory_space<vmem>>, vector<16xi32>,
    %get3A_484 = arith.constant 3 : i32
    %get3A_485 = arith.index_cast %get3A_484 : i32 to index
    %get3A_486 = arith.constant 48 : index
    %get3A_487 = tpu.vector_load %arg5[%get3A_485, %get3A_486] {strides = array<i32>} : memref<4x128xi32, #tpu.memory_space<vmem>>, vector<16xi32>,
    %shift_right_arithmetic3A_488 = arith.constant 14 : i32
    %shift_right_arithmetic3A_489 = vector.broadcast %shift_right_arithmetic3A_488 : i32 to vector<16xi32>
    %shift_right_arithmetic3A_490 = arith.shrsi %get3A_487, %shift_right_arithmetic3A_489 : vector<16xi32>
    %shift_left3A_491 = arith.constant 12 : i32
    %shift_left3A_492 = vector.broadcast %shift_left3A_491 : i32 to vector<16xi32>
    %shift_left3A_493 = arith.shli %shift_right_arithmetic3A_490, %shift_left3A_492 : vector<16xi32>
    %and3A_494 = arith.constant 4095 : i32
    %and3A_495 = vector.broadcast %and3A_494 : i32 to vector<16xi32>
    %and3A_496 = arith.andi %get3A_487, %and3A_495 : vector<16xi32>
    %add3A_497 = arith.addi %shift_left3A_493, %and3A_496 : vector<16xi32>
    %swap3A_498 = arith.constant 3 : i32
    %swap3A_499 = arith.index_cast %swap3A_498 : i32 to index
    %swap3A_500 = arith.constant 48 : index
    %swap3A_501 = tpu.vector_load %arg6[%swap3A_499, %swap3A_500] {strides = array<i32>} : memref<4x128xi32, #tpu.memory_space<vmem>>, vector<16xi32>,
    tpu.vector_store %arg6[%swap3A_499, %swap3A_500], %add3A_497 {strides = array<i32>} : memref<4x128xi32, #tpu.memory_space<vmem>>, vector<16xi32>,
    %get3A_502 = arith.constant 3 : i32
    %get3A_503 = arith.index_cast %get3A_502 : i32 to index
    %get3A_504 = arith.constant 64 : index
    %get3A_505 = tpu.vector_load %arg5[%get3A_503, %get3A_504] {strides = array<i32>} : memref<4x128xi32, #tpu.memory_space<vmem>>, vector<16xi32>,
    %shift_right_arithmetic3A_506 = arith.constant 14 : i32
    %shift_right_arithmetic3A_507 = vector.broadcast %shift_right_arithmetic3A_506 : i32 to vector<16xi32>
    %shift_right_arithmetic3A_508 = arith.shrsi %get3A_505, %shift_right_arithmetic3A_507 : vector<16xi32>
    %shift_left3A_509 = arith.constant 12 : i32
    %shift_left3A_510 = vector.broadcast %shift_left3A_509 : i32 to vector<16xi32>
    %shift_left3A_511 = arith.shli %shift_right_arithmetic3A_508, %shift_left3A_510 : vector<16xi32>
    %and3A_512 = arith.constant 4095 : i32
    %and3A_513 = vector.broadcast %and3A_512 : i32 to vector<16xi32>
    %and3A_514 = arith.andi %get3A_505, %and3A_513 : vector<16xi32>
    %add3A_515 = arith.addi %shift_left3A_511, %and3A_514 : vector<16xi32>
    %swap3A_516 = arith.constant 3 : i32
    %swap3A_517 = arith.index_cast %swap3A_516 : i32 to index
    %swap3A_518 = arith.constant 64 : index
    %swap3A_519 = tpu.vector_load %arg6[%swap3A_517, %swap3A_518] {strides = array<i32>} : memref<4x128xi32, #tpu.memory_space<vmem>>, vector<16xi32>,
    tpu.vector_store %arg6[%swap3A_517, %swap3A_518], %add3A_515 {strides = array<i32>} : memref<4x128xi32, #tpu.memory_space<vmem>>, vector<16xi32>,
    %get3A_520 = arith.constant 3 : i32
    %get3A_521 = arith.index_cast %get3A_520 : i32 to index
    %get3A_522 = arith.constant 80 : index
    %get3A_523 = tpu.vector_load %arg5[%get3A_521, %get3A_522] {strides = array<i32>} : memref<4x128xi32, #tpu.memory_space<vmem>>, vector<16xi32>,
    %shift_right_arithmetic3A_524 = arith.constant 14 : i32
    %shift_right_arithmetic3A_525 = vector.broadcast %shift_right_arithmetic3A_524 : i32 to vector<16xi32>
    %shift_right_arithmetic3A_526 = arith.shrsi %get3A_523, %shift_right_arithmetic3A_525 : vector<16xi32>
    %shift_left3A_527 = arith.constant 12 : i32
    %shift_left3A_528 = vector.broadcast %shift_left3A_527 : i32 to vector<16xi32>
    %shift_left3A_529 = arith.shli %shift_right_arithmetic3A_526, %shift_left3A_528 : vector<16xi32>
    %and3A_530 = arith.constant 4095 : i32
    %and3A_531 = vector.broadcast %and3A_530 : i32 to vector<16xi32>
    %and3A_532 = arith.andi %get3A_523, %and3A_531 : vector<16xi32>
    %add3A_533 = arith.addi %shift_left3A_529, %and3A_532 : vector<16xi32>
    %swap3A_534 = arith.constant 3 : i32
    %swap3A_535 = arith.index_cast %swap3A_534 : i32 to index
    %swap3A_536 = arith.constant 80 : index
    %swap3A_537 = tpu.vector_load %arg6[%swap3A_535, %swap3A_536] {strides = array<i32>} : memref<4x128xi32, #tpu.memory_space<vmem>>, vector<16xi32>,
    tpu.vector_store %arg6[%swap3A_535, %swap3A_536], %add3A_533 {strides = array<i32>} : memref<4x128xi32, #tpu.memory_space<vmem>>, vector<16xi32>,
    %get3A_538 = arith.constant 3 : i32
    %get3A_539 = arith.index_cast %get3A_538 : i32 to index
    %get3A_540 = arith.constant 96 : index
    %get3A_541 = tpu.vector_load %arg5[%get3A_539, %get3A_540] {strides = array<i32>} : memref<4x128xi32, #tpu.memory_space<vmem>>, vector<16xi32>,
    %shift_right_arithmetic3A_542 = arith.constant 14 : i32
    %shift_right_arithmetic3A_543 = vector.broadcast %shift_right_arithmetic3A_542 : i32 to vector<16xi32>
    %shift_right_arithmetic3A_544 = arith.shrsi %get3A_541, %shift_right_arithmetic3A_543 : vector<16xi32>
    %shift_left3A_545 = arith.constant 12 : i32
    %shift_left3A_546 = vector.broadcast %shift_left3A_545 : i32 to vector<16xi32>
    %shift_left3A_547 = arith.shli %shift_right_arithmetic3A_544, %shift_left3A_546 : vector<16xi32>
    %and3A_548 = arith.constant 4095 : i32
    %and3A_549 = vector.broadcast %and3A_548 : i32 to vector<16xi32>
    %and3A_550 = arith.andi %get3A_541, %and3A_549 : vector<16xi32>
    %add3A_551 = arith.addi %shift_left3A_547, %and3A_550 : vector<16xi32>
    %swap3A_552 = arith.constant 3 : i32
    %swap3A_553 = arith.index_cast %swap3A_552 : i32 to index
    %swap3A_554 = arith.constant 96 : index
    %swap3A_555 = tpu.vector_load %arg6[%swap3A_553, %swap3A_554] {strides = array<i32>} : memref<4x128xi32, #tpu.memory_space<vmem>>, vector<16xi32>,
    tpu.vector_store %arg6[%swap3A_553, %swap3A_554], %add3A_551 {strides = array<i32>} : memref<4x128xi32, #tpu.memory_space<vmem>>, vector<16xi32>,
    %get3A_556 = arith.constant 3 : i32
    %get3A_557 = arith.index_cast %get3A_556 : i32 to index
    %get3A_558 = arith.constant 112 : index
    %get3A_559 = tpu.vector_load %arg5[%get3A_557, %get3A_558] {strides = array<i32>} : memref<4x128xi32, #tpu.memory_space<vmem>>, vector<16xi32>,
    %shift_right_arithmetic3A_560 = arith.constant 14 : i32
    %shift_right_arithmetic3A_561 = vector.broadcast %shift_right_arithmetic3A_560 : i32 to vector<16xi32>
    %shift_right_arithmetic3A_562 = arith.shrsi %get3A_559, %shift_right_arithmetic3A_561 : vector<16xi32>
    %shift_left3A_563 = arith.constant 12 : i32
    %shift_left3A_564 = vector.broadcast %shift_left3A_563 : i32 to vector<16xi32>
    %shift_left3A_565 = arith.shli %shift_right_arithmetic3A_562, %shift_left3A_564 : vector<16xi32>
    %and3A_566 = arith.constant 4095 : i32
    %and3A_567 = vector.broadcast %and3A_566 : i32 to vector<16xi32>
    %and3A_568 = arith.andi %get3A_559, %and3A_567 : vector<16xi32>
    %add3A_569 = arith.addi %shift_left3A_565, %and3A_568 : vector<16xi32>
    %swap3A_570 = arith.constant 3 : i32
    %swap3A_571 = arith.index_cast %swap3A_570 : i32 to index
    %swap3A_572 = arith.constant 112 : index
    %swap3A_573 = tpu.vector_load %arg6[%swap3A_571, %swap3A_572] {strides = array<i32>} : memref<4x128xi32, #tpu.memory_space<vmem>>, vector<16xi32>,
    tpu.vector_store %arg6[%swap3A_571, %swap3A_572], %add3A_569 {strides = array<i32>} : memref<4x128xi32, #tpu.memory_space<vmem>>, vector<16xi32>,
    %dma_start3A = arith.constant 0 : i32
    %dma_start3A_574 = arith.constant 0 : i32
    %dma_start3A_575 = arith.constant 0 : i32
    %dma_start3A_576 = tpu.memref_slice %arg7[%dma_start3A_574, %dma_start3A_575] : memref<512x128xi32, #tpu.memory_space<vmem>> -> memref<128x128xi32, #tpu.memory_space<vmem>>
    %dma_start3A_577 = arith.constant 0 : i32
    %dma_start3A_578 = tpu.memref_slice %arg6[%dma_start3A, %dma_start3A_577] : memref<4x128xi32, #tpu.memory_space<vmem>> -> memref<1x128xi32, #tpu.memory_space<vmem>>
    %dma_start3A_579 = tpu.memref_squeeze %dma_start3A_578 : memref<1x128xi32, #tpu.memory_space<vmem>> -> memref<128xi32, #tpu.memory_space<vmem>>
    %dma_start3A_580 = arith.constant 0 : i32
    %dma_start3A_581 = arith.constant 0 : i32
    %dma_start3A_582 = tpu.memref_slice %arg2[%dma_start3A_580, %dma_start3A_581] : memref<253952x128xi32, #tpu.memory_space<hbm>> -> memref<253952x128xi32, #tpu.memory_space<hbm>>
    tpu.enqueue_indirect_dma source(%dma_start3A_582 : memref<253952x128xi32, #tpu.memory_space<hbm>>) target(%dma_start3A_576 : memref<128x128xi32, #tpu.memory_space<vmem>>) offsets(%dma_start3A_579 : memref<128xi32, #tpu.memory_space<vmem>>) semaphore(%arg9 : memref<!tpu.dma_semaphore, #tpu.memory_space<semaphore_mem>>)
    %dma_start3A_583 = arith.constant 1 : i32
    %dma_start3A_584 = arith.constant 128 : i32
    %dma_start3A_585 = arith.constant 0 : i32
    %dma_start3A_586 = tpu.memref_slice %arg7[%dma_start3A_584, %dma_start3A_585] : memref<512x128xi32, #tpu.memory_space<vmem>> -> memref<128x128xi32, #tpu.memory_space<vmem>>
    %dma_start3A_587 = arith.constant 0 : i32
    %dma_start3A_588 = tpu.memref_slice %arg6[%dma_start3A_583, %dma_start3A_587] : memref<4x128xi32, #tpu.memory_space<vmem>> -> memref<1x128xi32, #tpu.memory_space<vmem>>
    %dma_start3A_589 = tpu.memref_squeeze %dma_start3A_588 : memref<1x128xi32, #tpu.memory_space<vmem>> -> memref<128xi32, #tpu.memory_space<vmem>>
    %dma_start3A_590 = arith.constant 0 : i32
    %dma_start3A_591 = arith.constant 0 : i32
    %dma_start3A_592 = tpu.memref_slice %arg2[%dma_start3A_590, %dma_start3A_591] : memref<253952x128xi32, #tpu.memory_space<hbm>> -> memref<253952x128xi32, #tpu.memory_space<hbm>>
    tpu.enqueue_indirect_dma source(%dma_start3A_592 : memref<253952x128xi32, #tpu.memory_space<hbm>>) target(%dma_start3A_586 : memref<128x128xi32, #tpu.memory_space<vmem>>) offsets(%dma_start3A_589 : memref<128xi32, #tpu.memory_space<vmem>>) semaphore(%arg9 : memref<!tpu.dma_semaphore, #tpu.memory_space<semaphore_mem>>)
    %dma_start3A_593 = arith.constant 2 : i32
    %dma_start3A_594 = arith.constant 256 : i32
    %dma_start3A_595 = arith.constant 0 : i32
    %dma_start3A_596 = tpu.memref_slice %arg7[%dma_start3A_594, %dma_start3A_595] : memref<512x128xi32, #tpu.memory_space<vmem>> -> memref<128x128xi32, #tpu.memory_space<vmem>>
    %dma_start3A_597 = arith.constant 0 : i32
    %dma_start3A_598 = tpu.memref_slice %arg6[%dma_start3A_593, %dma_start3A_597] : memref<4x128xi32, #tpu.memory_space<vmem>> -> memref<1x128xi32, #tpu.memory_space<vmem>>
    %dma_start3A_599 = tpu.memref_squeeze %dma_start3A_598 : memref<1x128xi32, #tpu.memory_space<vmem>> -> memref<128xi32, #tpu.memory_space<vmem>>
    %dma_start3A_600 = arith.constant 0 : i32
    %dma_start3A_601 = arith.constant 0 : i32
    %dma_start3A_602 = tpu.memref_slice %arg2[%dma_start3A_600, %dma_start3A_601] : memref<253952x128xi32, #tpu.memory_space<hbm>> -> memref<253952x128xi32, #tpu.memory_space<hbm>>
    tpu.enqueue_indirect_dma source(%dma_start3A_602 : memref<253952x128xi32, #tpu.memory_space<hbm>>) target(%dma_start3A_596 : memref<128x128xi32, #tpu.memory_space<vmem>>) offsets(%dma_start3A_599 : memref<128xi32, #tpu.memory_space<vmem>>) semaphore(%arg9 : memref<!tpu.dma_semaphore, #tpu.memory_space<semaphore_mem>>)
    %dma_start3A_603 = arith.constant 3 : i32
    %dma_start3A_604 = arith.constant 384 : i32
    %dma_start3A_605 = arith.constant 0 : i32
    %dma_start3A_606 = tpu.memref_slice %arg7[%dma_start3A_604, %dma_start3A_605] : memref<512x128xi32, #tpu.memory_space<vmem>> -> memref<128x128xi32, #tpu.memory_space<vmem>>
    %dma_start3A_607 = arith.constant 0 : i32
    %dma_start3A_608 = tpu.memref_slice %arg6[%dma_start3A_603, %dma_start3A_607] : memref<4x128xi32, #tpu.memory_space<vmem>> -> memref<1x128xi32, #tpu.memory_space<vmem>>
    %dma_start3A_609 = tpu.memref_squeeze %dma_start3A_608 : memref<1x128xi32, #tpu.memory_space<vmem>> -> memref<128xi32, #tpu.memory_space<vmem>>
    %dma_start3A_610 = arith.constant 0 : i32
    %dma_start3A_611 = arith.constant 0 : i32
    %dma_start3A_612 = tpu.memref_slice %arg2[%dma_start3A_610, %dma_start3A_611] : memref<253952x128xi32, #tpu.memory_space<hbm>> -> memref<253952x128xi32, #tpu.memory_space<hbm>>
    tpu.enqueue_indirect_dma source(%dma_start3A_612 : memref<253952x128xi32, #tpu.memory_space<hbm>>) target(%dma_start3A_606 : memref<128x128xi32, #tpu.memory_space<vmem>>) offsets(%dma_start3A_609 : memref<128xi32, #tpu.memory_space<vmem>>) semaphore(%arg9 : memref<!tpu.dma_semaphore, #tpu.memory_space<semaphore_mem>>)
    %dma_wait3A = arith.constant 0 : i32
    %dma_wait3A_613 = arith.constant 0 : i32
    %dma_wait3A_614 = arith.constant 0 : i32
    %dma_wait3A_615 = tpu.memref_slice %arg7[%dma_wait3A_613, %dma_wait3A_614] : memref<512x128xi32, #tpu.memory_space<vmem>> -> memref<128x128xi32, #tpu.memory_space<vmem>>
    %dma_wait3A_616 = arith.constant 0 : i32
    %dma_wait3A_617 = tpu.memref_slice %arg6[%dma_wait3A, %dma_wait3A_616] : memref<4x128xi32, #tpu.memory_space<vmem>> -> memref<1x128xi32, #tpu.memory_space<vmem>>
    %dma_wait3A_618 = tpu.memref_squeeze %dma_wait3A_617 : memref<1x128xi32, #tpu.memory_space<vmem>> -> memref<128xi32, #tpu.memory_space<vmem>>
    %dma_wait3A_619 = arith.constant 0 : i32
    %dma_wait3A_620 = arith.constant 0 : i32
    %dma_wait3A_621 = tpu.memref_slice %arg2[%dma_wait3A_619, %dma_wait3A_620] : memref<253952x128xi32, #tpu.memory_space<hbm>> -> memref<253952x128xi32, #tpu.memory_space<hbm>>
    tpu.wait_indirect_dma semaphore(%arg9 : memref<!tpu.dma_semaphore, #tpu.memory_space<semaphore_mem>>) src(%dma_wait3A_621 : memref<253952x128xi32, #tpu.memory_space<hbm>>) dst(%dma_wait3A_615 : memref<128x128xi32, #tpu.memory_space<vmem>>)
    %dma_wait3A_622 = arith.constant 1 : i32
    %dma_wait3A_623 = arith.constant 128 : i32
    %dma_wait3A_624 = arith.constant 0 : i32
    %dma_wait3A_625 = tpu.memref_slice %arg7[%dma_wait3A_623, %dma_wait3A_624] : memref<512x128xi32, #tpu.memory_space<vmem>> -> memref<128x128xi32, #tpu.memory_space<vmem>>
    %dma_wait3A_626 = arith.constant 0 : i32
    %dma_wait3A_627 = tpu.memref_slice %arg6[%dma_wait3A_622, %dma_wait3A_626] : memref<4x128xi32, #tpu.memory_space<vmem>> -> memref<1x128xi32, #tpu.memory_space<vmem>>
    %dma_wait3A_628 = tpu.memref_squeeze %dma_wait3A_627 : memref<1x128xi32, #tpu.memory_space<vmem>> -> memref<128xi32, #tpu.memory_space<vmem>>
    %dma_wait3A_629 = arith.constant 0 : i32
    %dma_wait3A_630 = arith.constant 0 : i32
    %dma_wait3A_631 = tpu.memref_slice %arg2[%dma_wait3A_629, %dma_wait3A_630] : memref<253952x128xi32, #tpu.memory_space<hbm>> -> memref<253952x128xi32, #tpu.memory_space<hbm>>
    tpu.wait_indirect_dma semaphore(%arg9 : memref<!tpu.dma_semaphore, #tpu.memory_space<semaphore_mem>>) src(%dma_wait3A_631 : memref<253952x128xi32, #tpu.memory_space<hbm>>) dst(%dma_wait3A_625 : memref<128x128xi32, #tpu.memory_space<vmem>>)
    %dma_wait3A_632 = arith.constant 2 : i32
    %dma_wait3A_633 = arith.constant 256 : i32
    %dma_wait3A_634 = arith.constant 0 : i32
    %dma_wait3A_635 = tpu.memref_slice %arg7[%dma_wait3A_633, %dma_wait3A_634] : memref<512x128xi32, #tpu.memory_space<vmem>> -> memref<128x128xi32, #tpu.memory_space<vmem>>
    %dma_wait3A_636 = arith.constant 0 : i32
    %dma_wait3A_637 = tpu.memref_slice %arg6[%dma_wait3A_632, %dma_wait3A_636] : memref<4x128xi32, #tpu.memory_space<vmem>> -> memref<1x128xi32, #tpu.memory_space<vmem>>
    %dma_wait3A_638 = tpu.memref_squeeze %dma_wait3A_637 : memref<1x128xi32, #tpu.memory_space<vmem>> -> memref<128xi32, #tpu.memory_space<vmem>>
    %dma_wait3A_639 = arith.constant 0 : i32
    %dma_wait3A_640 = arith.constant 0 : i32
    %dma_wait3A_641 = tpu.memref_slice %arg2[%dma_wait3A_639, %dma_wait3A_640] : memref<253952x128xi32, #tpu.memory_space<hbm>> -> memref<253952x128xi32, #tpu.memory_space<hbm>>
    tpu.wait_indirect_dma semaphore(%arg9 : memref<!tpu.dma_semaphore, #tpu.memory_space<semaphore_mem>>) src(%dma_wait3A_641 : memref<253952x128xi32, #tpu.memory_space<hbm>>) dst(%dma_wait3A_635 : memref<128x128xi32, #tpu.memory_space<vmem>>)
    %dma_wait3A_642 = arith.constant 3 : i32
    %dma_wait3A_643 = arith.constant 384 : i32
    %dma_wait3A_644 = arith.constant 0 : i32
    %dma_wait3A_645 = tpu.memref_slice %arg7[%dma_wait3A_643, %dma_wait3A_644] : memref<512x128xi32, #tpu.memory_space<vmem>> -> memref<128x128xi32, #tpu.memory_space<vmem>>
    %dma_wait3A_646 = arith.constant 0 : i32
    %dma_wait3A_647 = tpu.memref_slice %arg6[%dma_wait3A_642, %dma_wait3A_646] : memref<4x128xi32, #tpu.memory_space<vmem>> -> memref<1x128xi32, #tpu.memory_space<vmem>>
    %dma_wait3A_648 = tpu.memref_squeeze %dma_wait3A_647 : memref<1x128xi32, #tpu.memory_space<vmem>> -> memref<128xi32, #tpu.memory_space<vmem>>
    %dma_wait3A_649 = arith.constant 0 : i32
    %dma_wait3A_650 = arith.constant 0 : i32
    %dma_wait3A_651 = tpu.memref_slice %arg2[%dma_wait3A_649, %dma_wait3A_650] : memref<253952x128xi32, #tpu.memory_space<hbm>> -> memref<253952x128xi32, #tpu.memory_space<hbm>>
    tpu.wait_indirect_dma semaphore(%arg9 : memref<!tpu.dma_semaphore, #tpu.memory_space<semaphore_mem>>) src(%dma_wait3A_651 : memref<253952x128xi32, #tpu.memory_space<hbm>>) dst(%dma_wait3A_645 : memref<128x128xi32, #tpu.memory_space<vmem>>)
    %iota3A = tpu.iota {dimensions = array<i32: 0>} : vector<16xi32>
    %scan3A = arith.constant -65536 : i32
    %scan3A_652 = arith.constant 0 : i32
    %scan3A_653 = arith.constant 32 : i32
    %scan3A_654 = arith.addi %scan3A_652, %scan3A_653 : i32
    %scan3A_655 = arith.constant 1 : i32
    scf.for %scan3A_657 = %scan3A_652 to %scan3A_654 step %scan3A_655  : i32 {
      %mul3A_658 = arith.constant 1 : i32
      %mul3A_659 = arith.muli %scan3A_657, %mul3A_658 : i32
      %add3A_660 = arith.constant 0 : i32
      %add3A_661 = arith.addi %add3A_660, %mul3A_659 : i32
      %mul3A_662 = arith.constant 16 : i32
      %mul3A_663 = arith.muli %add3A_661, %mul3A_662 : i32
      %add3A_664 = vector.broadcast %mul3A_663 : i32 to vector<16xi32>
      %add3A_665 = arith.addi %add3A_664, %iota3A : vector<16xi32>
      %shift_right_arithmetic3A_666 = arith.constant 7 : i32
      %shift_right_arithmetic3A_667 = vector.broadcast %shift_right_arithmetic3A_666 : i32 to vector<16xi32>
      %shift_right_arithmetic3A_668 = arith.shrsi %add3A_665, %shift_right_arithmetic3A_667 : vector<16xi32>
      %and3A_669 = arith.constant 127 : i32
      %and3A_670 = vector.broadcast %and3A_669 : i32 to vector<16xi32>
      %and3A_671 = arith.andi %add3A_665, %and3A_670 : vector<16xi32>
      %gather3A = tpu.vector_load_idx %arg5[%shift_right_arithmetic3A_668, %and3A_671] : memref<4x128xi32, #tpu.memory_space<vmem>>[vector<16xi32>, vector<16xi32>], vector<16xi32>,
      %shift_right_arithmetic3A_672 = arith.constant 12 : i32
      %shift_right_arithmetic3A_673 = vector.broadcast %shift_right_arithmetic3A_672 : i32 to vector<16xi32>
      %shift_right_arithmetic3A_674 = arith.shrsi %gather3A, %shift_right_arithmetic3A_673 : vector<16xi32>
      %and3A_675 = arith.constant 3 : i32
      %and3A_676 = vector.broadcast %and3A_675 : i32 to vector<16xi32>
      %and3A_677 = arith.andi %shift_right_arithmetic3A_674, %and3A_676 : vector<16xi32>
      %mul3A_678 = arith.constant 32 : i32
      %mul3A_679 = vector.broadcast %mul3A_678 : i32 to vector<16xi32>
      %mul3A_680 = arith.muli %and3A_677, %mul3A_679 : vector<16xi32>
      %broadcast_in_dim3A = arith.constant 0.000000e+00 : f32
      %broadcast_in_dim3A_681 = vector.broadcast %broadcast_in_dim3A : f32 to vector<16xf32>
      %add3A_682 = arith.constant 0 : i32
      %add3A_683 = vector.broadcast %add3A_682 : i32 to vector<16xi32>
      %add3A_684 = arith.addi %mul3A_680, %add3A_683 : vector<16xi32>
      %gather3A_685 = tpu.vector_load_idx %arg7[%add3A_665, %add3A_684] : memref<512x128xi32, #tpu.memory_space<vmem>>[vector<16xi32>, vector<16xi32>], vector<16xi32>,
      %shift_left3A_686 = arith.constant 16 : i32
      %shift_left3A_687 = vector.broadcast %shift_left3A_686 : i32 to vector<16xi32>
      %shift_left3A_688 = arith.shli %gather3A_685, %shift_left3A_687 : vector<16xi32>
      %bitcast3A = vector.bitcast %shift_left3A_688 : vector<16xi32> to vector<16xf32>
      %and3A_689 = vector.broadcast %scan3A : i32 to vector<16xi32>
      %and3A_690 = arith.andi %gather3A_685, %and3A_689 : vector<16xi32>
      %bitcast3A_691 = vector.bitcast %and3A_690 : vector<16xi32> to vector<16xf32>
      %mul3A_692 = arith.mulf %bitcast3A, %bitcast3A : vector<16xf32>
      %add3A_693 = arith.addf %broadcast_in_dim3A_681, %mul3A_692 : vector<16xf32>
      %mul3A_694 = arith.mulf %bitcast3A_691, %bitcast3A_691 : vector<16xf32>
      %add3A_695 = arith.addf %add3A_693, %mul3A_694 : vector<16xf32>
      %mul3A_696 = arith.constant 16 : i32
      %mul3A_697 = arith.muli %add3A_661, %mul3A_696 : i32
      %swap3A_698 = arith.constant 0 : i32
      %swap3A_699 = arith.index_cast %swap3A_698 : i32 to index
      %swap3A_700 = arith.index_cast %mul3A_697 : i32 to index
      %swap3A_701 = tpu.vector_load %arg8[%swap3A_699, %swap3A_700] {strides = array<i32>} : memref<64x512xf32, #tpu.memory_space<vmem>>, vector<16xf32>,
      tpu.vector_store %arg8[%swap3A_699, %swap3A_700], %bitcast3A {strides = array<i32>} : memref<64x512xf32, #tpu.memory_space<vmem>>, vector<16xf32>,
      %mul3A_702 = arith.constant 16 : i32
      %mul3A_703 = arith.muli %add3A_661, %mul3A_702 : i32
      %swap3A_704 = arith.constant 32 : i32
      %swap3A_705 = arith.index_cast %swap3A_704 : i32 to index
      %swap3A_706 = arith.index_cast %mul3A_703 : i32 to index
      %swap3A_707 = tpu.vector_load %arg8[%swap3A_705, %swap3A_706] {strides = array<i32>} : memref<64x512xf32, #tpu.memory_space<vmem>>, vector<16xf32>,
      tpu.vector_store %arg8[%swap3A_705, %swap3A_706], %bitcast3A_691 {strides = array<i32>} : memref<64x512xf32, #tpu.memory_space<vmem>>, vector<16xf32>,
      %add3A_708 = arith.constant 1 : i32
      %add3A_709 = vector.broadcast %add3A_708 : i32 to vector<16xi32>
      %add3A_710 = arith.addi %mul3A_680, %add3A_709 : vector<16xi32>
      %gather3A_711 = tpu.vector_load_idx %arg7[%add3A_665, %add3A_710] : memref<512x128xi32, #tpu.memory_space<vmem>>[vector<16xi32>, vector<16xi32>], vector<16xi32>,
      %shift_left3A_712 = arith.constant 16 : i32
      %shift_left3A_713 = vector.broadcast %shift_left3A_712 : i32 to vector<16xi32>
      %shift_left3A_714 = arith.shli %gather3A_711, %shift_left3A_713 : vector<16xi32>
      %bitcast3A_715 = vector.bitcast %shift_left3A_714 : vector<16xi32> to vector<16xf32>
      %and3A_716 = vector.broadcast %scan3A : i32 to vector<16xi32>
      %and3A_717 = arith.andi %gather3A_711, %and3A_716 : vector<16xi32>
      %bitcast3A_718 = vector.bitcast %and3A_717 : vector<16xi32> to vector<16xf32>
      %mul3A_719 = arith.mulf %bitcast3A_715, %bitcast3A_715 : vector<16xf32>
      %add3A_720 = arith.addf %add3A_695, %mul3A_719 : vector<16xf32>
      %mul3A_721 = arith.mulf %bitcast3A_718, %bitcast3A_718 : vector<16xf32>
      %add3A_722 = arith.addf %add3A_720, %mul3A_721 : vector<16xf32>
      %mul3A_723 = arith.constant 16 : i32
      %mul3A_724 = arith.muli %add3A_661, %mul3A_723 : i32
      %swap3A_725 = arith.constant 1 : i32
      %swap3A_726 = arith.index_cast %swap3A_725 : i32 to index
      %swap3A_727 = arith.index_cast %mul3A_724 : i32 to index
      %swap3A_728 = tpu.vector_load %arg8[%swap3A_726, %swap3A_727] {strides = array<i32>} : memref<64x512xf32, #tpu.memory_space<vmem>>, vector<16xf32>,
      tpu.vector_store %arg8[%swap3A_726, %swap3A_727], %bitcast3A_715 {strides = array<i32>} : memref<64x512xf32, #tpu.memory_space<vmem>>, vector<16xf32>,
      %mul3A_729 = arith.constant 16 : i32
      %mul3A_730 = arith.muli %add3A_661, %mul3A_729 : i32
      %swap3A_731 = arith.constant 33 : i32
      %swap3A_732 = arith.index_cast %swap3A_731 : i32 to index
      %swap3A_733 = arith.index_cast %mul3A_730 : i32 to index
      %swap3A_734 = tpu.vector_load %arg8[%swap3A_732, %swap3A_733] {strides = array<i32>} : memref<64x512xf32, #tpu.memory_space<vmem>>, vector<16xf32>,
      tpu.vector_store %arg8[%swap3A_732, %swap3A_733], %bitcast3A_718 {strides = array<i32>} : memref<64x512xf32, #tpu.memory_space<vmem>>, vector<16xf32>,
      %add3A_735 = arith.constant 2 : i32
      %add3A_736 = vector.broadcast %add3A_735 : i32 to vector<16xi32>
      %add3A_737 = arith.addi %mul3A_680, %add3A_736 : vector<16xi32>
      %gather3A_738 = tpu.vector_load_idx %arg7[%add3A_665, %add3A_737] : memref<512x128xi32, #tpu.memory_space<vmem>>[vector<16xi32>, vector<16xi32>], vector<16xi32>,
      %shift_left3A_739 = arith.constant 16 : i32
      %shift_left3A_740 = vector.broadcast %shift_left3A_739 : i32 to vector<16xi32>
      %shift_left3A_741 = arith.shli %gather3A_738, %shift_left3A_740 : vector<16xi32>
      %bitcast3A_742 = vector.bitcast %shift_left3A_741 : vector<16xi32> to vector<16xf32>
      %and3A_743 = vector.broadcast %scan3A : i32 to vector<16xi32>
      %and3A_744 = arith.andi %gather3A_738, %and3A_743 : vector<16xi32>
      %bitcast3A_745 = vector.bitcast %and3A_744 : vector<16xi32> to vector<16xf32>
      %mul3A_746 = arith.mulf %bitcast3A_742, %bitcast3A_742 : vector<16xf32>
      %add3A_747 = arith.addf %add3A_722, %mul3A_746 : vector<16xf32>
      %mul3A_748 = arith.mulf %bitcast3A_745, %bitcast3A_745 : vector<16xf32>
      %add3A_749 = arith.addf %add3A_747, %mul3A_748 : vector<16xf32>
      %mul3A_750 = arith.constant 16 : i32
      %mul3A_751 = arith.muli %add3A_661, %mul3A_750 : i32
      %swap3A_752 = arith.constant 2 : i32
      %swap3A_753 = arith.index_cast %swap3A_752 : i32 to index
      %swap3A_754 = arith.index_cast %mul3A_751 : i32 to index
      %swap3A_755 = tpu.vector_load %arg8[%swap3A_753, %swap3A_754] {strides = array<i32>} : memref<64x512xf32, #tpu.memory_space<vmem>>, vector<16xf32>,
      tpu.vector_store %arg8[%swap3A_753, %swap3A_754], %bitcast3A_742 {strides = array<i32>} : memref<64x512xf32, #tpu.memory_space<vmem>>, vector<16xf32>,
      %mul3A_756 = arith.constant 16 : i32
      %mul3A_757 = arith.muli %add3A_661, %mul3A_756 : i32
      %swap3A_758 = arith.constant 34 : i32
      %swap3A_759 = arith.index_cast %swap3A_758 : i32 to index
      %swap3A_760 = arith.index_cast %mul3A_757 : i32 to index
      %swap3A_761 = tpu.vector_load %arg8[%swap3A_759, %swap3A_760] {strides = array<i32>} : memref<64x512xf32, #tpu.memory_space<vmem>>, vector<16xf32>,
      tpu.vector_store %arg8[%swap3A_759, %swap3A_760], %bitcast3A_745 {strides = array<i32>} : memref<64x512xf32, #tpu.memory_space<vmem>>, vector<16xf32>,
      %add3A_762 = arith.constant 3 : i32
      %add3A_763 = vector.broadcast %add3A_762 : i32 to vector<16xi32>
      %add3A_764 = arith.addi %mul3A_680, %add3A_763 : vector<16xi32>
      %gather3A_765 = tpu.vector_load_idx %arg7[%add3A_665, %add3A_764] : memref<512x128xi32, #tpu.memory_space<vmem>>[vector<16xi32>, vector<16xi32>], vector<16xi32>,
      %shift_left3A_766 = arith.constant 16 : i32
      %shift_left3A_767 = vector.broadcast %shift_left3A_766 : i32 to vector<16xi32>
      %shift_left3A_768 = arith.shli %gather3A_765, %shift_left3A_767 : vector<16xi32>
      %bitcast3A_769 = vector.bitcast %shift_left3A_768 : vector<16xi32> to vector<16xf32>
      %and3A_770 = vector.broadcast %scan3A : i32 to vector<16xi32>
      %and3A_771 = arith.andi %gather3A_765, %and3A_770 : vector<16xi32>
      %bitcast3A_772 = vector.bitcast %and3A_771 : vector<16xi32> to vector<16xf32>
      %mul3A_773 = arith.mulf %bitcast3A_769, %bitcast3A_769 : vector<16xf32>
      %add3A_774 = arith.addf %add3A_749, %mul3A_773 : vector<16xf32>
      %mul3A_775 = arith.mulf %bitcast3A_772, %bitcast3A_772 : vector<16xf32>
      %add3A_776 = arith.addf %add3A_774, %mul3A_775 : vector<16xf32>
      %mul3A_777 = arith.constant 16 : i32
      %mul3A_778 = arith.muli %add3A_661, %mul3A_777 : i32
      %swap3A_779 = arith.constant 3 : i32
      %swap3A_780 = arith.index_cast %swap3A_779 : i32 to index
      %swap3A_781 = arith.index_cast %mul3A_778 : i32 to index
      %swap3A_782 = tpu.vector_load %arg8[%swap3A_780, %swap3A_781] {strides = array<i32>} : memref<64x512xf32, #tpu.memory_space<vmem>>, vector<16xf32>,
      tpu.vector_store %arg8[%swap3A_780, %swap3A_781], %bitcast3A_769 {strides = array<i32>} : memref<64x512xf32, #tpu.memory_space<vmem>>, vector<16xf32>,
      %mul3A_783 = arith.constant 16 : i32
      %mul3A_784 = arith.muli %add3A_661, %mul3A_783 : i32
      %swap3A_785 = arith.constant 35 : i32
      %swap3A_786 = arith.index_cast %swap3A_785 : i32 to index
      %swap3A_787 = arith.index_cast %mul3A_784 : i32 to index
      %swap3A_788 = tpu.vector_load %arg8[%swap3A_786, %swap3A_787] {strides = array<i32>} : memref<64x512xf32, #tpu.memory_space<vmem>>, vector<16xf32>,
      tpu.vector_store %arg8[%swap3A_786, %swap3A_787], %bitcast3A_772 {strides = array<i32>} : memref<64x512xf32, #tpu.memory_space<vmem>>, vector<16xf32>,
      %add3A_789 = arith.constant 4 : i32
      %add3A_790 = vector.broadcast %add3A_789 : i32 to vector<16xi32>
      %add3A_791 = arith.addi %mul3A_680, %add3A_790 : vector<16xi32>
      %gather3A_792 = tpu.vector_load_idx %arg7[%add3A_665, %add3A_791] : memref<512x128xi32, #tpu.memory_space<vmem>>[vector<16xi32>, vector<16xi32>], vector<16xi32>,
      %shift_left3A_793 = arith.constant 16 : i32
      %shift_left3A_794 = vector.broadcast %shift_left3A_793 : i32 to vector<16xi32>
      %shift_left3A_795 = arith.shli %gather3A_792, %shift_left3A_794 : vector<16xi32>
      %bitcast3A_796 = vector.bitcast %shift_left3A_795 : vector<16xi32> to vector<16xf32>
      %and3A_797 = vector.broadcast %scan3A : i32 to vector<16xi32>
      %and3A_798 = arith.andi %gather3A_792, %and3A_797 : vector<16xi32>
      %bitcast3A_799 = vector.bitcast %and3A_798 : vector<16xi32> to vector<16xf32>
      %mul3A_800 = arith.mulf %bitcast3A_796, %bitcast3A_796 : vector<16xf32>
      %add3A_801 = arith.addf %add3A_776, %mul3A_800 : vector<16xf32>
      %mul3A_802 = arith.mulf %bitcast3A_799, %bitcast3A_799 : vector<16xf32>
      %add3A_803 = arith.addf %add3A_801, %mul3A_802 : vector<16xf32>
      %mul3A_804 = arith.constant 16 : i32
      %mul3A_805 = arith.muli %add3A_661, %mul3A_804 : i32
      %swap3A_806 = arith.constant 4 : i32
      %swap3A_807 = arith.index_cast %swap3A_806 : i32 to index
      %swap3A_808 = arith.index_cast %mul3A_805 : i32 to index
      %swap3A_809 = tpu.vector_load %arg8[%swap3A_807, %swap3A_808] {strides = array<i32>} : memref<64x512xf32, #tpu.memory_space<vmem>>, vector<16xf32>,
      tpu.vector_store %arg8[%swap3A_807, %swap3A_808], %bitcast3A_796 {strides = array<i32>} : memref<64x512xf32, #tpu.memory_space<vmem>>, vector<16xf32>,
      %mul3A_810 = arith.constant 16 : i32
      %mul3A_811 = arith.muli %add3A_661, %mul3A_810 : i32
      %swap3A_812 = arith.constant 36 : i32
      %swap3A_813 = arith.index_cast %swap3A_812 : i32 to index
      %swap3A_814 = arith.index_cast %mul3A_811 : i32 to index
      %swap3A_815 = tpu.vector_load %arg8[%swap3A_813, %swap3A_814] {strides = array<i32>} : memref<64x512xf32, #tpu.memory_space<vmem>>, vector<16xf32>,
      tpu.vector_store %arg8[%swap3A_813, %swap3A_814], %bitcast3A_799 {strides = array<i32>} : memref<64x512xf32, #tpu.memory_space<vmem>>, vector<16xf32>,
      %add3A_816 = arith.constant 5 : i32
      %add3A_817 = vector.broadcast %add3A_816 : i32 to vector<16xi32>
      %add3A_818 = arith.addi %mul3A_680, %add3A_817 : vector<16xi32>
      %gather3A_819 = tpu.vector_load_idx %arg7[%add3A_665, %add3A_818] : memref<512x128xi32, #tpu.memory_space<vmem>>[vector<16xi32>, vector<16xi32>], vector<16xi32>,
      %shift_left3A_820 = arith.constant 16 : i32
      %shift_left3A_821 = vector.broadcast %shift_left3A_820 : i32 to vector<16xi32>
      %shift_left3A_822 = arith.shli %gather3A_819, %shift_left3A_821 : vector<16xi32>
      %bitcast3A_823 = vector.bitcast %shift_left3A_822 : vector<16xi32> to vector<16xf32>
      %and3A_824 = vector.broadcast %scan3A : i32 to vector<16xi32>
      %and3A_825 = arith.andi %gather3A_819, %and3A_824 : vector<16xi32>
      %bitcast3A_826 = vector.bitcast %and3A_825 : vector<16xi32> to vector<16xf32>
      %mul3A_827 = arith.mulf %bitcast3A_823, %bitcast3A_823 : vector<16xf32>
      %add3A_828 = arith.addf %add3A_803, %mul3A_827 : vector<16xf32>
      %mul3A_829 = arith.mulf %bitcast3A_826, %bitcast3A_826 : vector<16xf32>
      %add3A_830 = arith.addf %add3A_828, %mul3A_829 : vector<16xf32>
      %mul3A_831 = arith.constant 16 : i32
      %mul3A_832 = arith.muli %add3A_661, %mul3A_831 : i32
      %swap3A_833 = arith.constant 5 : i32
      %swap3A_834 = arith.index_cast %swap3A_833 : i32 to index
      %swap3A_835 = arith.index_cast %mul3A_832 : i32 to index
      %swap3A_836 = tpu.vector_load %arg8[%swap3A_834, %swap3A_835] {strides = array<i32>} : memref<64x512xf32, #tpu.memory_space<vmem>>, vector<16xf32>,
      tpu.vector_store %arg8[%swap3A_834, %swap3A_835], %bitcast3A_823 {strides = array<i32>} : memref<64x512xf32, #tpu.memory_space<vmem>>, vector<16xf32>,
      %mul3A_837 = arith.constant 16 : i32
      %mul3A_838 = arith.muli %add3A_661, %mul3A_837 : i32
      %swap3A_839 = arith.constant 37 : i32
      %swap3A_840 = arith.index_cast %swap3A_839 : i32 to index
      %swap3A_841 = arith.index_cast %mul3A_838 : i32 to index
      %swap3A_842 = tpu.vector_load %arg8[%swap3A_840, %swap3A_841] {strides = array<i32>} : memref<64x512xf32, #tpu.memory_space<vmem>>, vector<16xf32>,
      tpu.vector_store %arg8[%swap3A_840, %swap3A_841], %bitcast3A_826 {strides = array<i32>} : memref<64x512xf32, #tpu.memory_space<vmem>>, vector<16xf32>,
      %add3A_843 = arith.constant 6 : i32
      %add3A_844 = vector.broadcast %add3A_843 : i32 to vector<16xi32>
      %add3A_845 = arith.addi %mul3A_680, %add3A_844 : vector<16xi32>
      %gather3A_846 = tpu.vector_load_idx %arg7[%add3A_665, %add3A_845] : memref<512x128xi32, #tpu.memory_space<vmem>>[vector<16xi32>, vector<16xi32>], vector<16xi32>,
      %shift_left3A_847 = arith.constant 16 : i32
      %shift_left3A_848 = vector.broadcast %shift_left3A_847 : i32 to vector<16xi32>
      %shift_left3A_849 = arith.shli %gather3A_846, %shift_left3A_848 : vector<16xi32>
      %bitcast3A_850 = vector.bitcast %shift_left3A_849 : vector<16xi32> to vector<16xf32>
      %and3A_851 = vector.broadcast %scan3A : i32 to vector<16xi32>
      %and3A_852 = arith.andi %gather3A_846, %and3A_851 : vector<16xi32>
      %bitcast3A_853 = vector.bitcast %and3A_852 : vector<16xi32> to vector<16xf32>
      %mul3A_854 = arith.mulf %bitcast3A_850, %bitcast3A_850 : vector<16xf32>
      %add3A_855 = arith.addf %add3A_830, %mul3A_854 : vector<16xf32>
      %mul3A_856 = arith.mulf %bitcast3A_853, %bitcast3A_853 : vector<16xf32>
      %add3A_857 = arith.addf %add3A_855, %mul3A_856 : vector<16xf32>
      %mul3A_858 = arith.constant 16 : i32
      %mul3A_859 = arith.muli %add3A_661, %mul3A_858 : i32
      %swap3A_860 = arith.constant 6 : i32
      %swap3A_861 = arith.index_cast %swap3A_860 : i32 to index
      %swap3A_862 = arith.index_cast %mul3A_859 : i32 to index
      %swap3A_863 = tpu.vector_load %arg8[%swap3A_861, %swap3A_862] {strides = array<i32>} : memref<64x512xf32, #tpu.memory_space<vmem>>, vector<16xf32>,
      tpu.vector_store %arg8[%swap3A_861, %swap3A_862], %bitcast3A_850 {strides = array<i32>} : memref<64x512xf32, #tpu.memory_space<vmem>>, vector<16xf32>,
      %mul3A_864 = arith.constant 16 : i32
      %mul3A_865 = arith.muli %add3A_661, %mul3A_864 : i32
      %swap3A_866 = arith.constant 38 : i32
      %swap3A_867 = arith.index_cast %swap3A_866 : i32 to index
      %swap3A_868 = arith.index_cast %mul3A_865 : i32 to index
      %swap3A_869 = tpu.vector_load %arg8[%swap3A_867, %swap3A_868] {strides = array<i32>} : memref<64x512xf32, #tpu.memory_space<vmem>>, vector<16xf32>,
      tpu.vector_store %arg8[%swap3A_867, %swap3A_868], %bitcast3A_853 {strides = array<i32>} : memref<64x512xf32, #tpu.memory_space<vmem>>, vector<16xf32>,
      %add3A_870 = arith.constant 7 : i32
      %add3A_871 = vector.broadcast %add3A_870 : i32 to vector<16xi32>
      %add3A_872 = arith.addi %mul3A_680, %add3A_871 : vector<16xi32>
      %gather3A_873 = tpu.vector_load_idx %arg7[%add3A_665, %add3A_872] : memref<512x128xi32, #tpu.memory_space<vmem>>[vector<16xi32>, vector<16xi32>], vector<16xi32>,
      %shift_left3A_874 = arith.constant 16 : i32
      %shift_left3A_875 = vector.broadcast %shift_left3A_874 : i32 to vector<16xi32>
      %shift_left3A_876 = arith.shli %gather3A_873, %shift_left3A_875 : vector<16xi32>
      %bitcast3A_877 = vector.bitcast %shift_left3A_876 : vector<16xi32> to vector<16xf32>
      %and3A_878 = vector.broadcast %scan3A : i32 to vector<16xi32>
      %and3A_879 = arith.andi %gather3A_873, %and3A_878 : vector<16xi32>
      %bitcast3A_880 = vector.bitcast %and3A_879 : vector<16xi32> to vector<16xf32>
      %mul3A_881 = arith.mulf %bitcast3A_877, %bitcast3A_877 : vector<16xf32>
      %add3A_882 = arith.addf %add3A_857, %mul3A_881 : vector<16xf32>
      %mul3A_883 = arith.mulf %bitcast3A_880, %bitcast3A_880 : vector<16xf32>
      %add3A_884 = arith.addf %add3A_882, %mul3A_883 : vector<16xf32>
      %mul3A_885 = arith.constant 16 : i32
      %mul3A_886 = arith.muli %add3A_661, %mul3A_885 : i32
      %swap3A_887 = arith.constant 7 : i32
      %swap3A_888 = arith.index_cast %swap3A_887 : i32 to index
      %swap3A_889 = arith.index_cast %mul3A_886 : i32 to index
      %swap3A_890 = tpu.vector_load %arg8[%swap3A_888, %swap3A_889] {strides = array<i32>} : memref<64x512xf32, #tpu.memory_space<vmem>>, vector<16xf32>,
      tpu.vector_store %arg8[%swap3A_888, %swap3A_889], %bitcast3A_877 {strides = array<i32>} : memref<64x512xf32, #tpu.memory_space<vmem>>, vector<16xf32>,
      %mul3A_891 = arith.constant 16 : i32
      %mul3A_892 = arith.muli %add3A_661, %mul3A_891 : i32
      %swap3A_893 = arith.constant 39 : i32
      %swap3A_894 = arith.index_cast %swap3A_893 : i32 to index
      %swap3A_895 = arith.index_cast %mul3A_892 : i32 to index
      %swap3A_896 = tpu.vector_load %arg8[%swap3A_894, %swap3A_895] {strides = array<i32>} : memref<64x512xf32, #tpu.memory_space<vmem>>, vector<16xf32>,
      tpu.vector_store %arg8[%swap3A_894, %swap3A_895], %bitcast3A_880 {strides = array<i32>} : memref<64x512xf32, #tpu.memory_space<vmem>>, vector<16xf32>,
      %add3A_897 = arith.constant 8 : i32
      %add3A_898 = vector.broadcast %add3A_897 : i32 to vector<16xi32>
      %add3A_899 = arith.addi %mul3A_680, %add3A_898 : vector<16xi32>
      %gather3A_900 = tpu.vector_load_idx %arg7[%add3A_665, %add3A_899] : memref<512x128xi32, #tpu.memory_space<vmem>>[vector<16xi32>, vector<16xi32>], vector<16xi32>,
      %shift_left3A_901 = arith.constant 16 : i32
      %shift_left3A_902 = vector.broadcast %shift_left3A_901 : i32 to vector<16xi32>
      %shift_left3A_903 = arith.shli %gather3A_900, %shift_left3A_902 : vector<16xi32>
      %bitcast3A_904 = vector.bitcast %shift_left3A_903 : vector<16xi32> to vector<16xf32>
      %and3A_905 = vector.broadcast %scan3A : i32 to vector<16xi32>
      %and3A_906 = arith.andi %gather3A_900, %and3A_905 : vector<16xi32>
      %bitcast3A_907 = vector.bitcast %and3A_906 : vector<16xi32> to vector<16xf32>
      %mul3A_908 = arith.mulf %bitcast3A_904, %bitcast3A_904 : vector<16xf32>
      %add3A_909 = arith.addf %add3A_884, %mul3A_908 : vector<16xf32>
      %mul3A_910 = arith.mulf %bitcast3A_907, %bitcast3A_907 : vector<16xf32>
      %add3A_911 = arith.addf %add3A_909, %mul3A_910 : vector<16xf32>
      %mul3A_912 = arith.constant 16 : i32
      %mul3A_913 = arith.muli %add3A_661, %mul3A_912 : i32
      %swap3A_914 = arith.constant 8 : i32
      %swap3A_915 = arith.index_cast %swap3A_914 : i32 to index
      %swap3A_916 = arith.index_cast %mul3A_913 : i32 to index
      %swap3A_917 = tpu.vector_load %arg8[%swap3A_915, %swap3A_916] {strides = array<i32>} : memref<64x512xf32, #tpu.memory_space<vmem>>, vector<16xf32>,
      tpu.vector_store %arg8[%swap3A_915, %swap3A_916], %bitcast3A_904 {strides = array<i32>} : memref<64x512xf32, #tpu.memory_space<vmem>>, vector<16xf32>,
      %mul3A_918 = arith.constant 16 : i32
      %mul3A_919 = arith.muli %add3A_661, %mul3A_918 : i32
      %swap3A_920 = arith.constant 40 : i32
      %swap3A_921 = arith.index_cast %swap3A_920 : i32 to index
      %swap3A_922 = arith.index_cast %mul3A_919 : i32 to index
      %swap3A_923 = tpu.vector_load %arg8[%swap3A_921, %swap3A_922] {strides = array<i32>} : memref<64x512xf32, #tpu.memory_space<vmem>>, vector<16xf32>,
      tpu.vector_store %arg8[%swap3A_921, %swap3A_922], %bitcast3A_907 {strides = array<i32>} : memref<64x512xf32, #tpu.memory_space<vmem>>, vector<16xf32>,
      %add3A_924 = arith.constant 9 : i32
      %add3A_925 = vector.broadcast %add3A_924 : i32 to vector<16xi32>
      %add3A_926 = arith.addi %mul3A_680, %add3A_925 : vector<16xi32>
      %gather3A_927 = tpu.vector_load_idx %arg7[%add3A_665, %add3A_926] : memref<512x128xi32, #tpu.memory_space<vmem>>[vector<16xi32>, vector<16xi32>], vector<16xi32>,
      %shift_left3A_928 = arith.constant 16 : i32
      %shift_left3A_929 = vector.broadcast %shift_left3A_928 : i32 to vector<16xi32>
      %shift_left3A_930 = arith.shli %gather3A_927, %shift_left3A_929 : vector<16xi32>
      %bitcast3A_931 = vector.bitcast %shift_left3A_930 : vector<16xi32> to vector<16xf32>
      %and3A_932 = vector.broadcast %scan3A : i32 to vector<16xi32>
      %and3A_933 = arith.andi %gather3A_927, %and3A_932 : vector<16xi32>
      %bitcast3A_934 = vector.bitcast %and3A_933 : vector<16xi32> to vector<16xf32>
      %mul3A_935 = arith.mulf %bitcast3A_931, %bitcast3A_931 : vector<16xf32>
      %add3A_936 = arith.addf %add3A_911, %mul3A_935 : vector<16xf32>
      %mul3A_937 = arith.mulf %bitcast3A_934, %bitcast3A_934 : vector<16xf32>
      %add3A_938 = arith.addf %add3A_936, %mul3A_937 : vector<16xf32>
      %mul3A_939 = arith.constant 16 : i32
      %mul3A_940 = arith.muli %add3A_661, %mul3A_939 : i32
      %swap3A_941 = arith.constant 9 : i32
      %swap3A_942 = arith.index_cast %swap3A_941 : i32 to index
      %swap3A_943 = arith.index_cast %mul3A_940 : i32 to index
      %swap3A_944 = tpu.vector_load %arg8[%swap3A_942, %swap3A_943] {strides = array<i32>} : memref<64x512xf32, #tpu.memory_space<vmem>>, vector<16xf32>,
      tpu.vector_store %arg8[%swap3A_942, %swap3A_943], %bitcast3A_931 {strides = array<i32>} : memref<64x512xf32, #tpu.memory_space<vmem>>, vector<16xf32>,
      %mul3A_945 = arith.constant 16 : i32
      %mul3A_946 = arith.muli %add3A_661, %mul3A_945 : i32
      %swap3A_947 = arith.constant 41 : i32
      %swap3A_948 = arith.index_cast %swap3A_947 : i32 to index
      %swap3A_949 = arith.index_cast %mul3A_946 : i32 to index
      %swap3A_950 = tpu.vector_load %arg8[%swap3A_948, %swap3A_949] {strides = array<i32>} : memref<64x512xf32, #tpu.memory_space<vmem>>, vector<16xf32>,
      tpu.vector_store %arg8[%swap3A_948, %swap3A_949], %bitcast3A_934 {strides = array<i32>} : memref<64x512xf32, #tpu.memory_space<vmem>>, vector<16xf32>,
      %add3A_951 = arith.constant 10 : i32
      %add3A_952 = vector.broadcast %add3A_951 : i32 to vector<16xi32>
      %add3A_953 = arith.addi %mul3A_680, %add3A_952 : vector<16xi32>
      %gather3A_954 = tpu.vector_load_idx %arg7[%add3A_665, %add3A_953] : memref<512x128xi32, #tpu.memory_space<vmem>>[vector<16xi32>, vector<16xi32>], vector<16xi32>,
      %shift_left3A_955 = arith.constant 16 : i32
      %shift_left3A_956 = vector.broadcast %shift_left3A_955 : i32 to vector<16xi32>
      %shift_left3A_957 = arith.shli %gather3A_954, %shift_left3A_956 : vector<16xi32>
      %bitcast3A_958 = vector.bitcast %shift_left3A_957 : vector<16xi32> to vector<16xf32>
      %and3A_959 = vector.broadcast %scan3A : i32 to vector<16xi32>
      %and3A_960 = arith.andi %gather3A_954, %and3A_959 : vector<16xi32>
      %bitcast3A_961 = vector.bitcast %and3A_960 : vector<16xi32> to vector<16xf32>
      %mul3A_962 = arith.mulf %bitcast3A_958, %bitcast3A_958 : vector<16xf32>
      %add3A_963 = arith.addf %add3A_938, %mul3A_962 : vector<16xf32>
      %mul3A_964 = arith.mulf %bitcast3A_961, %bitcast3A_961 : vector<16xf32>
      %add3A_965 = arith.addf %add3A_963, %mul3A_964 : vector<16xf32>
      %mul3A_966 = arith.constant 16 : i32
      %mul3A_967 = arith.muli %add3A_661, %mul3A_966 : i32
      %swap3A_968 = arith.constant 10 : i32
      %swap3A_969 = arith.index_cast %swap3A_968 : i32 to index
      %swap3A_970 = arith.index_cast %mul3A_967 : i32 to index
      %swap3A_971 = tpu.vector_load %arg8[%swap3A_969, %swap3A_970] {strides = array<i32>} : memref<64x512xf32, #tpu.memory_space<vmem>>, vector<16xf32>,
      tpu.vector_store %arg8[%swap3A_969, %swap3A_970], %bitcast3A_958 {strides = array<i32>} : memref<64x512xf32, #tpu.memory_space<vmem>>, vector<16xf32>,
      %mul3A_972 = arith.constant 16 : i32
      %mul3A_973 = arith.muli %add3A_661, %mul3A_972 : i32
      %swap3A_974 = arith.constant 42 : i32
      %swap3A_975 = arith.index_cast %swap3A_974 : i32 to index
      %swap3A_976 = arith.index_cast %mul3A_973 : i32 to index
      %swap3A_977 = tpu.vector_load %arg8[%swap3A_975, %swap3A_976] {strides = array<i32>} : memref<64x512xf32, #tpu.memory_space<vmem>>, vector<16xf32>,
      tpu.vector_store %arg8[%swap3A_975, %swap3A_976], %bitcast3A_961 {strides = array<i32>} : memref<64x512xf32, #tpu.memory_space<vmem>>, vector<16xf32>,
      %add3A_978 = arith.constant 11 : i32
      %add3A_979 = vector.broadcast %add3A_978 : i32 to vector<16xi32>
      %add3A_980 = arith.addi %mul3A_680, %add3A_979 : vector<16xi32>
      %gather3A_981 = tpu.vector_load_idx %arg7[%add3A_665, %add3A_980] : memref<512x128xi32, #tpu.memory_space<vmem>>[vector<16xi32>, vector<16xi32>], vector<16xi32>,
      %shift_left3A_982 = arith.constant 16 : i32
      %shift_left3A_983 = vector.broadcast %shift_left3A_982 : i32 to vector<16xi32>
      %shift_left3A_984 = arith.shli %gather3A_981, %shift_left3A_983 : vector<16xi32>
      %bitcast3A_985 = vector.bitcast %shift_left3A_984 : vector<16xi32> to vector<16xf32>
      %and3A_986 = vector.broadcast %scan3A : i32 to vector<16xi32>
      %and3A_987 = arith.andi %gather3A_981, %and3A_986 : vector<16xi32>
      %bitcast3A_988 = vector.bitcast %and3A_987 : vector<16xi32> to vector<16xf32>
      %mul3A_989 = arith.mulf %bitcast3A_985, %bitcast3A_985 : vector<16xf32>
      %add3A_990 = arith.addf %add3A_965, %mul3A_989 : vector<16xf32>
      %mul3A_991 = arith.mulf %bitcast3A_988, %bitcast3A_988 : vector<16xf32>
      %add3A_992 = arith.addf %add3A_990, %mul3A_991 : vector<16xf32>
      %mul3A_993 = arith.constant 16 : i32
      %mul3A_994 = arith.muli %add3A_661, %mul3A_993 : i32
      %swap3A_995 = arith.constant 11 : i32
      %swap3A_996 = arith.index_cast %swap3A_995 : i32 to index
      %swap3A_997 = arith.index_cast %mul3A_994 : i32 to index
      %swap3A_998 = tpu.vector_load %arg8[%swap3A_996, %swap3A_997] {strides = array<i32>} : memref<64x512xf32, #tpu.memory_space<vmem>>, vector<16xf32>,
      tpu.vector_store %arg8[%swap3A_996, %swap3A_997], %bitcast3A_985 {strides = array<i32>} : memref<64x512xf32, #tpu.memory_space<vmem>>, vector<16xf32>,
      %mul3A_999 = arith.constant 16 : i32
      %mul3A_1000 = arith.muli %add3A_661, %mul3A_999 : i32
      %swap3A_1001 = arith.constant 43 : i32
      %swap3A_1002 = arith.index_cast %swap3A_1001 : i32 to index
      %swap3A_1003 = arith.index_cast %mul3A_1000 : i32 to index
      %swap3A_1004 = tpu.vector_load %arg8[%swap3A_1002, %swap3A_1003] {strides = array<i32>} : memref<64x512xf32, #tpu.memory_space<vmem>>, vector<16xf32>,
      tpu.vector_store %arg8[%swap3A_1002, %swap3A_1003], %bitcast3A_988 {strides = array<i32>} : memref<64x512xf32, #tpu.memory_space<vmem>>, vector<16xf32>,
      %add3A_1005 = arith.constant 12 : i32
      %add3A_1006 = vector.broadcast %add3A_1005 : i32 to vector<16xi32>
      %add3A_1007 = arith.addi %mul3A_680, %add3A_1006 : vector<16xi32>
      %gather3A_1008 = tpu.vector_load_idx %arg7[%add3A_665, %add3A_1007] : memref<512x128xi32, #tpu.memory_space<vmem>>[vector<16xi32>, vector<16xi32>], vector<16xi32>,
      %shift_left3A_1009 = arith.constant 16 : i32
      %shift_left3A_1010 = vector.broadcast %shift_left3A_1009 : i32 to vector<16xi32>
      %shift_left3A_1011 = arith.shli %gather3A_1008, %shift_left3A_1010 : vector<16xi32>
      %bitcast3A_1012 = vector.bitcast %shift_left3A_1011 : vector<16xi32> to vector<16xf32>
      %and3A_1013 = vector.broadcast %scan3A : i32 to vector<16xi32>
      %and3A_1014 = arith.andi %gather3A_1008, %and3A_1013 : vector<16xi32>
      %bitcast3A_1015 = vector.bitcast %and3A_1014 : vector<16xi32> to vector<16xf32>
      %mul3A_1016 = arith.mulf %bitcast3A_1012, %bitcast3A_1012 : vector<16xf32>
      %add3A_1017 = arith.addf %add3A_992, %mul3A_1016 : vector<16xf32>
      %mul3A_1018 = arith.mulf %bitcast3A_1015, %bitcast3A_1015 : vector<16xf32>
      %add3A_1019 = arith.addf %add3A_1017, %mul3A_1018 : vector<16xf32>
      %mul3A_1020 = arith.constant 16 : i32
      %mul3A_1021 = arith.muli %add3A_661, %mul3A_1020 : i32
      %swap3A_1022 = arith.constant 12 : i32
      %swap3A_1023 = arith.index_cast %swap3A_1022 : i32 to index
      %swap3A_1024 = arith.index_cast %mul3A_1021 : i32 to index
      %swap3A_1025 = tpu.vector_load %arg8[%swap3A_1023, %swap3A_1024] {strides = array<i32>} : memref<64x512xf32, #tpu.memory_space<vmem>>, vector<16xf32>,
      tpu.vector_store %arg8[%swap3A_1023, %swap3A_1024], %bitcast3A_1012 {strides = array<i32>} : memref<64x512xf32, #tpu.memory_space<vmem>>, vector<16xf32>,
      %mul3A_1026 = arith.constant 16 : i32
      %mul3A_1027 = arith.muli %add3A_661, %mul3A_1026 : i32
      %swap3A_1028 = arith.constant 44 : i32
      %swap3A_1029 = arith.index_cast %swap3A_1028 : i32 to index
      %swap3A_1030 = arith.index_cast %mul3A_1027 : i32 to index
      %swap3A_1031 = tpu.vector_load %arg8[%swap3A_1029, %swap3A_1030] {strides = array<i32>} : memref<64x512xf32, #tpu.memory_space<vmem>>, vector<16xf32>,
      tpu.vector_store %arg8[%swap3A_1029, %swap3A_1030], %bitcast3A_1015 {strides = array<i32>} : memref<64x512xf32, #tpu.memory_space<vmem>>, vector<16xf32>,
      %add3A_1032 = arith.constant 13 : i32
      %add3A_1033 = vector.broadcast %add3A_1032 : i32 to vector<16xi32>
      %add3A_1034 = arith.addi %mul3A_680, %add3A_1033 : vector<16xi32>
      %gather3A_1035 = tpu.vector_load_idx %arg7[%add3A_665, %add3A_1034] : memref<512x128xi32, #tpu.memory_space<vmem>>[vector<16xi32>, vector<16xi32>], vector<16xi32>,
      %shift_left3A_1036 = arith.constant 16 : i32
      %shift_left3A_1037 = vector.broadcast %shift_left3A_1036 : i32 to vector<16xi32>
      %shift_left3A_1038 = arith.shli %gather3A_1035, %shift_left3A_1037 : vector<16xi32>
      %bitcast3A_1039 = vector.bitcast %shift_left3A_1038 : vector<16xi32> to vector<16xf32>
      %and3A_1040 = vector.broadcast %scan3A : i32 to vector<16xi32>
      %and3A_1041 = arith.andi %gather3A_1035, %and3A_1040 : vector<16xi32>
      %bitcast3A_1042 = vector.bitcast %and3A_1041 : vector<16xi32> to vector<16xf32>
      %mul3A_1043 = arith.mulf %bitcast3A_1039, %bitcast3A_1039 : vector<16xf32>
      %add3A_1044 = arith.addf %add3A_1019, %mul3A_1043 : vector<16xf32>
      %mul3A_1045 = arith.mulf %bitcast3A_1042, %bitcast3A_1042 : vector<16xf32>
      %add3A_1046 = arith.addf %add3A_1044, %mul3A_1045 : vector<16xf32>
      %mul3A_1047 = arith.constant 16 : i32
      %mul3A_1048 = arith.muli %add3A_661, %mul3A_1047 : i32
      %swap3A_1049 = arith.constant 13 : i32
      %swap3A_1050 = arith.index_cast %swap3A_1049 : i32 to index
      %swap3A_1051 = arith.index_cast %mul3A_1048 : i32 to index
      %swap3A_1052 = tpu.vector_load %arg8[%swap3A_1050, %swap3A_1051] {strides = array<i32>} : memref<64x512xf32, #tpu.memory_space<vmem>>, vector<16xf32>,
      tpu.vector_store %arg8[%swap3A_1050, %swap3A_1051], %bitcast3A_1039 {strides = array<i32>} : memref<64x512xf32, #tpu.memory_space<vmem>>, vector<16xf32>,
      %mul3A_1053 = arith.constant 16 : i32
      %mul3A_1054 = arith.muli %add3A_661, %mul3A_1053 : i32
      %swap3A_1055 = arith.constant 45 : i32
      %swap3A_1056 = arith.index_cast %swap3A_1055 : i32 to index
      %swap3A_1057 = arith.index_cast %mul3A_1054 : i32 to index
      %swap3A_1058 = tpu.vector_load %arg8[%swap3A_1056, %swap3A_1057] {strides = array<i32>} : memref<64x512xf32, #tpu.memory_space<vmem>>, vector<16xf32>,
      tpu.vector_store %arg8[%swap3A_1056, %swap3A_1057], %bitcast3A_1042 {strides = array<i32>} : memref<64x512xf32, #tpu.memory_space<vmem>>, vector<16xf32>,
      %add3A_1059 = arith.constant 14 : i32
      %add3A_1060 = vector.broadcast %add3A_1059 : i32 to vector<16xi32>
      %add3A_1061 = arith.addi %mul3A_680, %add3A_1060 : vector<16xi32>
      %gather3A_1062 = tpu.vector_load_idx %arg7[%add3A_665, %add3A_1061] : memref<512x128xi32, #tpu.memory_space<vmem>>[vector<16xi32>, vector<16xi32>], vector<16xi32>,
      %shift_left3A_1063 = arith.constant 16 : i32
      %shift_left3A_1064 = vector.broadcast %shift_left3A_1063 : i32 to vector<16xi32>
      %shift_left3A_1065 = arith.shli %gather3A_1062, %shift_left3A_1064 : vector<16xi32>
      %bitcast3A_1066 = vector.bitcast %shift_left3A_1065 : vector<16xi32> to vector<16xf32>
      %and3A_1067 = vector.broadcast %scan3A : i32 to vector<16xi32>
      %and3A_1068 = arith.andi %gather3A_1062, %and3A_1067 : vector<16xi32>
      %bitcast3A_1069 = vector.bitcast %and3A_1068 : vector<16xi32> to vector<16xf32>
      %mul3A_1070 = arith.mulf %bitcast3A_1066, %bitcast3A_1066 : vector<16xf32>
      %add3A_1071 = arith.addf %add3A_1046, %mul3A_1070 : vector<16xf32>
      %mul3A_1072 = arith.mulf %bitcast3A_1069, %bitcast3A_1069 : vector<16xf32>
      %add3A_1073 = arith.addf %add3A_1071, %mul3A_1072 : vector<16xf32>
      %mul3A_1074 = arith.constant 16 : i32
      %mul3A_1075 = arith.muli %add3A_661, %mul3A_1074 : i32
      %swap3A_1076 = arith.constant 14 : i32
      %swap3A_1077 = arith.index_cast %swap3A_1076 : i32 to index
      %swap3A_1078 = arith.index_cast %mul3A_1075 : i32 to index
      %swap3A_1079 = tpu.vector_load %arg8[%swap3A_1077, %swap3A_1078] {strides = array<i32>} : memref<64x512xf32, #tpu.memory_space<vmem>>, vector<16xf32>,
      tpu.vector_store %arg8[%swap3A_1077, %swap3A_1078], %bitcast3A_1066 {strides = array<i32>} : memref<64x512xf32, #tpu.memory_space<vmem>>, vector<16xf32>,
      %mul3A_1080 = arith.constant 16 : i32
      %mul3A_1081 = arith.muli %add3A_661, %mul3A_1080 : i32
      %swap3A_1082 = arith.constant 46 : i32
      %swap3A_1083 = arith.index_cast %swap3A_1082 : i32 to index
      %swap3A_1084 = arith.index_cast %mul3A_1081 : i32 to index
      %swap3A_1085 = tpu.vector_load %arg8[%swap3A_1083, %swap3A_1084] {strides = array<i32>} : memref<64x512xf32, #tpu.memory_space<vmem>>, vector<16xf32>,
      tpu.vector_store %arg8[%swap3A_1083, %swap3A_1084], %bitcast3A_1069 {strides = array<i32>} : memref<64x512xf32, #tpu.memory_space<vmem>>, vector<16xf32>,
      %add3A_1086 = arith.constant 15 : i32
      %add3A_1087 = vector.broadcast %add3A_1086 : i32 to vector<16xi32>
      %add3A_1088 = arith.addi %mul3A_680, %add3A_1087 : vector<16xi32>
      %gather3A_1089 = tpu.vector_load_idx %arg7[%add3A_665, %add3A_1088] : memref<512x128xi32, #tpu.memory_space<vmem>>[vector<16xi32>, vector<16xi32>], vector<16xi32>,
      %shift_left3A_1090 = arith.constant 16 : i32
      %shift_left3A_1091 = vector.broadcast %shift_left3A_1090 : i32 to vector<16xi32>
      %shift_left3A_1092 = arith.shli %gather3A_1089, %shift_left3A_1091 : vector<16xi32>
      %bitcast3A_1093 = vector.bitcast %shift_left3A_1092 : vector<16xi32> to vector<16xf32>
      %and3A_1094 = vector.broadcast %scan3A : i32 to vector<16xi32>
      %and3A_1095 = arith.andi %gather3A_1089, %and3A_1094 : vector<16xi32>
      %bitcast3A_1096 = vector.bitcast %and3A_1095 : vector<16xi32> to vector<16xf32>
      %mul3A_1097 = arith.mulf %bitcast3A_1093, %bitcast3A_1093 : vector<16xf32>
      %add3A_1098 = arith.addf %add3A_1073, %mul3A_1097 : vector<16xf32>
      %mul3A_1099 = arith.mulf %bitcast3A_1096, %bitcast3A_1096 : vector<16xf32>
      %add3A_1100 = arith.addf %add3A_1098, %mul3A_1099 : vector<16xf32>
      %mul3A_1101 = arith.constant 16 : i32
      %mul3A_1102 = arith.muli %add3A_661, %mul3A_1101 : i32
      %swap3A_1103 = arith.constant 15 : i32
      %swap3A_1104 = arith.index_cast %swap3A_1103 : i32 to index
      %swap3A_1105 = arith.index_cast %mul3A_1102 : i32 to index
      %swap3A_1106 = tpu.vector_load %arg8[%swap3A_1104, %swap3A_1105] {strides = array<i32>} : memref<64x512xf32, #tpu.memory_space<vmem>>, vector<16xf32>,
      tpu.vector_store %arg8[%swap3A_1104, %swap3A_1105], %bitcast3A_1093 {strides = array<i32>} : memref<64x512xf32, #tpu.memory_space<vmem>>, vector<16xf32>,
      %mul3A_1107 = arith.constant 16 : i32
      %mul3A_1108 = arith.muli %add3A_661, %mul3A_1107 : i32
      %swap3A_1109 = arith.constant 47 : i32
      %swap3A_1110 = arith.index_cast %swap3A_1109 : i32 to index
      %swap3A_1111 = arith.index_cast %mul3A_1108 : i32 to index
      %swap3A_1112 = tpu.vector_load %arg8[%swap3A_1110, %swap3A_1111] {strides = array<i32>} : memref<64x512xf32, #tpu.memory_space<vmem>>, vector<16xf32>,
      tpu.vector_store %arg8[%swap3A_1110, %swap3A_1111], %bitcast3A_1096 {strides = array<i32>} : memref<64x512xf32, #tpu.memory_space<vmem>>, vector<16xf32>,
      %add3A_1113 = arith.constant 16 : i32
      %add3A_1114 = vector.broadcast %add3A_1113 : i32 to vector<16xi32>
      %add3A_1115 = arith.addi %mul3A_680, %add3A_1114 : vector<16xi32>
      %gather3A_1116 = tpu.vector_load_idx %arg7[%add3A_665, %add3A_1115] : memref<512x128xi32, #tpu.memory_space<vmem>>[vector<16xi32>, vector<16xi32>], vector<16xi32>,
      %shift_left3A_1117 = arith.constant 16 : i32
      %shift_left3A_1118 = vector.broadcast %shift_left3A_1117 : i32 to vector<16xi32>
      %shift_left3A_1119 = arith.shli %gather3A_1116, %shift_left3A_1118 : vector<16xi32>
      %bitcast3A_1120 = vector.bitcast %shift_left3A_1119 : vector<16xi32> to vector<16xf32>
      %and3A_1121 = vector.broadcast %scan3A : i32 to vector<16xi32>
      %and3A_1122 = arith.andi %gather3A_1116, %and3A_1121 : vector<16xi32>
      %bitcast3A_1123 = vector.bitcast %and3A_1122 : vector<16xi32> to vector<16xf32>
      %mul3A_1124 = arith.mulf %bitcast3A_1120, %bitcast3A_1120 : vector<16xf32>
      %add3A_1125 = arith.addf %add3A_1100, %mul3A_1124 : vector<16xf32>
      %mul3A_1126 = arith.mulf %bitcast3A_1123, %bitcast3A_1123 : vector<16xf32>
      %add3A_1127 = arith.addf %add3A_1125, %mul3A_1126 : vector<16xf32>
      %mul3A_1128 = arith.constant 16 : i32
      %mul3A_1129 = arith.muli %add3A_661, %mul3A_1128 : i32
      %swap3A_1130 = arith.constant 16 : i32
      %swap3A_1131 = arith.index_cast %swap3A_1130 : i32 to index
      %swap3A_1132 = arith.index_cast %mul3A_1129 : i32 to index
      %swap3A_1133 = tpu.vector_load %arg8[%swap3A_1131, %swap3A_1132] {strides = array<i32>} : memref<64x512xf32, #tpu.memory_space<vmem>>, vector<16xf32>,
      tpu.vector_store %arg8[%swap3A_1131, %swap3A_1132], %bitcast3A_1120 {strides = array<i32>} : memref<64x512xf32, #tpu.memory_space<vmem>>, vector<16xf32>,
      %mul3A_1134 = arith.constant 16 : i32
      %mul3A_1135 = arith.muli %add3A_661, %mul3A_1134 : i32
      %swap3A_1136 = arith.constant 48 : i32
      %swap3A_1137 = arith.index_cast %swap3A_1136 : i32 to index
      %swap3A_1138 = arith.index_cast %mul3A_1135 : i32 to index
      %swap3A_1139 = tpu.vector_load %arg8[%swap3A_1137, %swap3A_1138] {strides = array<i32>} : memref<64x512xf32, #tpu.memory_space<vmem>>, vector<16xf32>,
      tpu.vector_store %arg8[%swap3A_1137, %swap3A_1138], %bitcast3A_1123 {strides = array<i32>} : memref<64x512xf32, #tpu.memory_space<vmem>>, vector<16xf32>,
      %add3A_1140 = arith.constant 17 : i32
      %add3A_1141 = vector.broadcast %add3A_1140 : i32 to vector<16xi32>
      %add3A_1142 = arith.addi %mul3A_680, %add3A_1141 : vector<16xi32>
      %gather3A_1143 = tpu.vector_load_idx %arg7[%add3A_665, %add3A_1142] : memref<512x128xi32, #tpu.memory_space<vmem>>[vector<16xi32>, vector<16xi32>], vector<16xi32>,
      %shift_left3A_1144 = arith.constant 16 : i32
      %shift_left3A_1145 = vector.broadcast %shift_left3A_1144 : i32 to vector<16xi32>
      %shift_left3A_1146 = arith.shli %gather3A_1143, %shift_left3A_1145 : vector<16xi32>
      %bitcast3A_1147 = vector.bitcast %shift_left3A_1146 : vector<16xi32> to vector<16xf32>
      %and3A_1148 = vector.broadcast %scan3A : i32 to vector<16xi32>
      %and3A_1149 = arith.andi %gather3A_1143, %and3A_1148 : vector<16xi32>
      %bitcast3A_1150 = vector.bitcast %and3A_1149 : vector<16xi32> to vector<16xf32>
      %mul3A_1151 = arith.mulf %bitcast3A_1147, %bitcast3A_1147 : vector<16xf32>
      %add3A_1152 = arith.addf %add3A_1127, %mul3A_1151 : vector<16xf32>
      %mul3A_1153 = arith.mulf %bitcast3A_1150, %bitcast3A_1150 : vector<16xf32>
      %add3A_1154 = arith.addf %add3A_1152, %mul3A_1153 : vector<16xf32>
      %mul3A_1155 = arith.constant 16 : i32
      %mul3A_1156 = arith.muli %add3A_661, %mul3A_1155 : i32
      %swap3A_1157 = arith.constant 17 : i32
      %swap3A_1158 = arith.index_cast %swap3A_1157 : i32 to index
      %swap3A_1159 = arith.index_cast %mul3A_1156 : i32 to index
      %swap3A_1160 = tpu.vector_load %arg8[%swap3A_1158, %swap3A_1159] {strides = array<i32>} : memref<64x512xf32, #tpu.memory_space<vmem>>, vector<16xf32>,
      tpu.vector_store %arg8[%swap3A_1158, %swap3A_1159], %bitcast3A_1147 {strides = array<i32>} : memref<64x512xf32, #tpu.memory_space<vmem>>, vector<16xf32>,
      %mul3A_1161 = arith.constant 16 : i32
      %mul3A_1162 = arith.muli %add3A_661, %mul3A_1161 : i32
      %swap3A_1163 = arith.constant 49 : i32
      %swap3A_1164 = arith.index_cast %swap3A_1163 : i32 to index
      %swap3A_1165 = arith.index_cast %mul3A_1162 : i32 to index
      %swap3A_1166 = tpu.vector_load %arg8[%swap3A_1164, %swap3A_1165] {strides = array<i32>} : memref<64x512xf32, #tpu.memory_space<vmem>>, vector<16xf32>,
      tpu.vector_store %arg8[%swap3A_1164, %swap3A_1165], %bitcast3A_1150 {strides = array<i32>} : memref<64x512xf32, #tpu.memory_space<vmem>>, vector<16xf32>,
      %add3A_1167 = arith.constant 18 : i32
      %add3A_1168 = vector.broadcast %add3A_1167 : i32 to vector<16xi32>
      %add3A_1169 = arith.addi %mul3A_680, %add3A_1168 : vector<16xi32>
      %gather3A_1170 = tpu.vector_load_idx %arg7[%add3A_665, %add3A_1169] : memref<512x128xi32, #tpu.memory_space<vmem>>[vector<16xi32>, vector<16xi32>], vector<16xi32>,
      %shift_left3A_1171 = arith.constant 16 : i32
      %shift_left3A_1172 = vector.broadcast %shift_left3A_1171 : i32 to vector<16xi32>
      %shift_left3A_1173 = arith.shli %gather3A_1170, %shift_left3A_1172 : vector<16xi32>
      %bitcast3A_1174 = vector.bitcast %shift_left3A_1173 : vector<16xi32> to vector<16xf32>
      %and3A_1175 = vector.broadcast %scan3A : i32 to vector<16xi32>
      %and3A_1176 = arith.andi %gather3A_1170, %and3A_1175 : vector<16xi32>
      %bitcast3A_1177 = vector.bitcast %and3A_1176 : vector<16xi32> to vector<16xf32>
      %mul3A_1178 = arith.mulf %bitcast3A_1174, %bitcast3A_1174 : vector<16xf32>
      %add3A_1179 = arith.addf %add3A_1154, %mul3A_1178 : vector<16xf32>
      %mul3A_1180 = arith.mulf %bitcast3A_1177, %bitcast3A_1177 : vector<16xf32>
      %add3A_1181 = arith.addf %add3A_1179, %mul3A_1180 : vector<16xf32>
      %mul3A_1182 = arith.constant 16 : i32
      %mul3A_1183 = arith.muli %add3A_661, %mul3A_1182 : i32
      %swap3A_1184 = arith.constant 18 : i32
      %swap3A_1185 = arith.index_cast %swap3A_1184 : i32 to index
      %swap3A_1186 = arith.index_cast %mul3A_1183 : i32 to index
      %swap3A_1187 = tpu.vector_load %arg8[%swap3A_1185, %swap3A_1186] {strides = array<i32>} : memref<64x512xf32, #tpu.memory_space<vmem>>, vector<16xf32>,
      tpu.vector_store %arg8[%swap3A_1185, %swap3A_1186], %bitcast3A_1174 {strides = array<i32>} : memref<64x512xf32, #tpu.memory_space<vmem>>, vector<16xf32>,
      %mul3A_1188 = arith.constant 16 : i32
      %mul3A_1189 = arith.muli %add3A_661, %mul3A_1188 : i32
      %swap3A_1190 = arith.constant 50 : i32
      %swap3A_1191 = arith.index_cast %swap3A_1190 : i32 to index
      %swap3A_1192 = arith.index_cast %mul3A_1189 : i32 to index
      %swap3A_1193 = tpu.vector_load %arg8[%swap3A_1191, %swap3A_1192] {strides = array<i32>} : memref<64x512xf32, #tpu.memory_space<vmem>>, vector<16xf32>,
      tpu.vector_store %arg8[%swap3A_1191, %swap3A_1192], %bitcast3A_1177 {strides = array<i32>} : memref<64x512xf32, #tpu.memory_space<vmem>>, vector<16xf32>,
      %add3A_1194 = arith.constant 19 : i32
      %add3A_1195 = vector.broadcast %add3A_1194 : i32 to vector<16xi32>
      %add3A_1196 = arith.addi %mul3A_680, %add3A_1195 : vector<16xi32>
      %gather3A_1197 = tpu.vector_load_idx %arg7[%add3A_665, %add3A_1196] : memref<512x128xi32, #tpu.memory_space<vmem>>[vector<16xi32>, vector<16xi32>], vector<16xi32>,
      %shift_left3A_1198 = arith.constant 16 : i32
      %shift_left3A_1199 = vector.broadcast %shift_left3A_1198 : i32 to vector<16xi32>
      %shift_left3A_1200 = arith.shli %gather3A_1197, %shift_left3A_1199 : vector<16xi32>
      %bitcast3A_1201 = vector.bitcast %shift_left3A_1200 : vector<16xi32> to vector<16xf32>
      %and3A_1202 = vector.broadcast %scan3A : i32 to vector<16xi32>
      %and3A_1203 = arith.andi %gather3A_1197, %and3A_1202 : vector<16xi32>
      %bitcast3A_1204 = vector.bitcast %and3A_1203 : vector<16xi32> to vector<16xf32>
      %mul3A_1205 = arith.mulf %bitcast3A_1201, %bitcast3A_1201 : vector<16xf32>
      %add3A_1206 = arith.addf %add3A_1181, %mul3A_1205 : vector<16xf32>
      %mul3A_1207 = arith.mulf %bitcast3A_1204, %bitcast3A_1204 : vector<16xf32>
      %add3A_1208 = arith.addf %add3A_1206, %mul3A_1207 : vector<16xf32>
      %mul3A_1209 = arith.constant 16 : i32
      %mul3A_1210 = arith.muli %add3A_661, %mul3A_1209 : i32
      %swap3A_1211 = arith.constant 19 : i32
      %swap3A_1212 = arith.index_cast %swap3A_1211 : i32 to index
      %swap3A_1213 = arith.index_cast %mul3A_1210 : i32 to index
      %swap3A_1214 = tpu.vector_load %arg8[%swap3A_1212, %swap3A_1213] {strides = array<i32>} : memref<64x512xf32, #tpu.memory_space<vmem>>, vector<16xf32>,
      tpu.vector_store %arg8[%swap3A_1212, %swap3A_1213], %bitcast3A_1201 {strides = array<i32>} : memref<64x512xf32, #tpu.memory_space<vmem>>, vector<16xf32>,
      %mul3A_1215 = arith.constant 16 : i32
      %mul3A_1216 = arith.muli %add3A_661, %mul3A_1215 : i32
      %swap3A_1217 = arith.constant 51 : i32
      %swap3A_1218 = arith.index_cast %swap3A_1217 : i32 to index
      %swap3A_1219 = arith.index_cast %mul3A_1216 : i32 to index
      %swap3A_1220 = tpu.vector_load %arg8[%swap3A_1218, %swap3A_1219] {strides = array<i32>} : memref<64x512xf32, #tpu.memory_space<vmem>>, vector<16xf32>,
      tpu.vector_store %arg8[%swap3A_1218, %swap3A_1219], %bitcast3A_1204 {strides = array<i32>} : memref<64x512xf32, #tpu.memory_space<vmem>>, vector<16xf32>,
      %add3A_1221 = arith.constant 20 : i32
      %add3A_1222 = vector.broadcast %add3A_1221 : i32 to vector<16xi32>
      %add3A_1223 = arith.addi %mul3A_680, %add3A_1222 : vector<16xi32>
      %gather3A_1224 = tpu.vector_load_idx %arg7[%add3A_665, %add3A_1223] : memref<512x128xi32, #tpu.memory_space<vmem>>[vector<16xi32>, vector<16xi32>], vector<16xi32>,
      %shift_left3A_1225 = arith.constant 16 : i32
      %shift_left3A_1226 = vector.broadcast %shift_left3A_1225 : i32 to vector<16xi32>
      %shift_left3A_1227 = arith.shli %gather3A_1224, %shift_left3A_1226 : vector<16xi32>
      %bitcast3A_1228 = vector.bitcast %shift_left3A_1227 : vector<16xi32> to vector<16xf32>
      %and3A_1229 = vector.broadcast %scan3A : i32 to vector<16xi32>
      %and3A_1230 = arith.andi %gather3A_1224, %and3A_1229 : vector<16xi32>
      %bitcast3A_1231 = vector.bitcast %and3A_1230 : vector<16xi32> to vector<16xf32>
      %mul3A_1232 = arith.mulf %bitcast3A_1228, %bitcast3A_1228 : vector<16xf32>
      %add3A_1233 = arith.addf %add3A_1208, %mul3A_1232 : vector<16xf32>
      %mul3A_1234 = arith.mulf %bitcast3A_1231, %bitcast3A_1231 : vector<16xf32>
      %add3A_1235 = arith.addf %add3A_1233, %mul3A_1234 : vector<16xf32>
      %mul3A_1236 = arith.constant 16 : i32
      %mul3A_1237 = arith.muli %add3A_661, %mul3A_1236 : i32
      %swap3A_1238 = arith.constant 20 : i32
      %swap3A_1239 = arith.index_cast %swap3A_1238 : i32 to index
      %swap3A_1240 = arith.index_cast %mul3A_1237 : i32 to index
      %swap3A_1241 = tpu.vector_load %arg8[%swap3A_1239, %swap3A_1240] {strides = array<i32>} : memref<64x512xf32, #tpu.memory_space<vmem>>, vector<16xf32>,
      tpu.vector_store %arg8[%swap3A_1239, %swap3A_1240], %bitcast3A_1228 {strides = array<i32>} : memref<64x512xf32, #tpu.memory_space<vmem>>, vector<16xf32>,
      %mul3A_1242 = arith.constant 16 : i32
      %mul3A_1243 = arith.muli %add3A_661, %mul3A_1242 : i32
      %swap3A_1244 = arith.constant 52 : i32
      %swap3A_1245 = arith.index_cast %swap3A_1244 : i32 to index
      %swap3A_1246 = arith.index_cast %mul3A_1243 : i32 to index
      %swap3A_1247 = tpu.vector_load %arg8[%swap3A_1245, %swap3A_1246] {strides = array<i32>} : memref<64x512xf32, #tpu.memory_space<vmem>>, vector<16xf32>,
      tpu.vector_store %arg8[%swap3A_1245, %swap3A_1246], %bitcast3A_1231 {strides = array<i32>} : memref<64x512xf32, #tpu.memory_space<vmem>>, vector<16xf32>,
      %add3A_1248 = arith.constant 21 : i32
      %add3A_1249 = vector.broadcast %add3A_1248 : i32 to vector<16xi32>
      %add3A_1250 = arith.addi %mul3A_680, %add3A_1249 : vector<16xi32>
      %gather3A_1251 = tpu.vector_load_idx %arg7[%add3A_665, %add3A_1250] : memref<512x128xi32, #tpu.memory_space<vmem>>[vector<16xi32>, vector<16xi32>], vector<16xi32>,
      %shift_left3A_1252 = arith.constant 16 : i32
      %shift_left3A_1253 = vector.broadcast %shift_left3A_1252 : i32 to vector<16xi32>
      %shift_left3A_1254 = arith.shli %gather3A_1251, %shift_left3A_1253 : vector<16xi32>
      %bitcast3A_1255 = vector.bitcast %shift_left3A_1254 : vector<16xi32> to vector<16xf32>
      %and3A_1256 = vector.broadcast %scan3A : i32 to vector<16xi32>
      %and3A_1257 = arith.andi %gather3A_1251, %and3A_1256 : vector<16xi32>
      %bitcast3A_1258 = vector.bitcast %and3A_1257 : vector<16xi32> to vector<16xf32>
      %mul3A_1259 = arith.mulf %bitcast3A_1255, %bitcast3A_1255 : vector<16xf32>
      %add3A_1260 = arith.addf %add3A_1235, %mul3A_1259 : vector<16xf32>
      %mul3A_1261 = arith.mulf %bitcast3A_1258, %bitcast3A_1258 : vector<16xf32>
      %add3A_1262 = arith.addf %add3A_1260, %mul3A_1261 : vector<16xf32>
      %mul3A_1263 = arith.constant 16 : i32
      %mul3A_1264 = arith.muli %add3A_661, %mul3A_1263 : i32
      %swap3A_1265 = arith.constant 21 : i32
      %swap3A_1266 = arith.index_cast %swap3A_1265 : i32 to index
      %swap3A_1267 = arith.index_cast %mul3A_1264 : i32 to index
      %swap3A_1268 = tpu.vector_load %arg8[%swap3A_1266, %swap3A_1267] {strides = array<i32>} : memref<64x512xf32, #tpu.memory_space<vmem>>, vector<16xf32>,
      tpu.vector_store %arg8[%swap3A_1266, %swap3A_1267], %bitcast3A_1255 {strides = array<i32>} : memref<64x512xf32, #tpu.memory_space<vmem>>, vector<16xf32>,
      %mul3A_1269 = arith.constant 16 : i32
      %mul3A_1270 = arith.muli %add3A_661, %mul3A_1269 : i32
      %swap3A_1271 = arith.constant 53 : i32
      %swap3A_1272 = arith.index_cast %swap3A_1271 : i32 to index
      %swap3A_1273 = arith.index_cast %mul3A_1270 : i32 to index
      %swap3A_1274 = tpu.vector_load %arg8[%swap3A_1272, %swap3A_1273] {strides = array<i32>} : memref<64x512xf32, #tpu.memory_space<vmem>>, vector<16xf32>,
      tpu.vector_store %arg8[%swap3A_1272, %swap3A_1273], %bitcast3A_1258 {strides = array<i32>} : memref<64x512xf32, #tpu.memory_space<vmem>>, vector<16xf32>,
      %add3A_1275 = arith.constant 22 : i32
      %add3A_1276 = vector.broadcast %add3A_1275 : i32 to vector<16xi32>
      %add3A_1277 = arith.addi %mul3A_680, %add3A_1276 : vector<16xi32>
      %gather3A_1278 = tpu.vector_load_idx %arg7[%add3A_665, %add3A_1277] : memref<512x128xi32, #tpu.memory_space<vmem>>[vector<16xi32>, vector<16xi32>], vector<16xi32>,
      %shift_left3A_1279 = arith.constant 16 : i32
      %shift_left3A_1280 = vector.broadcast %shift_left3A_1279 : i32 to vector<16xi32>
      %shift_left3A_1281 = arith.shli %gather3A_1278, %shift_left3A_1280 : vector<16xi32>
      %bitcast3A_1282 = vector.bitcast %shift_left3A_1281 : vector<16xi32> to vector<16xf32>
      %and3A_1283 = vector.broadcast %scan3A : i32 to vector<16xi32>
      %and3A_1284 = arith.andi %gather3A_1278, %and3A_1283 : vector<16xi32>
      %bitcast3A_1285 = vector.bitcast %and3A_1284 : vector<16xi32> to vector<16xf32>
      %mul3A_1286 = arith.mulf %bitcast3A_1282, %bitcast3A_1282 : vector<16xf32>
      %add3A_1287 = arith.addf %add3A_1262, %mul3A_1286 : vector<16xf32>
      %mul3A_1288 = arith.mulf %bitcast3A_1285, %bitcast3A_1285 : vector<16xf32>
      %add3A_1289 = arith.addf %add3A_1287, %mul3A_1288 : vector<16xf32>
      %mul3A_1290 = arith.constant 16 : i32
      %mul3A_1291 = arith.muli %add3A_661, %mul3A_1290 : i32
      %swap3A_1292 = arith.constant 22 : i32
      %swap3A_1293 = arith.index_cast %swap3A_1292 : i32 to index
      %swap3A_1294 = arith.index_cast %mul3A_1291 : i32 to index
      %swap3A_1295 = tpu.vector_load %arg8[%swap3A_1293, %swap3A_1294] {strides = array<i32>} : memref<64x512xf32, #tpu.memory_space<vmem>>, vector<16xf32>,
      tpu.vector_store %arg8[%swap3A_1293, %swap3A_1294], %bitcast3A_1282 {strides = array<i32>} : memref<64x512xf32, #tpu.memory_space<vmem>>, vector<16xf32>,
      %mul3A_1296 = arith.constant 16 : i32
      %mul3A_1297 = arith.muli %add3A_661, %mul3A_1296 : i32
      %swap3A_1298 = arith.constant 54 : i32
      %swap3A_1299 = arith.index_cast %swap3A_1298 : i32 to index
      %swap3A_1300 = arith.index_cast %mul3A_1297 : i32 to index
      %swap3A_1301 = tpu.vector_load %arg8[%swap3A_1299, %swap3A_1300] {strides = array<i32>} : memref<64x512xf32, #tpu.memory_space<vmem>>, vector<16xf32>,
      tpu.vector_store %arg8[%swap3A_1299, %swap3A_1300], %bitcast3A_1285 {strides = array<i32>} : memref<64x512xf32, #tpu.memory_space<vmem>>, vector<16xf32>,
      %add3A_1302 = arith.constant 23 : i32
      %add3A_1303 = vector.broadcast %add3A_1302 : i32 to vector<16xi32>
      %add3A_1304 = arith.addi %mul3A_680, %add3A_1303 : vector<16xi32>
      %gather3A_1305 = tpu.vector_load_idx %arg7[%add3A_665, %add3A_1304] : memref<512x128xi32, #tpu.memory_space<vmem>>[vector<16xi32>, vector<16xi32>], vector<16xi32>,
      %shift_left3A_1306 = arith.constant 16 : i32
      %shift_left3A_1307 = vector.broadcast %shift_left3A_1306 : i32 to vector<16xi32>
      %shift_left3A_1308 = arith.shli %gather3A_1305, %shift_left3A_1307 : vector<16xi32>
      %bitcast3A_1309 = vector.bitcast %shift_left3A_1308 : vector<16xi32> to vector<16xf32>
      %and3A_1310 = vector.broadcast %scan3A : i32 to vector<16xi32>
      %and3A_1311 = arith.andi %gather3A_1305, %and3A_1310 : vector<16xi32>
      %bitcast3A_1312 = vector.bitcast %and3A_1311 : vector<16xi32> to vector<16xf32>
      %mul3A_1313 = arith.mulf %bitcast3A_1309, %bitcast3A_1309 : vector<16xf32>
      %add3A_1314 = arith.addf %add3A_1289, %mul3A_1313 : vector<16xf32>
      %mul3A_1315 = arith.mulf %bitcast3A_1312, %bitcast3A_1312 : vector<16xf32>
      %add3A_1316 = arith.addf %add3A_1314, %mul3A_1315 : vector<16xf32>
      %mul3A_1317 = arith.constant 16 : i32
      %mul3A_1318 = arith.muli %add3A_661, %mul3A_1317 : i32
      %swap3A_1319 = arith.constant 23 : i32
      %swap3A_1320 = arith.index_cast %swap3A_1319 : i32 to index
      %swap3A_1321 = arith.index_cast %mul3A_1318 : i32 to index
      %swap3A_1322 = tpu.vector_load %arg8[%swap3A_1320, %swap3A_1321] {strides = array<i32>} : memref<64x512xf32, #tpu.memory_space<vmem>>, vector<16xf32>,
      tpu.vector_store %arg8[%swap3A_1320, %swap3A_1321], %bitcast3A_1309 {strides = array<i32>} : memref<64x512xf32, #tpu.memory_space<vmem>>, vector<16xf32>,
      %mul3A_1323 = arith.constant 16 : i32
      %mul3A_1324 = arith.muli %add3A_661, %mul3A_1323 : i32
      %swap3A_1325 = arith.constant 55 : i32
      %swap3A_1326 = arith.index_cast %swap3A_1325 : i32 to index
      %swap3A_1327 = arith.index_cast %mul3A_1324 : i32 to index
      %swap3A_1328 = tpu.vector_load %arg8[%swap3A_1326, %swap3A_1327] {strides = array<i32>} : memref<64x512xf32, #tpu.memory_space<vmem>>, vector<16xf32>,
      tpu.vector_store %arg8[%swap3A_1326, %swap3A_1327], %bitcast3A_1312 {strides = array<i32>} : memref<64x512xf32, #tpu.memory_space<vmem>>, vector<16xf32>,
      %add3A_1329 = arith.constant 24 : i32
      %add3A_1330 = vector.broadcast %add3A_1329 : i32 to vector<16xi32>
      %add3A_1331 = arith.addi %mul3A_680, %add3A_1330 : vector<16xi32>
      %gather3A_1332 = tpu.vector_load_idx %arg7[%add3A_665, %add3A_1331] : memref<512x128xi32, #tpu.memory_space<vmem>>[vector<16xi32>, vector<16xi32>], vector<16xi32>,
      %shift_left3A_1333 = arith.constant 16 : i32
      %shift_left3A_1334 = vector.broadcast %shift_left3A_1333 : i32 to vector<16xi32>
      %shift_left3A_1335 = arith.shli %gather3A_1332, %shift_left3A_1334 : vector<16xi32>
      %bitcast3A_1336 = vector.bitcast %shift_left3A_1335 : vector<16xi32> to vector<16xf32>
      %and3A_1337 = vector.broadcast %scan3A : i32 to vector<16xi32>
      %and3A_1338 = arith.andi %gather3A_1332, %and3A_1337 : vector<16xi32>
      %bitcast3A_1339 = vector.bitcast %and3A_1338 : vector<16xi32> to vector<16xf32>
      %mul3A_1340 = arith.mulf %bitcast3A_1336, %bitcast3A_1336 : vector<16xf32>
      %add3A_1341 = arith.addf %add3A_1316, %mul3A_1340 : vector<16xf32>
      %mul3A_1342 = arith.mulf %bitcast3A_1339, %bitcast3A_1339 : vector<16xf32>
      %add3A_1343 = arith.addf %add3A_1341, %mul3A_1342 : vector<16xf32>
      %mul3A_1344 = arith.constant 16 : i32
      %mul3A_1345 = arith.muli %add3A_661, %mul3A_1344 : i32
      %swap3A_1346 = arith.constant 24 : i32
      %swap3A_1347 = arith.index_cast %swap3A_1346 : i32 to index
      %swap3A_1348 = arith.index_cast %mul3A_1345 : i32 to index
      %swap3A_1349 = tpu.vector_load %arg8[%swap3A_1347, %swap3A_1348] {strides = array<i32>} : memref<64x512xf32, #tpu.memory_space<vmem>>, vector<16xf32>,
      tpu.vector_store %arg8[%swap3A_1347, %swap3A_1348], %bitcast3A_1336 {strides = array<i32>} : memref<64x512xf32, #tpu.memory_space<vmem>>, vector<16xf32>,
      %mul3A_1350 = arith.constant 16 : i32
      %mul3A_1351 = arith.muli %add3A_661, %mul3A_1350 : i32
      %swap3A_1352 = arith.constant 56 : i32
      %swap3A_1353 = arith.index_cast %swap3A_1352 : i32 to index
      %swap3A_1354 = arith.index_cast %mul3A_1351 : i32 to index
      %swap3A_1355 = tpu.vector_load %arg8[%swap3A_1353, %swap3A_1354] {strides = array<i32>} : memref<64x512xf32, #tpu.memory_space<vmem>>, vector<16xf32>,
      tpu.vector_store %arg8[%swap3A_1353, %swap3A_1354], %bitcast3A_1339 {strides = array<i32>} : memref<64x512xf32, #tpu.memory_space<vmem>>, vector<16xf32>,
      %add3A_1356 = arith.constant 25 : i32
      %add3A_1357 = vector.broadcast %add3A_1356 : i32 to vector<16xi32>
      %add3A_1358 = arith.addi %mul3A_680, %add3A_1357 : vector<16xi32>
      %gather3A_1359 = tpu.vector_load_idx %arg7[%add3A_665, %add3A_1358] : memref<512x128xi32, #tpu.memory_space<vmem>>[vector<16xi32>, vector<16xi32>], vector<16xi32>,
      %shift_left3A_1360 = arith.constant 16 : i32
      %shift_left3A_1361 = vector.broadcast %shift_left3A_1360 : i32 to vector<16xi32>
      %shift_left3A_1362 = arith.shli %gather3A_1359, %shift_left3A_1361 : vector<16xi32>
      %bitcast3A_1363 = vector.bitcast %shift_left3A_1362 : vector<16xi32> to vector<16xf32>
      %and3A_1364 = vector.broadcast %scan3A : i32 to vector<16xi32>
      %and3A_1365 = arith.andi %gather3A_1359, %and3A_1364 : vector<16xi32>
      %bitcast3A_1366 = vector.bitcast %and3A_1365 : vector<16xi32> to vector<16xf32>
      %mul3A_1367 = arith.mulf %bitcast3A_1363, %bitcast3A_1363 : vector<16xf32>
      %add3A_1368 = arith.addf %add3A_1343, %mul3A_1367 : vector<16xf32>
      %mul3A_1369 = arith.mulf %bitcast3A_1366, %bitcast3A_1366 : vector<16xf32>
      %add3A_1370 = arith.addf %add3A_1368, %mul3A_1369 : vector<16xf32>
      %mul3A_1371 = arith.constant 16 : i32
      %mul3A_1372 = arith.muli %add3A_661, %mul3A_1371 : i32
      %swap3A_1373 = arith.constant 25 : i32
      %swap3A_1374 = arith.index_cast %swap3A_1373 : i32 to index
      %swap3A_1375 = arith.index_cast %mul3A_1372 : i32 to index
      %swap3A_1376 = tpu.vector_load %arg8[%swap3A_1374, %swap3A_1375] {strides = array<i32>} : memref<64x512xf32, #tpu.memory_space<vmem>>, vector<16xf32>,
      tpu.vector_store %arg8[%swap3A_1374, %swap3A_1375], %bitcast3A_1363 {strides = array<i32>} : memref<64x512xf32, #tpu.memory_space<vmem>>, vector<16xf32>,
      %mul3A_1377 = arith.constant 16 : i32
      %mul3A_1378 = arith.muli %add3A_661, %mul3A_1377 : i32
      %swap3A_1379 = arith.constant 57 : i32
      %swap3A_1380 = arith.index_cast %swap3A_1379 : i32 to index
      %swap3A_1381 = arith.index_cast %mul3A_1378 : i32 to index
      %swap3A_1382 = tpu.vector_load %arg8[%swap3A_1380, %swap3A_1381] {strides = array<i32>} : memref<64x512xf32, #tpu.memory_space<vmem>>, vector<16xf32>,
      tpu.vector_store %arg8[%swap3A_1380, %swap3A_1381], %bitcast3A_1366 {strides = array<i32>} : memref<64x512xf32, #tpu.memory_space<vmem>>, vector<16xf32>,
      %add3A_1383 = arith.constant 26 : i32
      %add3A_1384 = vector.broadcast %add3A_1383 : i32 to vector<16xi32>
      %add3A_1385 = arith.addi %mul3A_680, %add3A_1384 : vector<16xi32>
      %gather3A_1386 = tpu.vector_load_idx %arg7[%add3A_665, %add3A_1385] : memref<512x128xi32, #tpu.memory_space<vmem>>[vector<16xi32>, vector<16xi32>], vector<16xi32>,
      %shift_left3A_1387 = arith.constant 16 : i32
      %shift_left3A_1388 = vector.broadcast %shift_left3A_1387 : i32 to vector<16xi32>
      %shift_left3A_1389 = arith.shli %gather3A_1386, %shift_left3A_1388 : vector<16xi32>
      %bitcast3A_1390 = vector.bitcast %shift_left3A_1389 : vector<16xi32> to vector<16xf32>
      %and3A_1391 = vector.broadcast %scan3A : i32 to vector<16xi32>
      %and3A_1392 = arith.andi %gather3A_1386, %and3A_1391 : vector<16xi32>
      %bitcast3A_1393 = vector.bitcast %and3A_1392 : vector<16xi32> to vector<16xf32>
      %mul3A_1394 = arith.mulf %bitcast3A_1390, %bitcast3A_1390 : vector<16xf32>
      %add3A_1395 = arith.addf %add3A_1370, %mul3A_1394 : vector<16xf32>
      %mul3A_1396 = arith.mulf %bitcast3A_1393, %bitcast3A_1393 : vector<16xf32>
      %add3A_1397 = arith.addf %add3A_1395, %mul3A_1396 : vector<16xf32>
      %mul3A_1398 = arith.constant 16 : i32
      %mul3A_1399 = arith.muli %add3A_661, %mul3A_1398 : i32
      %swap3A_1400 = arith.constant 26 : i32
      %swap3A_1401 = arith.index_cast %swap3A_1400 : i32 to index
      %swap3A_1402 = arith.index_cast %mul3A_1399 : i32 to index
      %swap3A_1403 = tpu.vector_load %arg8[%swap3A_1401, %swap3A_1402] {strides = array<i32>} : memref<64x512xf32, #tpu.memory_space<vmem>>, vector<16xf32>,
      tpu.vector_store %arg8[%swap3A_1401, %swap3A_1402], %bitcast3A_1390 {strides = array<i32>} : memref<64x512xf32, #tpu.memory_space<vmem>>, vector<16xf32>,
      %mul3A_1404 = arith.constant 16 : i32
      %mul3A_1405 = arith.muli %add3A_661, %mul3A_1404 : i32
      %swap3A_1406 = arith.constant 58 : i32
      %swap3A_1407 = arith.index_cast %swap3A_1406 : i32 to index
      %swap3A_1408 = arith.index_cast %mul3A_1405 : i32 to index
      %swap3A_1409 = tpu.vector_load %arg8[%swap3A_1407, %swap3A_1408] {strides = array<i32>} : memref<64x512xf32, #tpu.memory_space<vmem>>, vector<16xf32>,
      tpu.vector_store %arg8[%swap3A_1407, %swap3A_1408], %bitcast3A_1393 {strides = array<i32>} : memref<64x512xf32, #tpu.memory_space<vmem>>, vector<16xf32>,
      %add3A_1410 = arith.constant 27 : i32
      %add3A_1411 = vector.broadcast %add3A_1410 : i32 to vector<16xi32>
      %add3A_1412 = arith.addi %mul3A_680, %add3A_1411 : vector<16xi32>
      %gather3A_1413 = tpu.vector_load_idx %arg7[%add3A_665, %add3A_1412] : memref<512x128xi32, #tpu.memory_space<vmem>>[vector<16xi32>, vector<16xi32>], vector<16xi32>,
      %shift_left3A_1414 = arith.constant 16 : i32
      %shift_left3A_1415 = vector.broadcast %shift_left3A_1414 : i32 to vector<16xi32>
      %shift_left3A_1416 = arith.shli %gather3A_1413, %shift_left3A_1415 : vector<16xi32>
      %bitcast3A_1417 = vector.bitcast %shift_left3A_1416 : vector<16xi32> to vector<16xf32>
      %and3A_1418 = vector.broadcast %scan3A : i32 to vector<16xi32>
      %and3A_1419 = arith.andi %gather3A_1413, %and3A_1418 : vector<16xi32>
      %bitcast3A_1420 = vector.bitcast %and3A_1419 : vector<16xi32> to vector<16xf32>
      %mul3A_1421 = arith.mulf %bitcast3A_1417, %bitcast3A_1417 : vector<16xf32>
      %add3A_1422 = arith.addf %add3A_1397, %mul3A_1421 : vector<16xf32>
      %mul3A_1423 = arith.mulf %bitcast3A_1420, %bitcast3A_1420 : vector<16xf32>
      %add3A_1424 = arith.addf %add3A_1422, %mul3A_1423 : vector<16xf32>
      %mul3A_1425 = arith.constant 16 : i32
      %mul3A_1426 = arith.muli %add3A_661, %mul3A_1425 : i32
      %swap3A_1427 = arith.constant 27 : i32
      %swap3A_1428 = arith.index_cast %swap3A_1427 : i32 to index
      %swap3A_1429 = arith.index_cast %mul3A_1426 : i32 to index
      %swap3A_1430 = tpu.vector_load %arg8[%swap3A_1428, %swap3A_1429] {strides = array<i32>} : memref<64x512xf32, #tpu.memory_space<vmem>>, vector<16xf32>,
      tpu.vector_store %arg8[%swap3A_1428, %swap3A_1429], %bitcast3A_1417 {strides = array<i32>} : memref<64x512xf32, #tpu.memory_space<vmem>>, vector<16xf32>,
      %mul3A_1431 = arith.constant 16 : i32
      %mul3A_1432 = arith.muli %add3A_661, %mul3A_1431 : i32
      %swap3A_1433 = arith.constant 59 : i32
      %swap3A_1434 = arith.index_cast %swap3A_1433 : i32 to index
      %swap3A_1435 = arith.index_cast %mul3A_1432 : i32 to index
      %swap3A_1436 = tpu.vector_load %arg8[%swap3A_1434, %swap3A_1435] {strides = array<i32>} : memref<64x512xf32, #tpu.memory_space<vmem>>, vector<16xf32>,
      tpu.vector_store %arg8[%swap3A_1434, %swap3A_1435], %bitcast3A_1420 {strides = array<i32>} : memref<64x512xf32, #tpu.memory_space<vmem>>, vector<16xf32>,
      %add3A_1437 = arith.constant 28 : i32
      %add3A_1438 = vector.broadcast %add3A_1437 : i32 to vector<16xi32>
      %add3A_1439 = arith.addi %mul3A_680, %add3A_1438 : vector<16xi32>
      %gather3A_1440 = tpu.vector_load_idx %arg7[%add3A_665, %add3A_1439] : memref<512x128xi32, #tpu.memory_space<vmem>>[vector<16xi32>, vector<16xi32>], vector<16xi32>,
      %shift_left3A_1441 = arith.constant 16 : i32
      %shift_left3A_1442 = vector.broadcast %shift_left3A_1441 : i32 to vector<16xi32>
      %shift_left3A_1443 = arith.shli %gather3A_1440, %shift_left3A_1442 : vector<16xi32>
      %bitcast3A_1444 = vector.bitcast %shift_left3A_1443 : vector<16xi32> to vector<16xf32>
      %and3A_1445 = vector.broadcast %scan3A : i32 to vector<16xi32>
      %and3A_1446 = arith.andi %gather3A_1440, %and3A_1445 : vector<16xi32>
      %bitcast3A_1447 = vector.bitcast %and3A_1446 : vector<16xi32> to vector<16xf32>
      %mul3A_1448 = arith.mulf %bitcast3A_1444, %bitcast3A_1444 : vector<16xf32>
      %add3A_1449 = arith.addf %add3A_1424, %mul3A_1448 : vector<16xf32>
      %mul3A_1450 = arith.mulf %bitcast3A_1447, %bitcast3A_1447 : vector<16xf32>
      %add3A_1451 = arith.addf %add3A_1449, %mul3A_1450 : vector<16xf32>
      %mul3A_1452 = arith.constant 16 : i32
      %mul3A_1453 = arith.muli %add3A_661, %mul3A_1452 : i32
      %swap3A_1454 = arith.constant 28 : i32
      %swap3A_1455 = arith.index_cast %swap3A_1454 : i32 to index
      %swap3A_1456 = arith.index_cast %mul3A_1453 : i32 to index
      %swap3A_1457 = tpu.vector_load %arg8[%swap3A_1455, %swap3A_1456] {strides = array<i32>} : memref<64x512xf32, #tpu.memory_space<vmem>>, vector<16xf32>,
      tpu.vector_store %arg8[%swap3A_1455, %swap3A_1456], %bitcast3A_1444 {strides = array<i32>} : memref<64x512xf32, #tpu.memory_space<vmem>>, vector<16xf32>,
      %mul3A_1458 = arith.constant 16 : i32
      %mul3A_1459 = arith.muli %add3A_661, %mul3A_1458 : i32
      %swap3A_1460 = arith.constant 60 : i32
      %swap3A_1461 = arith.index_cast %swap3A_1460 : i32 to index
      %swap3A_1462 = arith.index_cast %mul3A_1459 : i32 to index
      %swap3A_1463 = tpu.vector_load %arg8[%swap3A_1461, %swap3A_1462] {strides = array<i32>} : memref<64x512xf32, #tpu.memory_space<vmem>>, vector<16xf32>,
      tpu.vector_store %arg8[%swap3A_1461, %swap3A_1462], %bitcast3A_1447 {strides = array<i32>} : memref<64x512xf32, #tpu.memory_space<vmem>>, vector<16xf32>,
      %add3A_1464 = arith.constant 29 : i32
      %add3A_1465 = vector.broadcast %add3A_1464 : i32 to vector<16xi32>
      %add3A_1466 = arith.addi %mul3A_680, %add3A_1465 : vector<16xi32>
      %gather3A_1467 = tpu.vector_load_idx %arg7[%add3A_665, %add3A_1466] : memref<512x128xi32, #tpu.memory_space<vmem>>[vector<16xi32>, vector<16xi32>], vector<16xi32>,
      %shift_left3A_1468 = arith.constant 16 : i32
      %shift_left3A_1469 = vector.broadcast %shift_left3A_1468 : i32 to vector<16xi32>
      %shift_left3A_1470 = arith.shli %gather3A_1467, %shift_left3A_1469 : vector<16xi32>
      %bitcast3A_1471 = vector.bitcast %shift_left3A_1470 : vector<16xi32> to vector<16xf32>
      %and3A_1472 = vector.broadcast %scan3A : i32 to vector<16xi32>
      %and3A_1473 = arith.andi %gather3A_1467, %and3A_1472 : vector<16xi32>
      %bitcast3A_1474 = vector.bitcast %and3A_1473 : vector<16xi32> to vector<16xf32>
      %mul3A_1475 = arith.mulf %bitcast3A_1471, %bitcast3A_1471 : vector<16xf32>
      %add3A_1476 = arith.addf %add3A_1451, %mul3A_1475 : vector<16xf32>
      %mul3A_1477 = arith.mulf %bitcast3A_1474, %bitcast3A_1474 : vector<16xf32>
      %add3A_1478 = arith.addf %add3A_1476, %mul3A_1477 : vector<16xf32>
      %mul3A_1479 = arith.constant 16 : i32
      %mul3A_1480 = arith.muli %add3A_661, %mul3A_1479 : i32
      %swap3A_1481 = arith.constant 29 : i32
      %swap3A_1482 = arith.index_cast %swap3A_1481 : i32 to index
      %swap3A_1483 = arith.index_cast %mul3A_1480 : i32 to index
      %swap3A_1484 = tpu.vector_load %arg8[%swap3A_1482, %swap3A_1483] {strides = array<i32>} : memref<64x512xf32, #tpu.memory_space<vmem>>, vector<16xf32>,
      tpu.vector_store %arg8[%swap3A_1482, %swap3A_1483], %bitcast3A_1471 {strides = array<i32>} : memref<64x512xf32, #tpu.memory_space<vmem>>, vector<16xf32>,
      %mul3A_1485 = arith.constant 16 : i32
      %mul3A_1486 = arith.muli %add3A_661, %mul3A_1485 : i32
      %swap3A_1487 = arith.constant 61 : i32
      %swap3A_1488 = arith.index_cast %swap3A_1487 : i32 to index
      %swap3A_1489 = arith.index_cast %mul3A_1486 : i32 to index
      %swap3A_1490 = tpu.vector_load %arg8[%swap3A_1488, %swap3A_1489] {strides = array<i32>} : memref<64x512xf32, #tpu.memory_space<vmem>>, vector<16xf32>,
      tpu.vector_store %arg8[%swap3A_1488, %swap3A_1489], %bitcast3A_1474 {strides = array<i32>} : memref<64x512xf32, #tpu.memory_space<vmem>>, vector<16xf32>,
      %add3A_1491 = arith.constant 30 : i32
      %add3A_1492 = vector.broadcast %add3A_1491 : i32 to vector<16xi32>
      %add3A_1493 = arith.addi %mul3A_680, %add3A_1492 : vector<16xi32>
      %gather3A_1494 = tpu.vector_load_idx %arg7[%add3A_665, %add3A_1493] : memref<512x128xi32, #tpu.memory_space<vmem>>[vector<16xi32>, vector<16xi32>], vector<16xi32>,
      %shift_left3A_1495 = arith.constant 16 : i32
      %shift_left3A_1496 = vector.broadcast %shift_left3A_1495 : i32 to vector<16xi32>
      %shift_left3A_1497 = arith.shli %gather3A_1494, %shift_left3A_1496 : vector<16xi32>
      %bitcast3A_1498 = vector.bitcast %shift_left3A_1497 : vector<16xi32> to vector<16xf32>
      %and3A_1499 = vector.broadcast %scan3A : i32 to vector<16xi32>
      %and3A_1500 = arith.andi %gather3A_1494, %and3A_1499 : vector<16xi32>
      %bitcast3A_1501 = vector.bitcast %and3A_1500 : vector<16xi32> to vector<16xf32>
      %mul3A_1502 = arith.mulf %bitcast3A_1498, %bitcast3A_1498 : vector<16xf32>
      %add3A_1503 = arith.addf %add3A_1478, %mul3A_1502 : vector<16xf32>
      %mul3A_1504 = arith.mulf %bitcast3A_1501, %bitcast3A_1501 : vector<16xf32>
      %add3A_1505 = arith.addf %add3A_1503, %mul3A_1504 : vector<16xf32>
      %mul3A_1506 = arith.constant 16 : i32
      %mul3A_1507 = arith.muli %add3A_661, %mul3A_1506 : i32
      %swap3A_1508 = arith.constant 30 : i32
      %swap3A_1509 = arith.index_cast %swap3A_1508 : i32 to index
      %swap3A_1510 = arith.index_cast %mul3A_1507 : i32 to index
      %swap3A_1511 = tpu.vector_load %arg8[%swap3A_1509, %swap3A_1510] {strides = array<i32>} : memref<64x512xf32, #tpu.memory_space<vmem>>, vector<16xf32>,
      tpu.vector_store %arg8[%swap3A_1509, %swap3A_1510], %bitcast3A_1498 {strides = array<i32>} : memref<64x512xf32, #tpu.memory_space<vmem>>, vector<16xf32>,
      %mul3A_1512 = arith.constant 16 : i32
      %mul3A_1513 = arith.muli %add3A_661, %mul3A_1512 : i32
      %swap3A_1514 = arith.constant 62 : i32
      %swap3A_1515 = arith.index_cast %swap3A_1514 : i32 to index
      %swap3A_1516 = arith.index_cast %mul3A_1513 : i32 to index
      %swap3A_1517 = tpu.vector_load %arg8[%swap3A_1515, %swap3A_1516] {strides = array<i32>} : memref<64x512xf32, #tpu.memory_space<vmem>>, vector<16xf32>,
      tpu.vector_store %arg8[%swap3A_1515, %swap3A_1516], %bitcast3A_1501 {strides = array<i32>} : memref<64x512xf32, #tpu.memory_space<vmem>>, vector<16xf32>,
      %add3A_1518 = arith.constant 31 : i32
      %add3A_1519 = vector.broadcast %add3A_1518 : i32 to vector<16xi32>
      %add3A_1520 = arith.addi %mul3A_680, %add3A_1519 : vector<16xi32>
      %gather3A_1521 = tpu.vector_load_idx %arg7[%add3A_665, %add3A_1520] : memref<512x128xi32, #tpu.memory_space<vmem>>[vector<16xi32>, vector<16xi32>], vector<16xi32>,
      %shift_left3A_1522 = arith.constant 16 : i32
      %shift_left3A_1523 = vector.broadcast %shift_left3A_1522 : i32 to vector<16xi32>
      %shift_left3A_1524 = arith.shli %gather3A_1521, %shift_left3A_1523 : vector<16xi32>
      %bitcast3A_1525 = vector.bitcast %shift_left3A_1524 : vector<16xi32> to vector<16xf32>
      %and3A_1526 = vector.broadcast %scan3A : i32 to vector<16xi32>
      %and3A_1527 = arith.andi %gather3A_1521, %and3A_1526 : vector<16xi32>
      %bitcast3A_1528 = vector.bitcast %and3A_1527 : vector<16xi32> to vector<16xf32>
      %mul3A_1529 = arith.mulf %bitcast3A_1525, %bitcast3A_1525 : vector<16xf32>
      %add3A_1530 = arith.addf %add3A_1505, %mul3A_1529 : vector<16xf32>
      %mul3A_1531 = arith.mulf %bitcast3A_1528, %bitcast3A_1528 : vector<16xf32>
      %add3A_1532 = arith.addf %add3A_1530, %mul3A_1531 : vector<16xf32>
      %mul3A_1533 = arith.constant 16 : i32
      %mul3A_1534 = arith.muli %add3A_661, %mul3A_1533 : i32
      %swap3A_1535 = arith.constant 31 : i32
      %swap3A_1536 = arith.index_cast %swap3A_1535 : i32 to index
      %swap3A_1537 = arith.index_cast %mul3A_1534 : i32 to index
      %swap3A_1538 = tpu.vector_load %arg8[%swap3A_1536, %swap3A_1537] {strides = array<i32>} : memref<64x512xf32, #tpu.memory_space<vmem>>, vector<16xf32>,
      tpu.vector_store %arg8[%swap3A_1536, %swap3A_1537], %bitcast3A_1525 {strides = array<i32>} : memref<64x512xf32, #tpu.memory_space<vmem>>, vector<16xf32>,
      %mul3A_1539 = arith.constant 16 : i32
      %mul3A_1540 = arith.muli %add3A_661, %mul3A_1539 : i32
      %swap3A_1541 = arith.constant 63 : i32
      %swap3A_1542 = arith.index_cast %swap3A_1541 : i32 to index
      %swap3A_1543 = arith.index_cast %mul3A_1540 : i32 to index
      %swap3A_1544 = tpu.vector_load %arg8[%swap3A_1542, %swap3A_1543] {strides = array<i32>} : memref<64x512xf32, #tpu.memory_space<vmem>>, vector<16xf32>,
      tpu.vector_store %arg8[%swap3A_1542, %swap3A_1543], %bitcast3A_1528 {strides = array<i32>} : memref<64x512xf32, #tpu.memory_space<vmem>>, vector<16xf32>,
      %bitcast3A_1545 = vector.bitcast %add3A_1532 : vector<16xf32> to vector<16xi32>
      %shift_right_arithmetic3A_1546 = arith.constant 1 : i32
      %shift_right_arithmetic3A_1547 = vector.broadcast %shift_right_arithmetic3A_1546 : i32 to vector<16xi32>
      %shift_right_arithmetic3A_1548 = arith.shrsi %bitcast3A_1545, %shift_right_arithmetic3A_1547 : vector<16xi32>
      %sub3A = arith.constant 1597463007 : i32
      %sub3A_1549 = vector.broadcast %sub3A : i32 to vector<16xi32>
      %sub3A_1550 = arith.subi %sub3A_1549, %shift_right_arithmetic3A_1548 : vector<16xi32>
      %bitcast3A_1551 = vector.bitcast %sub3A_1550 : vector<16xi32> to vector<16xf32>
      %mul3A_1552 = arith.constant 5.000000e-01 : f32
      %mul3A_1553 = vector.broadcast %mul3A_1552 : f32 to vector<16xf32>
      %mul3A_1554 = arith.mulf %mul3A_1553, %add3A_1532 : vector<16xf32>
      %mul3A_1555 = arith.mulf %mul3A_1554, %bitcast3A_1551 : vector<16xf32>
      %mul3A_1556 = arith.mulf %mul3A_1555, %bitcast3A_1551 : vector<16xf32>
      %sub3A_1557 = arith.constant 1.500000e+00 : f32
      %sub3A_1558 = vector.broadcast %sub3A_1557 : f32 to vector<16xf32>
      %sub3A_1559 = arith.subf %sub3A_1558, %mul3A_1556 : vector<16xf32>
      %mul3A_1560 = arith.mulf %bitcast3A_1551, %sub3A_1559 : vector<16xf32>
      %mul3A_1561 = arith.constant 5.000000e-01 : f32
      %mul3A_1562 = vector.broadcast %mul3A_1561 : f32 to vector<16xf32>
      %mul3A_1563 = arith.mulf %mul3A_1562, %add3A_1532 : vector<16xf32>
      %mul3A_1564 = arith.mulf %mul3A_1563, %mul3A_1560 : vector<16xf32>
      %mul3A_1565 = arith.mulf %mul3A_1564, %mul3A_1560 : vector<16xf32>
      %sub3A_1566 = arith.constant 1.500000e+00 : f32
      %sub3A_1567 = vector.broadcast %sub3A_1566 : f32 to vector<16xf32>
      %sub3A_1568 = arith.subf %sub3A_1567, %mul3A_1565 : vector<16xf32>
      %mul3A_1569 = arith.mulf %mul3A_1560, %sub3A_1568 : vector<16xf32>
      %mul3A_1570 = arith.constant 5.000000e-01 : f32
      %mul3A_1571 = vector.broadcast %mul3A_1570 : f32 to vector<16xf32>
      %mul3A_1572 = arith.mulf %mul3A_1571, %add3A_1532 : vector<16xf32>
      %mul3A_1573 = arith.mulf %mul3A_1572, %mul3A_1569 : vector<16xf32>
      %mul3A_1574 = arith.mulf %mul3A_1573, %mul3A_1569 : vector<16xf32>
      %sub3A_1575 = arith.constant 1.500000e+00 : f32
      %sub3A_1576 = vector.broadcast %sub3A_1575 : f32 to vector<16xf32>
      %sub3A_1577 = arith.subf %sub3A_1576, %mul3A_1574 : vector<16xf32>
      %mul3A_1578 = arith.mulf %mul3A_1569, %sub3A_1577 : vector<16xf32>
      %mul3A_1579 = arith.constant 16 : i32
      %mul3A_1580 = arith.muli %add3A_661, %mul3A_1579 : i32
      %get3A_1581 = arith.constant 0 : i32
      %get3A_1582 = arith.index_cast %get3A_1581 : i32 to index
      %get3A_1583 = arith.index_cast %mul3A_1580 : i32 to index
      %get3A_1584 = tpu.vector_load %arg8[%get3A_1582, %get3A_1583] {strides = array<i32>} : memref<64x512xf32, #tpu.memory_space<vmem>>, vector<16xf32>,
      %mul3A_1585 = arith.mulf %get3A_1584, %mul3A_1578 : vector<16xf32>
      %swap3A_1586 = arith.constant 0 : i32
      %swap3A_1587 = arith.index_cast %swap3A_1586 : i32 to index
      %swap3A_1588 = arith.index_cast %mul3A_1580 : i32 to index
      %swap3A_1589 = tpu.vector_load %arg8[%swap3A_1587, %swap3A_1588] {strides = array<i32>} : memref<64x512xf32, #tpu.memory_space<vmem>>, vector<16xf32>,
      tpu.vector_store %arg8[%swap3A_1587, %swap3A_1588], %mul3A_1585 {strides = array<i32>} : memref<64x512xf32, #tpu.memory_space<vmem>>, vector<16xf32>,
      %mul3A_1590 = arith.constant 16 : i32
      %mul3A_1591 = arith.muli %add3A_661, %mul3A_1590 : i32
      %get3A_1592 = arith.constant 1 : i32
      %get3A_1593 = arith.index_cast %get3A_1592 : i32 to index
      %get3A_1594 = arith.index_cast %mul3A_1591 : i32 to index
      %get3A_1595 = tpu.vector_load %arg8[%get3A_1593, %get3A_1594] {strides = array<i32>} : memref<64x512xf32, #tpu.memory_space<vmem>>, vector<16xf32>,
      %mul3A_1596 = arith.mulf %get3A_1595, %mul3A_1578 : vector<16xf32>
      %swap3A_1597 = arith.constant 1 : i32
      %swap3A_1598 = arith.index_cast %swap3A_1597 : i32 to index
      %swap3A_1599 = arith.index_cast %mul3A_1591 : i32 to index
      %swap3A_1600 = tpu.vector_load %arg8[%swap3A_1598, %swap3A_1599] {strides = array<i32>} : memref<64x512xf32, #tpu.memory_space<vmem>>, vector<16xf32>,
      tpu.vector_store %arg8[%swap3A_1598, %swap3A_1599], %mul3A_1596 {strides = array<i32>} : memref<64x512xf32, #tpu.memory_space<vmem>>, vector<16xf32>,
      %mul3A_1601 = arith.constant 16 : i32
      %mul3A_1602 = arith.muli %add3A_661, %mul3A_1601 : i32
      %get3A_1603 = arith.constant 2 : i32
      %get3A_1604 = arith.index_cast %get3A_1603 : i32 to index
      %get3A_1605 = arith.index_cast %mul3A_1602 : i32 to index
      %get3A_1606 = tpu.vector_load %arg8[%get3A_1604, %get3A_1605] {strides = array<i32>} : memref<64x512xf32, #tpu.memory_space<vmem>>, vector<16xf32>,
      %mul3A_1607 = arith.mulf %get3A_1606, %mul3A_1578 : vector<16xf32>
      %swap3A_1608 = arith.constant 2 : i32
      %swap3A_1609 = arith.index_cast %swap3A_1608 : i32 to index
      %swap3A_1610 = arith.index_cast %mul3A_1602 : i32 to index
      %swap3A_1611 = tpu.vector_load %arg8[%swap3A_1609, %swap3A_1610] {strides = array<i32>} : memref<64x512xf32, #tpu.memory_space<vmem>>, vector<16xf32>,
      tpu.vector_store %arg8[%swap3A_1609, %swap3A_1610], %mul3A_1607 {strides = array<i32>} : memref<64x512xf32, #tpu.memory_space<vmem>>, vector<16xf32>,
      %mul3A_1612 = arith.constant 16 : i32
      %mul3A_1613 = arith.muli %add3A_661, %mul3A_1612 : i32
      %get3A_1614 = arith.constant 3 : i32
      %get3A_1615 = arith.index_cast %get3A_1614 : i32 to index
      %get3A_1616 = arith.index_cast %mul3A_1613 : i32 to index
      %get3A_1617 = tpu.vector_load %arg8[%get3A_1615, %get3A_1616] {strides = array<i32>} : memref<64x512xf32, #tpu.memory_space<vmem>>, vector<16xf32>,
      %mul3A_1618 = arith.mulf %get3A_1617, %mul3A_1578 : vector<16xf32>
      %swap3A_1619 = arith.constant 3 : i32
      %swap3A_1620 = arith.index_cast %swap3A_1619 : i32 to index
      %swap3A_1621 = arith.index_cast %mul3A_1613 : i32 to index
      %swap3A_1622 = tpu.vector_load %arg8[%swap3A_1620, %swap3A_1621] {strides = array<i32>} : memref<64x512xf32, #tpu.memory_space<vmem>>, vector<16xf32>,
      tpu.vector_store %arg8[%swap3A_1620, %swap3A_1621], %mul3A_1618 {strides = array<i32>} : memref<64x512xf32, #tpu.memory_space<vmem>>, vector<16xf32>,
      %mul3A_1623 = arith.constant 16 : i32
      %mul3A_1624 = arith.muli %add3A_661, %mul3A_1623 : i32
      %get3A_1625 = arith.constant 4 : i32
      %get3A_1626 = arith.index_cast %get3A_1625 : i32 to index
      %get3A_1627 = arith.index_cast %mul3A_1624 : i32 to index
      %get3A_1628 = tpu.vector_load %arg8[%get3A_1626, %get3A_1627] {strides = array<i32>} : memref<64x512xf32, #tpu.memory_space<vmem>>, vector<16xf32>,
      %mul3A_1629 = arith.mulf %get3A_1628, %mul3A_1578 : vector<16xf32>
      %swap3A_1630 = arith.constant 4 : i32
      %swap3A_1631 = arith.index_cast %swap3A_1630 : i32 to index
      %swap3A_1632 = arith.index_cast %mul3A_1624 : i32 to index
      %swap3A_1633 = tpu.vector_load %arg8[%swap3A_1631, %swap3A_1632] {strides = array<i32>} : memref<64x512xf32, #tpu.memory_space<vmem>>, vector<16xf32>,
      tpu.vector_store %arg8[%swap3A_1631, %swap3A_1632], %mul3A_1629 {strides = array<i32>} : memref<64x512xf32, #tpu.memory_space<vmem>>, vector<16xf32>,
      %mul3A_1634 = arith.constant 16 : i32
      %mul3A_1635 = arith.muli %add3A_661, %mul3A_1634 : i32
      %get3A_1636 = arith.constant 5 : i32
      %get3A_1637 = arith.index_cast %get3A_1636 : i32 to index
      %get3A_1638 = arith.index_cast %mul3A_1635 : i32 to index
      %get3A_1639 = tpu.vector_load %arg8[%get3A_1637, %get3A_1638] {strides = array<i32>} : memref<64x512xf32, #tpu.memory_space<vmem>>, vector<16xf32>,
      %mul3A_1640 = arith.mulf %get3A_1639, %mul3A_1578 : vector<16xf32>
      %swap3A_1641 = arith.constant 5 : i32
      %swap3A_1642 = arith.index_cast %swap3A_1641 : i32 to index
      %swap3A_1643 = arith.index_cast %mul3A_1635 : i32 to index
      %swap3A_1644 = tpu.vector_load %arg8[%swap3A_1642, %swap3A_1643] {strides = array<i32>} : memref<64x512xf32, #tpu.memory_space<vmem>>, vector<16xf32>,
      tpu.vector_store %arg8[%swap3A_1642, %swap3A_1643], %mul3A_1640 {strides = array<i32>} : memref<64x512xf32, #tpu.memory_space<vmem>>, vector<16xf32>,
      %mul3A_1645 = arith.constant 16 : i32
      %mul3A_1646 = arith.muli %add3A_661, %mul3A_1645 : i32
      %get3A_1647 = arith.constant 6 : i32
      %get3A_1648 = arith.index_cast %get3A_1647 : i32 to index
      %get3A_1649 = arith.index_cast %mul3A_1646 : i32 to index
      %get3A_1650 = tpu.vector_load %arg8[%get3A_1648, %get3A_1649] {strides = array<i32>} : memref<64x512xf32, #tpu.memory_space<vmem>>, vector<16xf32>,
      %mul3A_1651 = arith.mulf %get3A_1650, %mul3A_1578 : vector<16xf32>
      %swap3A_1652 = arith.constant 6 : i32
      %swap3A_1653 = arith.index_cast %swap3A_1652 : i32 to index
      %swap3A_1654 = arith.index_cast %mul3A_1646 : i32 to index
      %swap3A_1655 = tpu.vector_load %arg8[%swap3A_1653, %swap3A_1654] {strides = array<i32>} : memref<64x512xf32, #tpu.memory_space<vmem>>, vector<16xf32>,
      tpu.vector_store %arg8[%swap3A_1653, %swap3A_1654], %mul3A_1651 {strides = array<i32>} : memref<64x512xf32, #tpu.memory_space<vmem>>, vector<16xf32>,
      %mul3A_1656 = arith.constant 16 : i32
      %mul3A_1657 = arith.muli %add3A_661, %mul3A_1656 : i32
      %get3A_1658 = arith.constant 7 : i32
      %get3A_1659 = arith.index_cast %get3A_1658 : i32 to index
      %get3A_1660 = arith.index_cast %mul3A_1657 : i32 to index
      %get3A_1661 = tpu.vector_load %arg8[%get3A_1659, %get3A_1660] {strides = array<i32>} : memref<64x512xf32, #tpu.memory_space<vmem>>, vector<16xf32>,
      %mul3A_1662 = arith.mulf %get3A_1661, %mul3A_1578 : vector<16xf32>
      %swap3A_1663 = arith.constant 7 : i32
      %swap3A_1664 = arith.index_cast %swap3A_1663 : i32 to index
      %swap3A_1665 = arith.index_cast %mul3A_1657 : i32 to index
      %swap3A_1666 = tpu.vector_load %arg8[%swap3A_1664, %swap3A_1665] {strides = array<i32>} : memref<64x512xf32, #tpu.memory_space<vmem>>, vector<16xf32>,
      tpu.vector_store %arg8[%swap3A_1664, %swap3A_1665], %mul3A_1662 {strides = array<i32>} : memref<64x512xf32, #tpu.memory_space<vmem>>, vector<16xf32>,
      %mul3A_1667 = arith.constant 16 : i32
      %mul3A_1668 = arith.muli %add3A_661, %mul3A_1667 : i32
      %get3A_1669 = arith.constant 8 : i32
      %get3A_1670 = arith.index_cast %get3A_1669 : i32 to index
      %get3A_1671 = arith.index_cast %mul3A_1668 : i32 to index
      %get3A_1672 = tpu.vector_load %arg8[%get3A_1670, %get3A_1671] {strides = array<i32>} : memref<64x512xf32, #tpu.memory_space<vmem>>, vector<16xf32>,
      %mul3A_1673 = arith.mulf %get3A_1672, %mul3A_1578 : vector<16xf32>
      %swap3A_1674 = arith.constant 8 : i32
      %swap3A_1675 = arith.index_cast %swap3A_1674 : i32 to index
      %swap3A_1676 = arith.index_cast %mul3A_1668 : i32 to index
      %swap3A_1677 = tpu.vector_load %arg8[%swap3A_1675, %swap3A_1676] {strides = array<i32>} : memref<64x512xf32, #tpu.memory_space<vmem>>, vector<16xf32>,
      tpu.vector_store %arg8[%swap3A_1675, %swap3A_1676], %mul3A_1673 {strides = array<i32>} : memref<64x512xf32, #tpu.memory_space<vmem>>, vector<16xf32>,
      %mul3A_1678 = arith.constant 16 : i32
      %mul3A_1679 = arith.muli %add3A_661, %mul3A_1678 : i32
      %get3A_1680 = arith.constant 9 : i32
      %get3A_1681 = arith.index_cast %get3A_1680 : i32 to index
      %get3A_1682 = arith.index_cast %mul3A_1679 : i32 to index
      %get3A_1683 = tpu.vector_load %arg8[%get3A_1681, %get3A_1682] {strides = array<i32>} : memref<64x512xf32, #tpu.memory_space<vmem>>, vector<16xf32>,
      %mul3A_1684 = arith.mulf %get3A_1683, %mul3A_1578 : vector<16xf32>
      %swap3A_1685 = arith.constant 9 : i32
      %swap3A_1686 = arith.index_cast %swap3A_1685 : i32 to index
      %swap3A_1687 = arith.index_cast %mul3A_1679 : i32 to index
      %swap3A_1688 = tpu.vector_load %arg8[%swap3A_1686, %swap3A_1687] {strides = array<i32>} : memref<64x512xf32, #tpu.memory_space<vmem>>, vector<16xf32>,
      tpu.vector_store %arg8[%swap3A_1686, %swap3A_1687], %mul3A_1684 {strides = array<i32>} : memref<64x512xf32, #tpu.memory_space<vmem>>, vector<16xf32>,
      %mul3A_1689 = arith.constant 16 : i32
      %mul3A_1690 = arith.muli %add3A_661, %mul3A_1689 : i32
      %get3A_1691 = arith.constant 10 : i32
      %get3A_1692 = arith.index_cast %get3A_1691 : i32 to index
      %get3A_1693 = arith.index_cast %mul3A_1690 : i32 to index
      %get3A_1694 = tpu.vector_load %arg8[%get3A_1692, %get3A_1693] {strides = array<i32>} : memref<64x512xf32, #tpu.memory_space<vmem>>, vector<16xf32>,
      %mul3A_1695 = arith.mulf %get3A_1694, %mul3A_1578 : vector<16xf32>
      %swap3A_1696 = arith.constant 10 : i32
      %swap3A_1697 = arith.index_cast %swap3A_1696 : i32 to index
      %swap3A_1698 = arith.index_cast %mul3A_1690 : i32 to index
      %swap3A_1699 = tpu.vector_load %arg8[%swap3A_1697, %swap3A_1698] {strides = array<i32>} : memref<64x512xf32, #tpu.memory_space<vmem>>, vector<16xf32>,
      tpu.vector_store %arg8[%swap3A_1697, %swap3A_1698], %mul3A_1695 {strides = array<i32>} : memref<64x512xf32, #tpu.memory_space<vmem>>, vector<16xf32>,
      %mul3A_1700 = arith.constant 16 : i32
      %mul3A_1701 = arith.muli %add3A_661, %mul3A_1700 : i32
      %get3A_1702 = arith.constant 11 : i32
      %get3A_1703 = arith.index_cast %get3A_1702 : i32 to index
      %get3A_1704 = arith.index_cast %mul3A_1701 : i32 to index
      %get3A_1705 = tpu.vector_load %arg8[%get3A_1703, %get3A_1704] {strides = array<i32>} : memref<64x512xf32, #tpu.memory_space<vmem>>, vector<16xf32>,
      %mul3A_1706 = arith.mulf %get3A_1705, %mul3A_1578 : vector<16xf32>
      %swap3A_1707 = arith.constant 11 : i32
      %swap3A_1708 = arith.index_cast %swap3A_1707 : i32 to index
      %swap3A_1709 = arith.index_cast %mul3A_1701 : i32 to index
      %swap3A_1710 = tpu.vector_load %arg8[%swap3A_1708, %swap3A_1709] {strides = array<i32>} : memref<64x512xf32, #tpu.memory_space<vmem>>, vector<16xf32>,
      tpu.vector_store %arg8[%swap3A_1708, %swap3A_1709], %mul3A_1706 {strides = array<i32>} : memref<64x512xf32, #tpu.memory_space<vmem>>, vector<16xf32>,
      %mul3A_1711 = arith.constant 16 : i32
      %mul3A_1712 = arith.muli %add3A_661, %mul3A_1711 : i32
      %get3A_1713 = arith.constant 12 : i32
      %get3A_1714 = arith.index_cast %get3A_1713 : i32 to index
      %get3A_1715 = arith.index_cast %mul3A_1712 : i32 to index
      %get3A_1716 = tpu.vector_load %arg8[%get3A_1714, %get3A_1715] {strides = array<i32>} : memref<64x512xf32, #tpu.memory_space<vmem>>, vector<16xf32>,
      %mul3A_1717 = arith.mulf %get3A_1716, %mul3A_1578 : vector<16xf32>
      %swap3A_1718 = arith.constant 12 : i32
      %swap3A_1719 = arith.index_cast %swap3A_1718 : i32 to index
      %swap3A_1720 = arith.index_cast %mul3A_1712 : i32 to index
      %swap3A_1721 = tpu.vector_load %arg8[%swap3A_1719, %swap3A_1720] {strides = array<i32>} : memref<64x512xf32, #tpu.memory_space<vmem>>, vector<16xf32>,
      tpu.vector_store %arg8[%swap3A_1719, %swap3A_1720], %mul3A_1717 {strides = array<i32>} : memref<64x512xf32, #tpu.memory_space<vmem>>, vector<16xf32>,
      %mul3A_1722 = arith.constant 16 : i32
      %mul3A_1723 = arith.muli %add3A_661, %mul3A_1722 : i32
      %get3A_1724 = arith.constant 13 : i32
      %get3A_1725 = arith.index_cast %get3A_1724 : i32 to index
      %get3A_1726 = arith.index_cast %mul3A_1723 : i32 to index
      %get3A_1727 = tpu.vector_load %arg8[%get3A_1725, %get3A_1726] {strides = array<i32>} : memref<64x512xf32, #tpu.memory_space<vmem>>, vector<16xf32>,
      %mul3A_1728 = arith.mulf %get3A_1727, %mul3A_1578 : vector<16xf32>
      %swap3A_1729 = arith.constant 13 : i32
      %swap3A_1730 = arith.index_cast %swap3A_1729 : i32 to index
      %swap3A_1731 = arith.index_cast %mul3A_1723 : i32 to index
      %swap3A_1732 = tpu.vector_load %arg8[%swap3A_1730, %swap3A_1731] {strides = array<i32>} : memref<64x512xf32, #tpu.memory_space<vmem>>, vector<16xf32>,
      tpu.vector_store %arg8[%swap3A_1730, %swap3A_1731], %mul3A_1728 {strides = array<i32>} : memref<64x512xf32, #tpu.memory_space<vmem>>, vector<16xf32>,
      %mul3A_1733 = arith.constant 16 : i32
      %mul3A_1734 = arith.muli %add3A_661, %mul3A_1733 : i32
      %get3A_1735 = arith.constant 14 : i32
      %get3A_1736 = arith.index_cast %get3A_1735 : i32 to index
      %get3A_1737 = arith.index_cast %mul3A_1734 : i32 to index
      %get3A_1738 = tpu.vector_load %arg8[%get3A_1736, %get3A_1737] {strides = array<i32>} : memref<64x512xf32, #tpu.memory_space<vmem>>, vector<16xf32>,
      %mul3A_1739 = arith.mulf %get3A_1738, %mul3A_1578 : vector<16xf32>
      %swap3A_1740 = arith.constant 14 : i32
      %swap3A_1741 = arith.index_cast %swap3A_1740 : i32 to index
      %swap3A_1742 = arith.index_cast %mul3A_1734 : i32 to index
      %swap3A_1743 = tpu.vector_load %arg8[%swap3A_1741, %swap3A_1742] {strides = array<i32>} : memref<64x512xf32, #tpu.memory_space<vmem>>, vector<16xf32>,
      tpu.vector_store %arg8[%swap3A_1741, %swap3A_1742], %mul3A_1739 {strides = array<i32>} : memref<64x512xf32, #tpu.memory_space<vmem>>, vector<16xf32>,
      %mul3A_1744 = arith.constant 16 : i32
      %mul3A_1745 = arith.muli %add3A_661, %mul3A_1744 : i32
      %get3A_1746 = arith.constant 15 : i32
      %get3A_1747 = arith.index_cast %get3A_1746 : i32 to index
      %get3A_1748 = arith.index_cast %mul3A_1745 : i32 to index
      %get3A_1749 = tpu.vector_load %arg8[%get3A_1747, %get3A_1748] {strides = array<i32>} : memref<64x512xf32, #tpu.memory_space<vmem>>, vector<16xf32>,
      %mul3A_1750 = arith.mulf %get3A_1749, %mul3A_1578 : vector<16xf32>
      %swap3A_1751 = arith.constant 15 : i32
      %swap3A_1752 = arith.index_cast %swap3A_1751 : i32 to index
      %swap3A_1753 = arith.index_cast %mul3A_1745 : i32 to index
      %swap3A_1754 = tpu.vector_load %arg8[%swap3A_1752, %swap3A_1753] {strides = array<i32>} : memref<64x512xf32, #tpu.memory_space<vmem>>, vector<16xf32>,
      tpu.vector_store %arg8[%swap3A_1752, %swap3A_1753], %mul3A_1750 {strides = array<i32>} : memref<64x512xf32, #tpu.memory_space<vmem>>, vector<16xf32>,
      %mul3A_1755 = arith.constant 16 : i32
      %mul3A_1756 = arith.muli %add3A_661, %mul3A_1755 : i32
      %get3A_1757 = arith.constant 16 : i32
      %get3A_1758 = arith.index_cast %get3A_1757 : i32 to index
      %get3A_1759 = arith.index_cast %mul3A_1756 : i32 to index
      %get3A_1760 = tpu.vector_load %arg8[%get3A_1758, %get3A_1759] {strides = array<i32>} : memref<64x512xf32, #tpu.memory_space<vmem>>, vector<16xf32>,
      %mul3A_1761 = arith.mulf %get3A_1760, %mul3A_1578 : vector<16xf32>
      %swap3A_1762 = arith.constant 16 : i32
      %swap3A_1763 = arith.index_cast %swap3A_1762 : i32 to index
      %swap3A_1764 = arith.index_cast %mul3A_1756 : i32 to index
      %swap3A_1765 = tpu.vector_load %arg8[%swap3A_1763, %swap3A_1764] {strides = array<i32>} : memref<64x512xf32, #tpu.memory_space<vmem>>, vector<16xf32>,
      tpu.vector_store %arg8[%swap3A_1763, %swap3A_1764], %mul3A_1761 {strides = array<i32>} : memref<64x512xf32, #tpu.memory_space<vmem>>, vector<16xf32>,
      %mul3A_1766 = arith.constant 16 : i32
      %mul3A_1767 = arith.muli %add3A_661, %mul3A_1766 : i32
      %get3A_1768 = arith.constant 17 : i32
      %get3A_1769 = arith.index_cast %get3A_1768 : i32 to index
      %get3A_1770 = arith.index_cast %mul3A_1767 : i32 to index
      %get3A_1771 = tpu.vector_load %arg8[%get3A_1769, %get3A_1770] {strides = array<i32>} : memref<64x512xf32, #tpu.memory_space<vmem>>, vector<16xf32>,
      %mul3A_1772 = arith.mulf %get3A_1771, %mul3A_1578 : vector<16xf32>
      %swap3A_1773 = arith.constant 17 : i32
      %swap3A_1774 = arith.index_cast %swap3A_1773 : i32 to index
      %swap3A_1775 = arith.index_cast %mul3A_1767 : i32 to index
      %swap3A_1776 = tpu.vector_load %arg8[%swap3A_1774, %swap3A_1775] {strides = array<i32>} : memref<64x512xf32, #tpu.memory_space<vmem>>, vector<16xf32>,
      tpu.vector_store %arg8[%swap3A_1774, %swap3A_1775], %mul3A_1772 {strides = array<i32>} : memref<64x512xf32, #tpu.memory_space<vmem>>, vector<16xf32>,
      %mul3A_1777 = arith.constant 16 : i32
      %mul3A_1778 = arith.muli %add3A_661, %mul3A_1777 : i32
      %get3A_1779 = arith.constant 18 : i32
      %get3A_1780 = arith.index_cast %get3A_1779 : i32 to index
      %get3A_1781 = arith.index_cast %mul3A_1778 : i32 to index
      %get3A_1782 = tpu.vector_load %arg8[%get3A_1780, %get3A_1781] {strides = array<i32>} : memref<64x512xf32, #tpu.memory_space<vmem>>, vector<16xf32>,
      %mul3A_1783 = arith.mulf %get3A_1782, %mul3A_1578 : vector<16xf32>
      %swap3A_1784 = arith.constant 18 : i32
      %swap3A_1785 = arith.index_cast %swap3A_1784 : i32 to index
      %swap3A_1786 = arith.index_cast %mul3A_1778 : i32 to index
      %swap3A_1787 = tpu.vector_load %arg8[%swap3A_1785, %swap3A_1786] {strides = array<i32>} : memref<64x512xf32, #tpu.memory_space<vmem>>, vector<16xf32>,
      tpu.vector_store %arg8[%swap3A_1785, %swap3A_1786], %mul3A_1783 {strides = array<i32>} : memref<64x512xf32, #tpu.memory_space<vmem>>, vector<16xf32>,
      %mul3A_1788 = arith.constant 16 : i32
      %mul3A_1789 = arith.muli %add3A_661, %mul3A_1788 : i32
      %get3A_1790 = arith.constant 19 : i32
      %get3A_1791 = arith.index_cast %get3A_1790 : i32 to index
      %get3A_1792 = arith.index_cast %mul3A_1789 : i32 to index
      %get3A_1793 = tpu.vector_load %arg8[%get3A_1791, %get3A_1792] {strides = array<i32>} : memref<64x512xf32, #tpu.memory_space<vmem>>, vector<16xf32>,
      %mul3A_1794 = arith.mulf %get3A_1793, %mul3A_1578 : vector<16xf32>
      %swap3A_1795 = arith.constant 19 : i32
      %swap3A_1796 = arith.index_cast %swap3A_1795 : i32 to index
      %swap3A_1797 = arith.index_cast %mul3A_1789 : i32 to index
      %swap3A_1798 = tpu.vector_load %arg8[%swap3A_1796, %swap3A_1797] {strides = array<i32>} : memref<64x512xf32, #tpu.memory_space<vmem>>, vector<16xf32>,
      tpu.vector_store %arg8[%swap3A_1796, %swap3A_1797], %mul3A_1794 {strides = array<i32>} : memref<64x512xf32, #tpu.memory_space<vmem>>, vector<16xf32>,
      %mul3A_1799 = arith.constant 16 : i32
      %mul3A_1800 = arith.muli %add3A_661, %mul3A_1799 : i32
      %get3A_1801 = arith.constant 20 : i32
      %get3A_1802 = arith.index_cast %get3A_1801 : i32 to index
      %get3A_1803 = arith.index_cast %mul3A_1800 : i32 to index
      %get3A_1804 = tpu.vector_load %arg8[%get3A_1802, %get3A_1803] {strides = array<i32>} : memref<64x512xf32, #tpu.memory_space<vmem>>, vector<16xf32>,
      %mul3A_1805 = arith.mulf %get3A_1804, %mul3A_1578 : vector<16xf32>
      %swap3A_1806 = arith.constant 20 : i32
      %swap3A_1807 = arith.index_cast %swap3A_1806 : i32 to index
      %swap3A_1808 = arith.index_cast %mul3A_1800 : i32 to index
      %swap3A_1809 = tpu.vector_load %arg8[%swap3A_1807, %swap3A_1808] {strides = array<i32>} : memref<64x512xf32, #tpu.memory_space<vmem>>, vector<16xf32>,
      tpu.vector_store %arg8[%swap3A_1807, %swap3A_1808], %mul3A_1805 {strides = array<i32>} : memref<64x512xf32, #tpu.memory_space<vmem>>, vector<16xf32>,
      %mul3A_1810 = arith.constant 16 : i32
      %mul3A_1811 = arith.muli %add3A_661, %mul3A_1810 : i32
      %get3A_1812 = arith.constant 21 : i32
      %get3A_1813 = arith.index_cast %get3A_1812 : i32 to index
      %get3A_1814 = arith.index_cast %mul3A_1811 : i32 to index
      %get3A_1815 = tpu.vector_load %arg8[%get3A_1813, %get3A_1814] {strides = array<i32>} : memref<64x512xf32, #tpu.memory_space<vmem>>, vector<16xf32>,
      %mul3A_1816 = arith.mulf %get3A_1815, %mul3A_1578 : vector<16xf32>
      %swap3A_1817 = arith.constant 21 : i32
      %swap3A_1818 = arith.index_cast %swap3A_1817 : i32 to index
      %swap3A_1819 = arith.index_cast %mul3A_1811 : i32 to index
      %swap3A_1820 = tpu.vector_load %arg8[%swap3A_1818, %swap3A_1819] {strides = array<i32>} : memref<64x512xf32, #tpu.memory_space<vmem>>, vector<16xf32>,
      tpu.vector_store %arg8[%swap3A_1818, %swap3A_1819], %mul3A_1816 {strides = array<i32>} : memref<64x512xf32, #tpu.memory_space<vmem>>, vector<16xf32>,
      %mul3A_1821 = arith.constant 16 : i32
      %mul3A_1822 = arith.muli %add3A_661, %mul3A_1821 : i32
      %get3A_1823 = arith.constant 22 : i32
      %get3A_1824 = arith.index_cast %get3A_1823 : i32 to index
      %get3A_1825 = arith.index_cast %mul3A_1822 : i32 to index
      %get3A_1826 = tpu.vector_load %arg8[%get3A_1824, %get3A_1825] {strides = array<i32>} : memref<64x512xf32, #tpu.memory_space<vmem>>, vector<16xf32>,
      %mul3A_1827 = arith.mulf %get3A_1826, %mul3A_1578 : vector<16xf32>
      %swap3A_1828 = arith.constant 22 : i32
      %swap3A_1829 = arith.index_cast %swap3A_1828 : i32 to index
      %swap3A_1830 = arith.index_cast %mul3A_1822 : i32 to index
      %swap3A_1831 = tpu.vector_load %arg8[%swap3A_1829, %swap3A_1830] {strides = array<i32>} : memref<64x512xf32, #tpu.memory_space<vmem>>, vector<16xf32>,
      tpu.vector_store %arg8[%swap3A_1829, %swap3A_1830], %mul3A_1827 {strides = array<i32>} : memref<64x512xf32, #tpu.memory_space<vmem>>, vector<16xf32>,
      %mul3A_1832 = arith.constant 16 : i32
      %mul3A_1833 = arith.muli %add3A_661, %mul3A_1832 : i32
      %get3A_1834 = arith.constant 23 : i32
      %get3A_1835 = arith.index_cast %get3A_1834 : i32 to index
      %get3A_1836 = arith.index_cast %mul3A_1833 : i32 to index
      %get3A_1837 = tpu.vector_load %arg8[%get3A_1835, %get3A_1836] {strides = array<i32>} : memref<64x512xf32, #tpu.memory_space<vmem>>, vector<16xf32>,
      %mul3A_1838 = arith.mulf %get3A_1837, %mul3A_1578 : vector<16xf32>
      %swap3A_1839 = arith.constant 23 : i32
      %swap3A_1840 = arith.index_cast %swap3A_1839 : i32 to index
      %swap3A_1841 = arith.index_cast %mul3A_1833 : i32 to index
      %swap3A_1842 = tpu.vector_load %arg8[%swap3A_1840, %swap3A_1841] {strides = array<i32>} : memref<64x512xf32, #tpu.memory_space<vmem>>, vector<16xf32>,
      tpu.vector_store %arg8[%swap3A_1840, %swap3A_1841], %mul3A_1838 {strides = array<i32>} : memref<64x512xf32, #tpu.memory_space<vmem>>, vector<16xf32>,
      %mul3A_1843 = arith.constant 16 : i32
      %mul3A_1844 = arith.muli %add3A_661, %mul3A_1843 : i32
      %get3A_1845 = arith.constant 24 : i32
      %get3A_1846 = arith.index_cast %get3A_1845 : i32 to index
      %get3A_1847 = arith.index_cast %mul3A_1844 : i32 to index
      %get3A_1848 = tpu.vector_load %arg8[%get3A_1846, %get3A_1847] {strides = array<i32>} : memref<64x512xf32, #tpu.memory_space<vmem>>, vector<16xf32>,
      %mul3A_1849 = arith.mulf %get3A_1848, %mul3A_1578 : vector<16xf32>
      %swap3A_1850 = arith.constant 24 : i32
      %swap3A_1851 = arith.index_cast %swap3A_1850 : i32 to index
      %swap3A_1852 = arith.index_cast %mul3A_1844 : i32 to index
      %swap3A_1853 = tpu.vector_load %arg8[%swap3A_1851, %swap3A_1852] {strides = array<i32>} : memref<64x512xf32, #tpu.memory_space<vmem>>, vector<16xf32>,
      tpu.vector_store %arg8[%swap3A_1851, %swap3A_1852], %mul3A_1849 {strides = array<i32>} : memref<64x512xf32, #tpu.memory_space<vmem>>, vector<16xf32>,
      %mul3A_1854 = arith.constant 16 : i32
      %mul3A_1855 = arith.muli %add3A_661, %mul3A_1854 : i32
      %get3A_1856 = arith.constant 25 : i32
      %get3A_1857 = arith.index_cast %get3A_1856 : i32 to index
      %get3A_1858 = arith.index_cast %mul3A_1855 : i32 to index
      %get3A_1859 = tpu.vector_load %arg8[%get3A_1857, %get3A_1858] {strides = array<i32>} : memref<64x512xf32, #tpu.memory_space<vmem>>, vector<16xf32>,
      %mul3A_1860 = arith.mulf %get3A_1859, %mul3A_1578 : vector<16xf32>
      %swap3A_1861 = arith.constant 25 : i32
      %swap3A_1862 = arith.index_cast %swap3A_1861 : i32 to index
      %swap3A_1863 = arith.index_cast %mul3A_1855 : i32 to index
      %swap3A_1864 = tpu.vector_load %arg8[%swap3A_1862, %swap3A_1863] {strides = array<i32>} : memref<64x512xf32, #tpu.memory_space<vmem>>, vector<16xf32>,
      tpu.vector_store %arg8[%swap3A_1862, %swap3A_1863], %mul3A_1860 {strides = array<i32>} : memref<64x512xf32, #tpu.memory_space<vmem>>, vector<16xf32>,
      %mul3A_1865 = arith.constant 16 : i32
      %mul3A_1866 = arith.muli %add3A_661, %mul3A_1865 : i32
      %get3A_1867 = arith.constant 26 : i32
      %get3A_1868 = arith.index_cast %get3A_1867 : i32 to index
      %get3A_1869 = arith.index_cast %mul3A_1866 : i32 to index
      %get3A_1870 = tpu.vector_load %arg8[%get3A_1868, %get3A_1869] {strides = array<i32>} : memref<64x512xf32, #tpu.memory_space<vmem>>, vector<16xf32>,
      %mul3A_1871 = arith.mulf %get3A_1870, %mul3A_1578 : vector<16xf32>
      %swap3A_1872 = arith.constant 26 : i32
      %swap3A_1873 = arith.index_cast %swap3A_1872 : i32 to index
      %swap3A_1874 = arith.index_cast %mul3A_1866 : i32 to index
      %swap3A_1875 = tpu.vector_load %arg8[%swap3A_1873, %swap3A_1874] {strides = array<i32>} : memref<64x512xf32, #tpu.memory_space<vmem>>, vector<16xf32>,
      tpu.vector_store %arg8[%swap3A_1873, %swap3A_1874], %mul3A_1871 {strides = array<i32>} : memref<64x512xf32, #tpu.memory_space<vmem>>, vector<16xf32>,
      %mul3A_1876 = arith.constant 16 : i32
      %mul3A_1877 = arith.muli %add3A_661, %mul3A_1876 : i32
      %get3A_1878 = arith.constant 27 : i32
      %get3A_1879 = arith.index_cast %get3A_1878 : i32 to index
      %get3A_1880 = arith.index_cast %mul3A_1877 : i32 to index
      %get3A_1881 = tpu.vector_load %arg8[%get3A_1879, %get3A_1880] {strides = array<i32>} : memref<64x512xf32, #tpu.memory_space<vmem>>, vector<16xf32>,
      %mul3A_1882 = arith.mulf %get3A_1881, %mul3A_1578 : vector<16xf32>
      %swap3A_1883 = arith.constant 27 : i32
      %swap3A_1884 = arith.index_cast %swap3A_1883 : i32 to index
      %swap3A_1885 = arith.index_cast %mul3A_1877 : i32 to index
      %swap3A_1886 = tpu.vector_load %arg8[%swap3A_1884, %swap3A_1885] {strides = array<i32>} : memref<64x512xf32, #tpu.memory_space<vmem>>, vector<16xf32>,
      tpu.vector_store %arg8[%swap3A_1884, %swap3A_1885], %mul3A_1882 {strides = array<i32>} : memref<64x512xf32, #tpu.memory_space<vmem>>, vector<16xf32>,
      %mul3A_1887 = arith.constant 16 : i32
      %mul3A_1888 = arith.muli %add3A_661, %mul3A_1887 : i32
      %get3A_1889 = arith.constant 28 : i32
      %get3A_1890 = arith.index_cast %get3A_1889 : i32 to index
      %get3A_1891 = arith.index_cast %mul3A_1888 : i32 to index
      %get3A_1892 = tpu.vector_load %arg8[%get3A_1890, %get3A_1891] {strides = array<i32>} : memref<64x512xf32, #tpu.memory_space<vmem>>, vector<16xf32>,
      %mul3A_1893 = arith.mulf %get3A_1892, %mul3A_1578 : vector<16xf32>
      %swap3A_1894 = arith.constant 28 : i32
      %swap3A_1895 = arith.index_cast %swap3A_1894 : i32 to index
      %swap3A_1896 = arith.index_cast %mul3A_1888 : i32 to index
      %swap3A_1897 = tpu.vector_load %arg8[%swap3A_1895, %swap3A_1896] {strides = array<i32>} : memref<64x512xf32, #tpu.memory_space<vmem>>, vector<16xf32>,
      tpu.vector_store %arg8[%swap3A_1895, %swap3A_1896], %mul3A_1893 {strides = array<i32>} : memref<64x512xf32, #tpu.memory_space<vmem>>, vector<16xf32>,
      %mul3A_1898 = arith.constant 16 : i32
      %mul3A_1899 = arith.muli %add3A_661, %mul3A_1898 : i32
      %get3A_1900 = arith.constant 29 : i32
      %get3A_1901 = arith.index_cast %get3A_1900 : i32 to index
      %get3A_1902 = arith.index_cast %mul3A_1899 : i32 to index
      %get3A_1903 = tpu.vector_load %arg8[%get3A_1901, %get3A_1902] {strides = array<i32>} : memref<64x512xf32, #tpu.memory_space<vmem>>, vector<16xf32>,
      %mul3A_1904 = arith.mulf %get3A_1903, %mul3A_1578 : vector<16xf32>
      %swap3A_1905 = arith.constant 29 : i32
      %swap3A_1906 = arith.index_cast %swap3A_1905 : i32 to index
      %swap3A_1907 = arith.index_cast %mul3A_1899 : i32 to index
      %swap3A_1908 = tpu.vector_load %arg8[%swap3A_1906, %swap3A_1907] {strides = array<i32>} : memref<64x512xf32, #tpu.memory_space<vmem>>, vector<16xf32>,
      tpu.vector_store %arg8[%swap3A_1906, %swap3A_1907], %mul3A_1904 {strides = array<i32>} : memref<64x512xf32, #tpu.memory_space<vmem>>, vector<16xf32>,
      %mul3A_1909 = arith.constant 16 : i32
      %mul3A_1910 = arith.muli %add3A_661, %mul3A_1909 : i32
      %get3A_1911 = arith.constant 30 : i32
      %get3A_1912 = arith.index_cast %get3A_1911 : i32 to index
      %get3A_1913 = arith.index_cast %mul3A_1910 : i32 to index
      %get3A_1914 = tpu.vector_load %arg8[%get3A_1912, %get3A_1913] {strides = array<i32>} : memref<64x512xf32, #tpu.memory_space<vmem>>, vector<16xf32>,
      %mul3A_1915 = arith.mulf %get3A_1914, %mul3A_1578 : vector<16xf32>
      %swap3A_1916 = arith.constant 30 : i32
      %swap3A_1917 = arith.index_cast %swap3A_1916 : i32 to index
      %swap3A_1918 = arith.index_cast %mul3A_1910 : i32 to index
      %swap3A_1919 = tpu.vector_load %arg8[%swap3A_1917, %swap3A_1918] {strides = array<i32>} : memref<64x512xf32, #tpu.memory_space<vmem>>, vector<16xf32>,
      tpu.vector_store %arg8[%swap3A_1917, %swap3A_1918], %mul3A_1915 {strides = array<i32>} : memref<64x512xf32, #tpu.memory_space<vmem>>, vector<16xf32>,
      %mul3A_1920 = arith.constant 16 : i32
      %mul3A_1921 = arith.muli %add3A_661, %mul3A_1920 : i32
      %get3A_1922 = arith.constant 31 : i32
      %get3A_1923 = arith.index_cast %get3A_1922 : i32 to index
      %get3A_1924 = arith.index_cast %mul3A_1921 : i32 to index
      %get3A_1925 = tpu.vector_load %arg8[%get3A_1923, %get3A_1924] {strides = array<i32>} : memref<64x512xf32, #tpu.memory_space<vmem>>, vector<16xf32>,
      %mul3A_1926 = arith.mulf %get3A_1925, %mul3A_1578 : vector<16xf32>
      %swap3A_1927 = arith.constant 31 : i32
      %swap3A_1928 = arith.index_cast %swap3A_1927 : i32 to index
      %swap3A_1929 = arith.index_cast %mul3A_1921 : i32 to index
      %swap3A_1930 = tpu.vector_load %arg8[%swap3A_1928, %swap3A_1929] {strides = array<i32>} : memref<64x512xf32, #tpu.memory_space<vmem>>, vector<16xf32>,
      tpu.vector_store %arg8[%swap3A_1928, %swap3A_1929], %mul3A_1926 {strides = array<i32>} : memref<64x512xf32, #tpu.memory_space<vmem>>, vector<16xf32>,
      %mul3A_1931 = arith.constant 16 : i32
      %mul3A_1932 = arith.muli %add3A_661, %mul3A_1931 : i32
      %get3A_1933 = arith.constant 32 : i32
      %get3A_1934 = arith.index_cast %get3A_1933 : i32 to index
      %get3A_1935 = arith.index_cast %mul3A_1932 : i32 to index
      %get3A_1936 = tpu.vector_load %arg8[%get3A_1934, %get3A_1935] {strides = array<i32>} : memref<64x512xf32, #tpu.memory_space<vmem>>, vector<16xf32>,
      %mul3A_1937 = arith.mulf %get3A_1936, %mul3A_1578 : vector<16xf32>
      %swap3A_1938 = arith.constant 32 : i32
      %swap3A_1939 = arith.index_cast %swap3A_1938 : i32 to index
      %swap3A_1940 = arith.index_cast %mul3A_1932 : i32 to index
      %swap3A_1941 = tpu.vector_load %arg8[%swap3A_1939, %swap3A_1940] {strides = array<i32>} : memref<64x512xf32, #tpu.memory_space<vmem>>, vector<16xf32>,
      tpu.vector_store %arg8[%swap3A_1939, %swap3A_1940], %mul3A_1937 {strides = array<i32>} : memref<64x512xf32, #tpu.memory_space<vmem>>, vector<16xf32>,
      %mul3A_1942 = arith.constant 16 : i32
      %mul3A_1943 = arith.muli %add3A_661, %mul3A_1942 : i32
      %get3A_1944 = arith.constant 33 : i32
      %get3A_1945 = arith.index_cast %get3A_1944 : i32 to index
      %get3A_1946 = arith.index_cast %mul3A_1943 : i32 to index
      %get3A_1947 = tpu.vector_load %arg8[%get3A_1945, %get3A_1946] {strides = array<i32>} : memref<64x512xf32, #tpu.memory_space<vmem>>, vector<16xf32>,
      %mul3A_1948 = arith.mulf %get3A_1947, %mul3A_1578 : vector<16xf32>
      %swap3A_1949 = arith.constant 33 : i32
      %swap3A_1950 = arith.index_cast %swap3A_1949 : i32 to index
      %swap3A_1951 = arith.index_cast %mul3A_1943 : i32 to index
      %swap3A_1952 = tpu.vector_load %arg8[%swap3A_1950, %swap3A_1951] {strides = array<i32>} : memref<64x512xf32, #tpu.memory_space<vmem>>, vector<16xf32>,
      tpu.vector_store %arg8[%swap3A_1950, %swap3A_1951], %mul3A_1948 {strides = array<i32>} : memref<64x512xf32, #tpu.memory_space<vmem>>, vector<16xf32>,
      %mul3A_1953 = arith.constant 16 : i32
      %mul3A_1954 = arith.muli %add3A_661, %mul3A_1953 : i32
      %get3A_1955 = arith.constant 34 : i32
      %get3A_1956 = arith.index_cast %get3A_1955 : i32 to index
      %get3A_1957 = arith.index_cast %mul3A_1954 : i32 to index
      %get3A_1958 = tpu.vector_load %arg8[%get3A_1956, %get3A_1957] {strides = array<i32>} : memref<64x512xf32, #tpu.memory_space<vmem>>, vector<16xf32>,
      %mul3A_1959 = arith.mulf %get3A_1958, %mul3A_1578 : vector<16xf32>
      %swap3A_1960 = arith.constant 34 : i32
      %swap3A_1961 = arith.index_cast %swap3A_1960 : i32 to index
      %swap3A_1962 = arith.index_cast %mul3A_1954 : i32 to index
      %swap3A_1963 = tpu.vector_load %arg8[%swap3A_1961, %swap3A_1962] {strides = array<i32>} : memref<64x512xf32, #tpu.memory_space<vmem>>, vector<16xf32>,
      tpu.vector_store %arg8[%swap3A_1961, %swap3A_1962], %mul3A_1959 {strides = array<i32>} : memref<64x512xf32, #tpu.memory_space<vmem>>, vector<16xf32>,
      %mul3A_1964 = arith.constant 16 : i32
      %mul3A_1965 = arith.muli %add3A_661, %mul3A_1964 : i32
      %get3A_1966 = arith.constant 35 : i32
      %get3A_1967 = arith.index_cast %get3A_1966 : i32 to index
      %get3A_1968 = arith.index_cast %mul3A_1965 : i32 to index
      %get3A_1969 = tpu.vector_load %arg8[%get3A_1967, %get3A_1968] {strides = array<i32>} : memref<64x512xf32, #tpu.memory_space<vmem>>, vector<16xf32>,
      %mul3A_1970 = arith.mulf %get3A_1969, %mul3A_1578 : vector<16xf32>
      %swap3A_1971 = arith.constant 35 : i32
      %swap3A_1972 = arith.index_cast %swap3A_1971 : i32 to index
      %swap3A_1973 = arith.index_cast %mul3A_1965 : i32 to index
      %swap3A_1974 = tpu.vector_load %arg8[%swap3A_1972, %swap3A_1973] {strides = array<i32>} : memref<64x512xf32, #tpu.memory_space<vmem>>, vector<16xf32>,
      tpu.vector_store %arg8[%swap3A_1972, %swap3A_1973], %mul3A_1970 {strides = array<i32>} : memref<64x512xf32, #tpu.memory_space<vmem>>, vector<16xf32>,
      %mul3A_1975 = arith.constant 16 : i32
      %mul3A_1976 = arith.muli %add3A_661, %mul3A_1975 : i32
      %get3A_1977 = arith.constant 36 : i32
      %get3A_1978 = arith.index_cast %get3A_1977 : i32 to index
      %get3A_1979 = arith.index_cast %mul3A_1976 : i32 to index
      %get3A_1980 = tpu.vector_load %arg8[%get3A_1978, %get3A_1979] {strides = array<i32>} : memref<64x512xf32, #tpu.memory_space<vmem>>, vector<16xf32>,
      %mul3A_1981 = arith.mulf %get3A_1980, %mul3A_1578 : vector<16xf32>
      %swap3A_1982 = arith.constant 36 : i32
      %swap3A_1983 = arith.index_cast %swap3A_1982 : i32 to index
      %swap3A_1984 = arith.index_cast %mul3A_1976 : i32 to index
      %swap3A_1985 = tpu.vector_load %arg8[%swap3A_1983, %swap3A_1984] {strides = array<i32>} : memref<64x512xf32, #tpu.memory_space<vmem>>, vector<16xf32>,
      tpu.vector_store %arg8[%swap3A_1983, %swap3A_1984], %mul3A_1981 {strides = array<i32>} : memref<64x512xf32, #tpu.memory_space<vmem>>, vector<16xf32>,
      %mul3A_1986 = arith.constant 16 : i32
      %mul3A_1987 = arith.muli %add3A_661, %mul3A_1986 : i32
      %get3A_1988 = arith.constant 37 : i32
      %get3A_1989 = arith.index_cast %get3A_1988 : i32 to index
      %get3A_1990 = arith.index_cast %mul3A_1987 : i32 to index
      %get3A_1991 = tpu.vector_load %arg8[%get3A_1989, %get3A_1990] {strides = array<i32>} : memref<64x512xf32, #tpu.memory_space<vmem>>, vector<16xf32>,
      %mul3A_1992 = arith.mulf %get3A_1991, %mul3A_1578 : vector<16xf32>
      %swap3A_1993 = arith.constant 37 : i32
      %swap3A_1994 = arith.index_cast %swap3A_1993 : i32 to index
      %swap3A_1995 = arith.index_cast %mul3A_1987 : i32 to index
      %swap3A_1996 = tpu.vector_load %arg8[%swap3A_1994, %swap3A_1995] {strides = array<i32>} : memref<64x512xf32, #tpu.memory_space<vmem>>, vector<16xf32>,
      tpu.vector_store %arg8[%swap3A_1994, %swap3A_1995], %mul3A_1992 {strides = array<i32>} : memref<64x512xf32, #tpu.memory_space<vmem>>, vector<16xf32>,
      %mul3A_1997 = arith.constant 16 : i32
      %mul3A_1998 = arith.muli %add3A_661, %mul3A_1997 : i32
      %get3A_1999 = arith.constant 38 : i32
      %get3A_2000 = arith.index_cast %get3A_1999 : i32 to index
      %get3A_2001 = arith.index_cast %mul3A_1998 : i32 to index
      %get3A_2002 = tpu.vector_load %arg8[%get3A_2000, %get3A_2001] {strides = array<i32>} : memref<64x512xf32, #tpu.memory_space<vmem>>, vector<16xf32>,
      %mul3A_2003 = arith.mulf %get3A_2002, %mul3A_1578 : vector<16xf32>
      %swap3A_2004 = arith.constant 38 : i32
      %swap3A_2005 = arith.index_cast %swap3A_2004 : i32 to index
      %swap3A_2006 = arith.index_cast %mul3A_1998 : i32 to index
      %swap3A_2007 = tpu.vector_load %arg8[%swap3A_2005, %swap3A_2006] {strides = array<i32>} : memref<64x512xf32, #tpu.memory_space<vmem>>, vector<16xf32>,
      tpu.vector_store %arg8[%swap3A_2005, %swap3A_2006], %mul3A_2003 {strides = array<i32>} : memref<64x512xf32, #tpu.memory_space<vmem>>, vector<16xf32>,
      %mul3A_2008 = arith.constant 16 : i32
      %mul3A_2009 = arith.muli %add3A_661, %mul3A_2008 : i32
      %get3A_2010 = arith.constant 39 : i32
      %get3A_2011 = arith.index_cast %get3A_2010 : i32 to index
      %get3A_2012 = arith.index_cast %mul3A_2009 : i32 to index
      %get3A_2013 = tpu.vector_load %arg8[%get3A_2011, %get3A_2012] {strides = array<i32>} : memref<64x512xf32, #tpu.memory_space<vmem>>, vector<16xf32>,
      %mul3A_2014 = arith.mulf %get3A_2013, %mul3A_1578 : vector<16xf32>
      %swap3A_2015 = arith.constant 39 : i32
      %swap3A_2016 = arith.index_cast %swap3A_2015 : i32 to index
      %swap3A_2017 = arith.index_cast %mul3A_2009 : i32 to index
      %swap3A_2018 = tpu.vector_load %arg8[%swap3A_2016, %swap3A_2017] {strides = array<i32>} : memref<64x512xf32, #tpu.memory_space<vmem>>, vector<16xf32>,
      tpu.vector_store %arg8[%swap3A_2016, %swap3A_2017], %mul3A_2014 {strides = array<i32>} : memref<64x512xf32, #tpu.memory_space<vmem>>, vector<16xf32>,
      %mul3A_2019 = arith.constant 16 : i32
      %mul3A_2020 = arith.muli %add3A_661, %mul3A_2019 : i32
      %get3A_2021 = arith.constant 40 : i32
      %get3A_2022 = arith.index_cast %get3A_2021 : i32 to index
      %get3A_2023 = arith.index_cast %mul3A_2020 : i32 to index
      %get3A_2024 = tpu.vector_load %arg8[%get3A_2022, %get3A_2023] {strides = array<i32>} : memref<64x512xf32, #tpu.memory_space<vmem>>, vector<16xf32>,
      %mul3A_2025 = arith.mulf %get3A_2024, %mul3A_1578 : vector<16xf32>
      %swap3A_2026 = arith.constant 40 : i32
      %swap3A_2027 = arith.index_cast %swap3A_2026 : i32 to index
      %swap3A_2028 = arith.index_cast %mul3A_2020 : i32 to index
      %swap3A_2029 = tpu.vector_load %arg8[%swap3A_2027, %swap3A_2028] {strides = array<i32>} : memref<64x512xf32, #tpu.memory_space<vmem>>, vector<16xf32>,
      tpu.vector_store %arg8[%swap3A_2027, %swap3A_2028], %mul3A_2025 {strides = array<i32>} : memref<64x512xf32, #tpu.memory_space<vmem>>, vector<16xf32>,
      %mul3A_2030 = arith.constant 16 : i32
      %mul3A_2031 = arith.muli %add3A_661, %mul3A_2030 : i32
      %get3A_2032 = arith.constant 41 : i32
      %get3A_2033 = arith.index_cast %get3A_2032 : i32 to index
      %get3A_2034 = arith.index_cast %mul3A_2031 : i32 to index
      %get3A_2035 = tpu.vector_load %arg8[%get3A_2033, %get3A_2034] {strides = array<i32>} : memref<64x512xf32, #tpu.memory_space<vmem>>, vector<16xf32>,
      %mul3A_2036 = arith.mulf %get3A_2035, %mul3A_1578 : vector<16xf32>
      %swap3A_2037 = arith.constant 41 : i32
      %swap3A_2038 = arith.index_cast %swap3A_2037 : i32 to index
      %swap3A_2039 = arith.index_cast %mul3A_2031 : i32 to index
      %swap3A_2040 = tpu.vector_load %arg8[%swap3A_2038, %swap3A_2039] {strides = array<i32>} : memref<64x512xf32, #tpu.memory_space<vmem>>, vector<16xf32>,
      tpu.vector_store %arg8[%swap3A_2038, %swap3A_2039], %mul3A_2036 {strides = array<i32>} : memref<64x512xf32, #tpu.memory_space<vmem>>, vector<16xf32>,
      %mul3A_2041 = arith.constant 16 : i32
      %mul3A_2042 = arith.muli %add3A_661, %mul3A_2041 : i32
      %get3A_2043 = arith.constant 42 : i32
      %get3A_2044 = arith.index_cast %get3A_2043 : i32 to index
      %get3A_2045 = arith.index_cast %mul3A_2042 : i32 to index
      %get3A_2046 = tpu.vector_load %arg8[%get3A_2044, %get3A_2045] {strides = array<i32>} : memref<64x512xf32, #tpu.memory_space<vmem>>, vector<16xf32>,
      %mul3A_2047 = arith.mulf %get3A_2046, %mul3A_1578 : vector<16xf32>
      %swap3A_2048 = arith.constant 42 : i32
      %swap3A_2049 = arith.index_cast %swap3A_2048 : i32 to index
      %swap3A_2050 = arith.index_cast %mul3A_2042 : i32 to index
      %swap3A_2051 = tpu.vector_load %arg8[%swap3A_2049, %swap3A_2050] {strides = array<i32>} : memref<64x512xf32, #tpu.memory_space<vmem>>, vector<16xf32>,
      tpu.vector_store %arg8[%swap3A_2049, %swap3A_2050], %mul3A_2047 {strides = array<i32>} : memref<64x512xf32, #tpu.memory_space<vmem>>, vector<16xf32>,
      %mul3A_2052 = arith.constant 16 : i32
      %mul3A_2053 = arith.muli %add3A_661, %mul3A_2052 : i32
      %get3A_2054 = arith.constant 43 : i32
      %get3A_2055 = arith.index_cast %get3A_2054 : i32 to index
      %get3A_2056 = arith.index_cast %mul3A_2053 : i32 to index
      %get3A_2057 = tpu.vector_load %arg8[%get3A_2055, %get3A_2056] {strides = array<i32>} : memref<64x512xf32, #tpu.memory_space<vmem>>, vector<16xf32>,
      %mul3A_2058 = arith.mulf %get3A_2057, %mul3A_1578 : vector<16xf32>
      %swap3A_2059 = arith.constant 43 : i32
      %swap3A_2060 = arith.index_cast %swap3A_2059 : i32 to index
      %swap3A_2061 = arith.index_cast %mul3A_2053 : i32 to index
      %swap3A_2062 = tpu.vector_load %arg8[%swap3A_2060, %swap3A_2061] {strides = array<i32>} : memref<64x512xf32, #tpu.memory_space<vmem>>, vector<16xf32>,
      tpu.vector_store %arg8[%swap3A_2060, %swap3A_2061], %mul3A_2058 {strides = array<i32>} : memref<64x512xf32, #tpu.memory_space<vmem>>, vector<16xf32>,
      %mul3A_2063 = arith.constant 16 : i32
      %mul3A_2064 = arith.muli %add3A_661, %mul3A_2063 : i32
      %get3A_2065 = arith.constant 44 : i32
      %get3A_2066 = arith.index_cast %get3A_2065 : i32 to index
      %get3A_2067 = arith.index_cast %mul3A_2064 : i32 to index
      %get3A_2068 = tpu.vector_load %arg8[%get3A_2066, %get3A_2067] {strides = array<i32>} : memref<64x512xf32, #tpu.memory_space<vmem>>, vector<16xf32>,
      %mul3A_2069 = arith.mulf %get3A_2068, %mul3A_1578 : vector<16xf32>
      %swap3A_2070 = arith.constant 44 : i32
      %swap3A_2071 = arith.index_cast %swap3A_2070 : i32 to index
      %swap3A_2072 = arith.index_cast %mul3A_2064 : i32 to index
      %swap3A_2073 = tpu.vector_load %arg8[%swap3A_2071, %swap3A_2072] {strides = array<i32>} : memref<64x512xf32, #tpu.memory_space<vmem>>, vector<16xf32>,
      tpu.vector_store %arg8[%swap3A_2071, %swap3A_2072], %mul3A_2069 {strides = array<i32>} : memref<64x512xf32, #tpu.memory_space<vmem>>, vector<16xf32>,
      %mul3A_2074 = arith.constant 16 : i32
      %mul3A_2075 = arith.muli %add3A_661, %mul3A_2074 : i32
      %get3A_2076 = arith.constant 45 : i32
      %get3A_2077 = arith.index_cast %get3A_2076 : i32 to index
      %get3A_2078 = arith.index_cast %mul3A_2075 : i32 to index
      %get3A_2079 = tpu.vector_load %arg8[%get3A_2077, %get3A_2078] {strides = array<i32>} : memref<64x512xf32, #tpu.memory_space<vmem>>, vector<16xf32>,
      %mul3A_2080 = arith.mulf %get3A_2079, %mul3A_1578 : vector<16xf32>
      %swap3A_2081 = arith.constant 45 : i32
      %swap3A_2082 = arith.index_cast %swap3A_2081 : i32 to index
      %swap3A_2083 = arith.index_cast %mul3A_2075 : i32 to index
      %swap3A_2084 = tpu.vector_load %arg8[%swap3A_2082, %swap3A_2083] {strides = array<i32>} : memref<64x512xf32, #tpu.memory_space<vmem>>, vector<16xf32>,
      tpu.vector_store %arg8[%swap3A_2082, %swap3A_2083], %mul3A_2080 {strides = array<i32>} : memref<64x512xf32, #tpu.memory_space<vmem>>, vector<16xf32>,
      %mul3A_2085 = arith.constant 16 : i32
      %mul3A_2086 = arith.muli %add3A_661, %mul3A_2085 : i32
      %get3A_2087 = arith.constant 46 : i32
      %get3A_2088 = arith.index_cast %get3A_2087 : i32 to index
      %get3A_2089 = arith.index_cast %mul3A_2086 : i32 to index
      %get3A_2090 = tpu.vector_load %arg8[%get3A_2088, %get3A_2089] {strides = array<i32>} : memref<64x512xf32, #tpu.memory_space<vmem>>, vector<16xf32>,
      %mul3A_2091 = arith.mulf %get3A_2090, %mul3A_1578 : vector<16xf32>
      %swap3A_2092 = arith.constant 46 : i32
      %swap3A_2093 = arith.index_cast %swap3A_2092 : i32 to index
      %swap3A_2094 = arith.index_cast %mul3A_2086 : i32 to index
      %swap3A_2095 = tpu.vector_load %arg8[%swap3A_2093, %swap3A_2094] {strides = array<i32>} : memref<64x512xf32, #tpu.memory_space<vmem>>, vector<16xf32>,
      tpu.vector_store %arg8[%swap3A_2093, %swap3A_2094], %mul3A_2091 {strides = array<i32>} : memref<64x512xf32, #tpu.memory_space<vmem>>, vector<16xf32>,
      %mul3A_2096 = arith.constant 16 : i32
      %mul3A_2097 = arith.muli %add3A_661, %mul3A_2096 : i32
      %get3A_2098 = arith.constant 47 : i32
      %get3A_2099 = arith.index_cast %get3A_2098 : i32 to index
      %get3A_2100 = arith.index_cast %mul3A_2097 : i32 to index
      %get3A_2101 = tpu.vector_load %arg8[%get3A_2099, %get3A_2100] {strides = array<i32>} : memref<64x512xf32, #tpu.memory_space<vmem>>, vector<16xf32>,
      %mul3A_2102 = arith.mulf %get3A_2101, %mul3A_1578 : vector<16xf32>
      %swap3A_2103 = arith.constant 47 : i32
      %swap3A_2104 = arith.index_cast %swap3A_2103 : i32 to index
      %swap3A_2105 = arith.index_cast %mul3A_2097 : i32 to index
      %swap3A_2106 = tpu.vector_load %arg8[%swap3A_2104, %swap3A_2105] {strides = array<i32>} : memref<64x512xf32, #tpu.memory_space<vmem>>, vector<16xf32>,
      tpu.vector_store %arg8[%swap3A_2104, %swap3A_2105], %mul3A_2102 {strides = array<i32>} : memref<64x512xf32, #tpu.memory_space<vmem>>, vector<16xf32>,
      %mul3A_2107 = arith.constant 16 : i32
      %mul3A_2108 = arith.muli %add3A_661, %mul3A_2107 : i32
      %get3A_2109 = arith.constant 48 : i32
      %get3A_2110 = arith.index_cast %get3A_2109 : i32 to index
      %get3A_2111 = arith.index_cast %mul3A_2108 : i32 to index
      %get3A_2112 = tpu.vector_load %arg8[%get3A_2110, %get3A_2111] {strides = array<i32>} : memref<64x512xf32, #tpu.memory_space<vmem>>, vector<16xf32>,
      %mul3A_2113 = arith.mulf %get3A_2112, %mul3A_1578 : vector<16xf32>
      %swap3A_2114 = arith.constant 48 : i32
      %swap3A_2115 = arith.index_cast %swap3A_2114 : i32 to index
      %swap3A_2116 = arith.index_cast %mul3A_2108 : i32 to index
      %swap3A_2117 = tpu.vector_load %arg8[%swap3A_2115, %swap3A_2116] {strides = array<i32>} : memref<64x512xf32, #tpu.memory_space<vmem>>, vector<16xf32>,
      tpu.vector_store %arg8[%swap3A_2115, %swap3A_2116], %mul3A_2113 {strides = array<i32>} : memref<64x512xf32, #tpu.memory_space<vmem>>, vector<16xf32>,
      %mul3A_2118 = arith.constant 16 : i32
      %mul3A_2119 = arith.muli %add3A_661, %mul3A_2118 : i32
      %get3A_2120 = arith.constant 49 : i32
      %get3A_2121 = arith.index_cast %get3A_2120 : i32 to index
      %get3A_2122 = arith.index_cast %mul3A_2119 : i32 to index
      %get3A_2123 = tpu.vector_load %arg8[%get3A_2121, %get3A_2122] {strides = array<i32>} : memref<64x512xf32, #tpu.memory_space<vmem>>, vector<16xf32>,
      %mul3A_2124 = arith.mulf %get3A_2123, %mul3A_1578 : vector<16xf32>
      %swap3A_2125 = arith.constant 49 : i32
      %swap3A_2126 = arith.index_cast %swap3A_2125 : i32 to index
      %swap3A_2127 = arith.index_cast %mul3A_2119 : i32 to index
      %swap3A_2128 = tpu.vector_load %arg8[%swap3A_2126, %swap3A_2127] {strides = array<i32>} : memref<64x512xf32, #tpu.memory_space<vmem>>, vector<16xf32>,
      tpu.vector_store %arg8[%swap3A_2126, %swap3A_2127], %mul3A_2124 {strides = array<i32>} : memref<64x512xf32, #tpu.memory_space<vmem>>, vector<16xf32>,
      %mul3A_2129 = arith.constant 16 : i32
      %mul3A_2130 = arith.muli %add3A_661, %mul3A_2129 : i32
      %get3A_2131 = arith.constant 50 : i32
      %get3A_2132 = arith.index_cast %get3A_2131 : i32 to index
      %get3A_2133 = arith.index_cast %mul3A_2130 : i32 to index
      %get3A_2134 = tpu.vector_load %arg8[%get3A_2132, %get3A_2133] {strides = array<i32>} : memref<64x512xf32, #tpu.memory_space<vmem>>, vector<16xf32>,
      %mul3A_2135 = arith.mulf %get3A_2134, %mul3A_1578 : vector<16xf32>
      %swap3A_2136 = arith.constant 50 : i32
      %swap3A_2137 = arith.index_cast %swap3A_2136 : i32 to index
      %swap3A_2138 = arith.index_cast %mul3A_2130 : i32 to index
      %swap3A_2139 = tpu.vector_load %arg8[%swap3A_2137, %swap3A_2138] {strides = array<i32>} : memref<64x512xf32, #tpu.memory_space<vmem>>, vector<16xf32>,
      tpu.vector_store %arg8[%swap3A_2137, %swap3A_2138], %mul3A_2135 {strides = array<i32>} : memref<64x512xf32, #tpu.memory_space<vmem>>, vector<16xf32>,
      %mul3A_2140 = arith.constant 16 : i32
      %mul3A_2141 = arith.muli %add3A_661, %mul3A_2140 : i32
      %get3A_2142 = arith.constant 51 : i32
      %get3A_2143 = arith.index_cast %get3A_2142 : i32 to index
      %get3A_2144 = arith.index_cast %mul3A_2141 : i32 to index
      %get3A_2145 = tpu.vector_load %arg8[%get3A_2143, %get3A_2144] {strides = array<i32>} : memref<64x512xf32, #tpu.memory_space<vmem>>, vector<16xf32>,
      %mul3A_2146 = arith.mulf %get3A_2145, %mul3A_1578 : vector<16xf32>
      %swap3A_2147 = arith.constant 51 : i32
      %swap3A_2148 = arith.index_cast %swap3A_2147 : i32 to index
      %swap3A_2149 = arith.index_cast %mul3A_2141 : i32 to index
      %swap3A_2150 = tpu.vector_load %arg8[%swap3A_2148, %swap3A_2149] {strides = array<i32>} : memref<64x512xf32, #tpu.memory_space<vmem>>, vector<16xf32>,
      tpu.vector_store %arg8[%swap3A_2148, %swap3A_2149], %mul3A_2146 {strides = array<i32>} : memref<64x512xf32, #tpu.memory_space<vmem>>, vector<16xf32>,
      %mul3A_2151 = arith.constant 16 : i32
      %mul3A_2152 = arith.muli %add3A_661, %mul3A_2151 : i32
      %get3A_2153 = arith.constant 52 : i32
      %get3A_2154 = arith.index_cast %get3A_2153 : i32 to index
      %get3A_2155 = arith.index_cast %mul3A_2152 : i32 to index
      %get3A_2156 = tpu.vector_load %arg8[%get3A_2154, %get3A_2155] {strides = array<i32>} : memref<64x512xf32, #tpu.memory_space<vmem>>, vector<16xf32>,
      %mul3A_2157 = arith.mulf %get3A_2156, %mul3A_1578 : vector<16xf32>
      %swap3A_2158 = arith.constant 52 : i32
      %swap3A_2159 = arith.index_cast %swap3A_2158 : i32 to index
      %swap3A_2160 = arith.index_cast %mul3A_2152 : i32 to index
      %swap3A_2161 = tpu.vector_load %arg8[%swap3A_2159, %swap3A_2160] {strides = array<i32>} : memref<64x512xf32, #tpu.memory_space<vmem>>, vector<16xf32>,
      tpu.vector_store %arg8[%swap3A_2159, %swap3A_2160], %mul3A_2157 {strides = array<i32>} : memref<64x512xf32, #tpu.memory_space<vmem>>, vector<16xf32>,
      %mul3A_2162 = arith.constant 16 : i32
      %mul3A_2163 = arith.muli %add3A_661, %mul3A_2162 : i32
      %get3A_2164 = arith.constant 53 : i32
      %get3A_2165 = arith.index_cast %get3A_2164 : i32 to index
      %get3A_2166 = arith.index_cast %mul3A_2163 : i32 to index
      %get3A_2167 = tpu.vector_load %arg8[%get3A_2165, %get3A_2166] {strides = array<i32>} : memref<64x512xf32, #tpu.memory_space<vmem>>, vector<16xf32>,
      %mul3A_2168 = arith.mulf %get3A_2167, %mul3A_1578 : vector<16xf32>
      %swap3A_2169 = arith.constant 53 : i32
      %swap3A_2170 = arith.index_cast %swap3A_2169 : i32 to index
      %swap3A_2171 = arith.index_cast %mul3A_2163 : i32 to index
      %swap3A_2172 = tpu.vector_load %arg8[%swap3A_2170, %swap3A_2171] {strides = array<i32>} : memref<64x512xf32, #tpu.memory_space<vmem>>, vector<16xf32>,
      tpu.vector_store %arg8[%swap3A_2170, %swap3A_2171], %mul3A_2168 {strides = array<i32>} : memref<64x512xf32, #tpu.memory_space<vmem>>, vector<16xf32>,
      %mul3A_2173 = arith.constant 16 : i32
      %mul3A_2174 = arith.muli %add3A_661, %mul3A_2173 : i32
      %get3A_2175 = arith.constant 54 : i32
      %get3A_2176 = arith.index_cast %get3A_2175 : i32 to index
      %get3A_2177 = arith.index_cast %mul3A_2174 : i32 to index
      %get3A_2178 = tpu.vector_load %arg8[%get3A_2176, %get3A_2177] {strides = array<i32>} : memref<64x512xf32, #tpu.memory_space<vmem>>, vector<16xf32>,
      %mul3A_2179 = arith.mulf %get3A_2178, %mul3A_1578 : vector<16xf32>
      %swap3A_2180 = arith.constant 54 : i32
      %swap3A_2181 = arith.index_cast %swap3A_2180 : i32 to index
      %swap3A_2182 = arith.index_cast %mul3A_2174 : i32 to index
      %swap3A_2183 = tpu.vector_load %arg8[%swap3A_2181, %swap3A_2182] {strides = array<i32>} : memref<64x512xf32, #tpu.memory_space<vmem>>, vector<16xf32>,
      tpu.vector_store %arg8[%swap3A_2181, %swap3A_2182], %mul3A_2179 {strides = array<i32>} : memref<64x512xf32, #tpu.memory_space<vmem>>, vector<16xf32>,
      %mul3A_2184 = arith.constant 16 : i32
      %mul3A_2185 = arith.muli %add3A_661, %mul3A_2184 : i32
      %get3A_2186 = arith.constant 55 : i32
      %get3A_2187 = arith.index_cast %get3A_2186 : i32 to index
      %get3A_2188 = arith.index_cast %mul3A_2185 : i32 to index
      %get3A_2189 = tpu.vector_load %arg8[%get3A_2187, %get3A_2188] {strides = array<i32>} : memref<64x512xf32, #tpu.memory_space<vmem>>, vector<16xf32>,
      %mul3A_2190 = arith.mulf %get3A_2189, %mul3A_1578 : vector<16xf32>
      %swap3A_2191 = arith.constant 55 : i32
      %swap3A_2192 = arith.index_cast %swap3A_2191 : i32 to index
      %swap3A_2193 = arith.index_cast %mul3A_2185 : i32 to index
      %swap3A_2194 = tpu.vector_load %arg8[%swap3A_2192, %swap3A_2193] {strides = array<i32>} : memref<64x512xf32, #tpu.memory_space<vmem>>, vector<16xf32>,
      tpu.vector_store %arg8[%swap3A_2192, %swap3A_2193], %mul3A_2190 {strides = array<i32>} : memref<64x512xf32, #tpu.memory_space<vmem>>, vector<16xf32>,
      %mul3A_2195 = arith.constant 16 : i32
      %mul3A_2196 = arith.muli %add3A_661, %mul3A_2195 : i32
      %get3A_2197 = arith.constant 56 : i32
      %get3A_2198 = arith.index_cast %get3A_2197 : i32 to index
      %get3A_2199 = arith.index_cast %mul3A_2196 : i32 to index
      %get3A_2200 = tpu.vector_load %arg8[%get3A_2198, %get3A_2199] {strides = array<i32>} : memref<64x512xf32, #tpu.memory_space<vmem>>, vector<16xf32>,
      %mul3A_2201 = arith.mulf %get3A_2200, %mul3A_1578 : vector<16xf32>
      %swap3A_2202 = arith.constant 56 : i32
      %swap3A_2203 = arith.index_cast %swap3A_2202 : i32 to index
      %swap3A_2204 = arith.index_cast %mul3A_2196 : i32 to index
      %swap3A_2205 = tpu.vector_load %arg8[%swap3A_2203, %swap3A_2204] {strides = array<i32>} : memref<64x512xf32, #tpu.memory_space<vmem>>, vector<16xf32>,
      tpu.vector_store %arg8[%swap3A_2203, %swap3A_2204], %mul3A_2201 {strides = array<i32>} : memref<64x512xf32, #tpu.memory_space<vmem>>, vector<16xf32>,
      %mul3A_2206 = arith.constant 16 : i32
      %mul3A_2207 = arith.muli %add3A_661, %mul3A_2206 : i32
      %get3A_2208 = arith.constant 57 : i32
      %get3A_2209 = arith.index_cast %get3A_2208 : i32 to index
      %get3A_2210 = arith.index_cast %mul3A_2207 : i32 to index
      %get3A_2211 = tpu.vector_load %arg8[%get3A_2209, %get3A_2210] {strides = array<i32>} : memref<64x512xf32, #tpu.memory_space<vmem>>, vector<16xf32>,
      %mul3A_2212 = arith.mulf %get3A_2211, %mul3A_1578 : vector<16xf32>
      %swap3A_2213 = arith.constant 57 : i32
      %swap3A_2214 = arith.index_cast %swap3A_2213 : i32 to index
      %swap3A_2215 = arith.index_cast %mul3A_2207 : i32 to index
      %swap3A_2216 = tpu.vector_load %arg8[%swap3A_2214, %swap3A_2215] {strides = array<i32>} : memref<64x512xf32, #tpu.memory_space<vmem>>, vector<16xf32>,
      tpu.vector_store %arg8[%swap3A_2214, %swap3A_2215], %mul3A_2212 {strides = array<i32>} : memref<64x512xf32, #tpu.memory_space<vmem>>, vector<16xf32>,
      %mul3A_2217 = arith.constant 16 : i32
      %mul3A_2218 = arith.muli %add3A_661, %mul3A_2217 : i32
      %get3A_2219 = arith.constant 58 : i32
      %get3A_2220 = arith.index_cast %get3A_2219 : i32 to index
      %get3A_2221 = arith.index_cast %mul3A_2218 : i32 to index
      %get3A_2222 = tpu.vector_load %arg8[%get3A_2220, %get3A_2221] {strides = array<i32>} : memref<64x512xf32, #tpu.memory_space<vmem>>, vector<16xf32>,
      %mul3A_2223 = arith.mulf %get3A_2222, %mul3A_1578 : vector<16xf32>
      %swap3A_2224 = arith.constant 58 : i32
      %swap3A_2225 = arith.index_cast %swap3A_2224 : i32 to index
      %swap3A_2226 = arith.index_cast %mul3A_2218 : i32 to index
      %swap3A_2227 = tpu.vector_load %arg8[%swap3A_2225, %swap3A_2226] {strides = array<i32>} : memref<64x512xf32, #tpu.memory_space<vmem>>, vector<16xf32>,
      tpu.vector_store %arg8[%swap3A_2225, %swap3A_2226], %mul3A_2223 {strides = array<i32>} : memref<64x512xf32, #tpu.memory_space<vmem>>, vector<16xf32>,
      %mul3A_2228 = arith.constant 16 : i32
      %mul3A_2229 = arith.muli %add3A_661, %mul3A_2228 : i32
      %get3A_2230 = arith.constant 59 : i32
      %get3A_2231 = arith.index_cast %get3A_2230 : i32 to index
      %get3A_2232 = arith.index_cast %mul3A_2229 : i32 to index
      %get3A_2233 = tpu.vector_load %arg8[%get3A_2231, %get3A_2232] {strides = array<i32>} : memref<64x512xf32, #tpu.memory_space<vmem>>, vector<16xf32>,
      %mul3A_2234 = arith.mulf %get3A_2233, %mul3A_1578 : vector<16xf32>
      %swap3A_2235 = arith.constant 59 : i32
      %swap3A_2236 = arith.index_cast %swap3A_2235 : i32 to index
      %swap3A_2237 = arith.index_cast %mul3A_2229 : i32 to index
      %swap3A_2238 = tpu.vector_load %arg8[%swap3A_2236, %swap3A_2237] {strides = array<i32>} : memref<64x512xf32, #tpu.memory_space<vmem>>, vector<16xf32>,
      tpu.vector_store %arg8[%swap3A_2236, %swap3A_2237], %mul3A_2234 {strides = array<i32>} : memref<64x512xf32, #tpu.memory_space<vmem>>, vector<16xf32>,
      %mul3A_2239 = arith.constant 16 : i32
      %mul3A_2240 = arith.muli %add3A_661, %mul3A_2239 : i32
      %get3A_2241 = arith.constant 60 : i32
      %get3A_2242 = arith.index_cast %get3A_2241 : i32 to index
      %get3A_2243 = arith.index_cast %mul3A_2240 : i32 to index
      %get3A_2244 = tpu.vector_load %arg8[%get3A_2242, %get3A_2243] {strides = array<i32>} : memref<64x512xf32, #tpu.memory_space<vmem>>, vector<16xf32>,
      %mul3A_2245 = arith.mulf %get3A_2244, %mul3A_1578 : vector<16xf32>
      %swap3A_2246 = arith.constant 60 : i32
      %swap3A_2247 = arith.index_cast %swap3A_2246 : i32 to index
      %swap3A_2248 = arith.index_cast %mul3A_2240 : i32 to index
      %swap3A_2249 = tpu.vector_load %arg8[%swap3A_2247, %swap3A_2248] {strides = array<i32>} : memref<64x512xf32, #tpu.memory_space<vmem>>, vector<16xf32>,
      tpu.vector_store %arg8[%swap3A_2247, %swap3A_2248], %mul3A_2245 {strides = array<i32>} : memref<64x512xf32, #tpu.memory_space<vmem>>, vector<16xf32>,
      %mul3A_2250 = arith.constant 16 : i32
      %mul3A_2251 = arith.muli %add3A_661, %mul3A_2250 : i32
      %get3A_2252 = arith.constant 61 : i32
      %get3A_2253 = arith.index_cast %get3A_2252 : i32 to index
      %get3A_2254 = arith.index_cast %mul3A_2251 : i32 to index
      %get3A_2255 = tpu.vector_load %arg8[%get3A_2253, %get3A_2254] {strides = array<i32>} : memref<64x512xf32, #tpu.memory_space<vmem>>, vector<16xf32>,
      %mul3A_2256 = arith.mulf %get3A_2255, %mul3A_1578 : vector<16xf32>
      %swap3A_2257 = arith.constant 61 : i32
      %swap3A_2258 = arith.index_cast %swap3A_2257 : i32 to index
      %swap3A_2259 = arith.index_cast %mul3A_2251 : i32 to index
      %swap3A_2260 = tpu.vector_load %arg8[%swap3A_2258, %swap3A_2259] {strides = array<i32>} : memref<64x512xf32, #tpu.memory_space<vmem>>, vector<16xf32>,
      tpu.vector_store %arg8[%swap3A_2258, %swap3A_2259], %mul3A_2256 {strides = array<i32>} : memref<64x512xf32, #tpu.memory_space<vmem>>, vector<16xf32>,
      %mul3A_2261 = arith.constant 16 : i32
      %mul3A_2262 = arith.muli %add3A_661, %mul3A_2261 : i32
      %get3A_2263 = arith.constant 62 : i32
      %get3A_2264 = arith.index_cast %get3A_2263 : i32 to index
      %get3A_2265 = arith.index_cast %mul3A_2262 : i32 to index
      %get3A_2266 = tpu.vector_load %arg8[%get3A_2264, %get3A_2265] {strides = array<i32>} : memref<64x512xf32, #tpu.memory_space<vmem>>, vector<16xf32>,
      %mul3A_2267 = arith.mulf %get3A_2266, %mul3A_1578 : vector<16xf32>
      %swap3A_2268 = arith.constant 62 : i32
      %swap3A_2269 = arith.index_cast %swap3A_2268 : i32 to index
      %swap3A_2270 = arith.index_cast %mul3A_2262 : i32 to index
      %swap3A_2271 = tpu.vector_load %arg8[%swap3A_2269, %swap3A_2270] {strides = array<i32>} : memref<64x512xf32, #tpu.memory_space<vmem>>, vector<16xf32>,
      tpu.vector_store %arg8[%swap3A_2269, %swap3A_2270], %mul3A_2267 {strides = array<i32>} : memref<64x512xf32, #tpu.memory_space<vmem>>, vector<16xf32>,
      %mul3A_2272 = arith.constant 16 : i32
      %mul3A_2273 = arith.muli %add3A_661, %mul3A_2272 : i32
      %get3A_2274 = arith.constant 63 : i32
      %get3A_2275 = arith.index_cast %get3A_2274 : i32 to index
      %get3A_2276 = arith.index_cast %mul3A_2273 : i32 to index
      %get3A_2277 = tpu.vector_load %arg8[%get3A_2275, %get3A_2276] {strides = array<i32>} : memref<64x512xf32, #tpu.memory_space<vmem>>, vector<16xf32>,
      %mul3A_2278 = arith.mulf %get3A_2277, %mul3A_1578 : vector<16xf32>
      %swap3A_2279 = arith.constant 63 : i32
      %swap3A_2280 = arith.index_cast %swap3A_2279 : i32 to index
      %swap3A_2281 = arith.index_cast %mul3A_2273 : i32 to index
      %swap3A_2282 = tpu.vector_load %arg8[%swap3A_2280, %swap3A_2281] {strides = array<i32>} : memref<64x512xf32, #tpu.memory_space<vmem>>, vector<16xf32>,
      tpu.vector_store %arg8[%swap3A_2280, %swap3A_2281], %mul3A_2278 {strides = array<i32>} : memref<64x512xf32, #tpu.memory_space<vmem>>, vector<16xf32>,
    }
    %scan3A_656 = arith.constant 32 : i32
    "tpu.region"() ({
      %run_scoped3A = tpu.sem_alloc : memref<!tpu.dma_semaphore, #tpu.memory_space<semaphore_mem>>
      %dma_start3A_657 = arith.constant 0 : i32
      %dma_start3A_658 = tpu.memref_slice %arg4[%dma_start3A_657, %mul3A_2] : memref<64x16384xf32, #tpu.memory_space<hbm>> -> memref<64x512xf32, #tpu.memory_space<hbm>>
      %dma_start3A_659 = arith.constant 0 : i32
      %dma_start3A_660 = tpu.memref_slice %arg4[%dma_start3A_659, %mul3A_2] : memref<64x16384xf32, #tpu.memory_space<hbm>> -> memref<64x512xf32, #tpu.memory_space<hbm>>
      tpu.enqueue_dma source(%arg8 : memref<64x512xf32, #tpu.memory_space<vmem>>) target(%dma_start3A_660 : memref<64x512xf32, #tpu.memory_space<hbm>>) target_semaphore(%run_scoped3A : memref<!tpu.dma_semaphore, #tpu.memory_space<semaphore_mem>>)
      %dma_wait3A_661 = arith.constant 0 : i32
      %dma_wait3A_662 = tpu.memref_slice %arg4[%dma_wait3A_661, %mul3A_2] : memref<64x16384xf32, #tpu.memory_space<hbm>> -> memref<64x512xf32, #tpu.memory_space<hbm>>
      %dma_wait3A_663 = arith.constant 0 : i32
      %dma_wait3A_664 = tpu.memref_slice %arg4[%dma_wait3A_663, %mul3A_2] : memref<64x16384xf32, #tpu.memory_space<hbm>> -> memref<64x512xf32, #tpu.memory_space<hbm>>
      tpu.wait_dma2 semaphore(%run_scoped3A : memref<!tpu.dma_semaphore, #tpu.memory_space<semaphore_mem>>) src(%arg8 : memref<64x512xf32, #tpu.memory_space<vmem>>) dst(%dma_wait3A_664 : memref<64x512xf32, #tpu.memory_space<hbm>>)
      tpu.yield
    }) : () -> ()
    return
  }
}

module attributes {stable_mosaic.version = 14 : i64} {
  func.func @_tc_repack(%arg0: i32, %arg1: memref<64x16384xf32, #tpu.memory_space<vmem>>, %arg2: memref<4096x128xi32, #tpu.memory_space<vmem>>) attributes {dimension_semantics = [#tpu.dimension_semantics<arbitrary>], iteration_bounds = array<i64: 62>, scalar_prefetch = 0 : i64, scratch_operands = 0 : i64, tpu.core_type = #tpu.core_type<tc>, window_params = [{transform_indices = @transform_0, window_bounds = array<i64: 64, 16384>}, {transform_indices = @transform_1, window_bounds = array<i64: 4096, 128>}]} {
    %get3A = arith.constant 0 : index
    %get3A_0 = arith.constant 0 : index
    %get3A_1 = vector.load %arg1[%get3A, %get3A_0] : memref<64x16384xf32, #tpu.memory_space<vmem>>, vector<64x16384xf32>
    %bitcast_convert_type3A = tpu.bitcast %get3A_1 : vector<64x16384xf32> -> vector<64x16384xi32>
    %add3A = arith.constant 32768 : i32
    %add3A_2 = vector.broadcast %add3A : i32 to vector<64x16384xi32>
    %add3A_3 = arith.addi %bitcast_convert_type3A, %add3A_2 : vector<64x16384xi32>
    %slice3A = vector.extract_strided_slice %add3A_3 {offsets = [0, 0], sizes = [32, 16384], strides = [1, 1]} : vector<64x16384xi32> to vector<32x16384xi32>
    %shift_right_arithmetic3A = arith.constant 16 : i32
    %shift_right_arithmetic3A_4 = vector.broadcast %shift_right_arithmetic3A : i32 to vector<32x16384xi32>
    %shift_right_arithmetic3A_5 = arith.shrsi %slice3A, %shift_right_arithmetic3A_4 : vector<32x16384xi32>
    %and3A = arith.constant 65535 : i32
    %and3A_6 = vector.broadcast %and3A : i32 to vector<32x16384xi32>
    %and3A_7 = arith.andi %shift_right_arithmetic3A_5, %and3A_6 : vector<32x16384xi32>
    %slice3A_8 = vector.extract_strided_slice %add3A_3 {offsets = [32, 0], sizes = [32, 16384], strides = [1, 1]} : vector<64x16384xi32> to vector<32x16384xi32>
    %and3A_9 = arith.constant -65536 : i32
    %and3A_10 = vector.broadcast %and3A_9 : i32 to vector<32x16384xi32>
    %and3A_11 = arith.andi %slice3A_8, %and3A_10 : vector<32x16384xi32>
    %or3A = arith.ori %and3A_7, %and3A_11 : vector<32x16384xi32>
    %slice3A_12 = vector.extract_strided_slice %or3A {offsets = [0, 0], sizes = [32, 4096], strides = [1, 1]} : vector<32x16384xi32> to vector<32x4096xi32>
    %slice3A_13 = vector.extract_strided_slice %or3A {offsets = [0, 4096], sizes = [32, 4096], strides = [1, 1]} : vector<32x16384xi32> to vector<32x4096xi32>
    %slice3A_14 = vector.extract_strided_slice %or3A {offsets = [0, 8192], sizes = [32, 4096], strides = [1, 1]} : vector<32x16384xi32> to vector<32x4096xi32>
    %slice3A_15 = vector.extract_strided_slice %or3A {offsets = [0, 12288], sizes = [32, 4096], strides = [1, 1]} : vector<32x16384xi32> to vector<32x4096xi32>
    %concatenate3A = tpu.concatenate %slice3A_12, %slice3A_13, %slice3A_14, %slice3A_15 in 0 : vector<32x4096xi32>, vector<32x4096xi32>, vector<32x4096xi32>, vector<32x4096xi32> -> vector<128x4096xi32>
    %transpose3A = tpu.transpose %concatenate3A, [1, 0] : vector<128x4096xi32> -> vector<4096x128xi32>
    %swap3A = arith.constant 0 : index
    %swap3A_16 = arith.constant 0 : index
    %swap3A_17 = vector.load %arg2[%swap3A, %swap3A_16] : memref<4096x128xi32, #tpu.memory_space<vmem>>, vector<4096x128xi32>
    tpu.vector_store %arg2[%swap3A, %swap3A_16], %transpose3A {strides = array<i32>} : memref<4096x128xi32, #tpu.memory_space<vmem>>, vector<4096x128xi32>,
    return
  }
  func.func @transform_0(%arg0: i32) -> (i32, i32) {
    %c0_i32 = arith.constant 0 : i32
    %c0_i32_0 = arith.constant 0 : i32
    return %c0_i32, %arg0 : i32, i32
  }
  func.func @transform_1(%arg0: i32) -> (i32, i32) {
    %c0_i32 = arith.constant 0 : i32
    %c0_i32_0 = arith.constant 0 : i32
    return %arg0, %c0_i32 : i32, i32
  }
}

</mosaic_0001>

<sc_bundles>
// kernel: _encode.4.cloned.1.call-start
scs
__scs_entry_jumppad:
0x0: {  	(pc) =	sbr.rel $0x88, $3  }
0x1: {  	(tag) =	ssettag $0x0;
	lr =	simm.s32 $0x1  }
0x2: {  	[smem:$0x3F9F] =	sst lr;
	_ =	strace $0xD0000000  }
0x3: {  	_ = 	snop  }
0x4: {  	_ = 	snop  }
0x5: {  	_ = 	snop  }
0x6: {  	_ = 	snop  }
0x7: {  	_ = 	snop  }
__scs_overlays_trampoline_lowered:
0x8: {  	[smem:$0x3FAE] =	sst s0  }
0x9: {  	[smem:$0x3FAF] =	sst s1  }
0xa: {  	[smem:$0x3FB0] =	sst s2  }
0xb: {  	[smem:$0x3FB1] =	sst s3  }
0xc: {  	[smem:$0x3FB2] =	sst s4  }
0xd: {  	[smem:$0x3FB3] =	sst s5  }
0xe: {  	[smem:$0x3FB4] =	sst s6  }
0xf: {  	[smem:$0x3FB5] =	sst s7  }
0x10: {  	[smem:$0x3FB6] =	sst s8  }
0x11: {  	[smem:$0x3FB7] =	sst s9;
	s0 =	simm.s32 @!p0 $0x0  }
0x12: {  	s1 =	sld [smem:$0x3F9D];
	s0 =	simm.s32 @p0 $0x1  }
0x13: {  	[smem:$0x3FB8] =	sst s0;
	s0 =	simm.s32 @!p1 $0x0  }
0x14: {  	s2 =	sld [smem:$0x3F9C];
	s0 =	simm.s32 @p1 $0x1  }
0x15: {  	[smem:$0x3FB9] =	sst s0;
	s0 =	simm.s32 @!p2 $0x0  }
0x16: {  	s3 =	sld [smem:$0x3FDB];
	s0 =	simm.s32 @p2 $0x1  }
0x17: {  	s4 =	simm.s32 $0x1BF5;
	[smem:$0x3FBB] =	sst s0  }
0x18: {  	s0 =	sld [smem:$0x3F9E];
	_ =	swait.ge [sflag:s4], $0x0  }
0x19: {  	s7 =	sld [smem:$0x3F9F]  }
0x1a: {  	s8 =	sadd.s32 $0xFFFFE003, lr  }
0x1b: {  	s9 =	sadd.s32 $0xFFFFFEF7, lr;
	s5 =	simm.s32 $0xFFFFFFFF;
	p2 =	slt.u32 s8, $0xFFFFF086  }
0x1c: {  	p1 =	slt.u32 s9, $0xF7A;
	s5 =	simm.s32 @!p2 $0x0  }
0x1d: {  	s5 =	simm.s32 @p1 $0x1;
	p0 =	seq.s32 s7, s2  }
0x1e: {  	s7 =	smul.u32 @!p0 $0xF7A, s2;
	p2 =	seq.s32 @!p0 s5, $0x0  }
0x1f: {  	s9 =	smul.u32 $0xF7A, s1;
	s8 =	simm.s32 @!p0 $0x1BF5;
	p2 =	por !p2, p0  }
0x20: {  	[sflag:s8] =	ssyncset.s32 @!p0 $0xFFFFF086;
	s6 =	sadd.s32 @!p0 s3, s7;
	s7 =	simm.s32 @!p0 $0x108  }
0x21: {  	s3 =	sadd.s32 s3, s9;
	s6 =	sadd.s32 @!p0 $0x88, s6;
	s7 =	simm.s32 @p2 $0x1082  }
0x22: {  	[simem:s7], [sflag:s8] =	dma.local @!p0 [hbm:s6], $0xF7A  }
0x23: {  	s9 =	sor.u32 $0xD0000000, s2;
	s6 =	simm.s32 $0x108;
	_ =	swait.ge @!p0 [sflag:s8], $0x0  }
0x24: {  	s3 =	sadd.s32 $0x88, s3;
	s6 =	simm.s32 @!p1 $0x1082;
	[sflag:s4] =	ssyncset.s32 $0xFFFFF086  }
0x25: {  	[simem:s6], [sflag:s4] =	dma.local [hbm:s3], $0xF7A  }
0x26: {  	[smem:$0x3F9F] =	sst s1;
	(tag) =	ssettag s2;
	_ =	strace s9  }
0x27: {  	s1 =	sld [smem:$0x3FAF]  }
0x28: {  	s2 =	sld [smem:$0x3FB0]  }
0x29: {  	s4 =	sld [smem:$0x3FB2]  }
0x2a: {  	p0 =	seq.s32 s5, $0x0;
	s5 =	sld [smem:$0x3FB3]  }
0x2b: {  	s6 =	sld [smem:$0x3FB4]  }
0x2c: {  	s7 =	sld [smem:$0x3FB5]  }
0x2d: {  	s3 =	simm.s32 $0x108;
	s8 =	sld [smem:$0x3FB6]  }
0x2e: {  	s3 =	simm.s32 @!p0 $0x1082;
	s9 =	sld [smem:$0x3FB7]  }
0x2f: {  	lr =	sadd.s32 s0, s3;
	s0 =	sld [smem:$0x3FAE]  }
0x30: {  	s3 =	sld [smem:$0x3FB1]  }
0x31: {  	[smem:$0x3FBA] =	sst s10  }
0x32: {  	s10 =	sld [smem:$0x3FB8];
	_ =	sdelay $0x3  }
0x33: {  	p0 =	seq.s32 s10, $0x1;
	s10 =	sld [smem:$0x3FBA];
	_ =	sdelay $0x3  }
0x34: {  	[smem:$0x3FBA] =	sst s10  }
0x35: {  	s10 =	sld [smem:$0x3FB9];
	_ =	sdelay $0x3  }
0x36: {  	p1 =	seq.s32 s10, $0x1;
	s10 =	sld [smem:$0x3FBA];
	_ =	sdelay $0x3  }
0x37: {  	[smem:$0x3FBA] =	sst s10  }
0x38: {  	s10 =	sld [smem:$0x3FBB]  }
0x39: {  	_ = 	snop;
	(pc) =	sbr.ind lr, $3  }
0x3a: {  	_ = 	snop  }
0x3b: {  	_ = 	snop  }
0x3c: {  	p2 =	seq.s32 s10, $0x1;
	s10 =	sld [smem:$0x3FBA]  }
0x3d: {  	_ =	shalt  }
0x3e: {  	_ =	shalt  }
0x3f: {  	_ =	shalt  }
0x40: {  	_ =	shalt  }
0x41: {  	_ =	shalt  }
0x42: {  	_ =	shalt  }
0x43: {  	_ =	shalt  }
0x44: {  	_ =	shalt  }
0x45: {  	_ =	shalt  }
0x46: {  	_ =	shalt  }
0x47: {  	_ =	shalt  }
0x48: {  	_ =	shalt  }
0x49: {  	_ =	shalt  }
0x4a: {  	_ =	shalt  }
0x4b: {  	_ =	shalt  }
0x4c: {  	_ =	shalt  }
0x4d: {  	_ =	shalt  }
0x4e: {  	_ =	shalt  }
0x4f: {  	_ =	shalt  }
0x50: {  	_ =	shalt  }
0x51: {  	_ =	shalt  }
0x52: {  	_ =	shalt  }
0x53: {  	_ =	shalt  }
0x54: {  	_ =	shalt  }
0x55: {  	_ =	shalt  }
0x56: {  	_ =	shalt  }
0x57: {  	_ =	shalt  }
0x58: {  	_ =	shalt  }
0x59: {  	_ =	shalt  }
0x5a: {  	_ =	shalt  }
0x5b: {  	_ =	shalt  }
0x5c: {  	_ =	shalt  }
0x5d: {  	_ =	shalt  }
0x5e: {  	_ =	shalt  }
0x5f: {  	_ =	shalt  }
0x60: {  	_ =	shalt  }
0x61: {  	_ =	shalt  }
0x62: {  	_ =	shalt  }
0x63: {  	_ =	shalt  }
0x64: {  	_ =	shalt  }
0x65: {  	_ =	shalt  }
0x66: {  	_ =	shalt  }
0x67: {  	_ =	shalt  }
0x68: {  	_ =	shalt  }
0x69: {  	_ =	shalt  }
0x6a: {  	_ =	shalt  }
0x6b: {  	_ =	shalt  }
0x6c: {  	_ =	shalt  }
0x6d: {  	_ =	shalt  }
0x6e: {  	_ =	shalt  }
0x6f: {  	_ =	shalt  }
0x70: {  	_ =	shalt  }
0x71: {  	_ =	shalt  }
0x72: {  	_ =	shalt  }
0x73: {  	_ =	shalt  }
0x74: {  	_ =	shalt  }
0x75: {  	_ =	shalt  }
0x76: {  	_ =	shalt  }
0x77: {  	_ =	shalt  }
0x78: {  	_ =	shalt  }
0x79: {  	_ =	shalt  }
0x7a: {  	_ =	shalt  }
0x7b: {  	_ =	shalt  }
0x7c: {  	_ =	shalt  }
0x7d: {  	_ =	shalt  }
0x7e: {  	_ =	shalt  }
0x7f: {  	_ =	shalt  }
0x80: {  	_ =	shalt  }
0x81: {  	_ =	shalt  }
0x82: {  	_ =	shalt  }
0x83: {  	_ =	shalt  }
0x84: {  	_ =	shalt  }
0x85: {  	_ =	shalt  }
0x86: {  	_ =	shalt  }
0x87: {  	_ =	shalt  }
.Lfunc_end0:
.L_simem_size_0:
called_computation_lowered:
.L_overlay_start_0:
0x88: {  	s2 =	sld [smem:$0x3FD9]  }
0x89: {  	s3 =	sld [smem:$0x3FFE];
	_ =	sdelay $0x1  }
0x8a: {  	s1 =	srdreg.scid  }
0x8b: {  	s0 =	sand.u32 $0x1, s1  }
0x8c: {  	s17 =	sshll.u32 s0, $0xA;
	s2 =	sadd.s32 s3, s2  }
0x8d: {  	s2 =	sadd.s32 s2, s17  }
0x8e: {  	[smem:$0x3FC6] =	sst s2  }
0x8f: {  	_ = 	snop  }
0x90: {  	s2 =	sld [smem:$0x3FC9]  }
0x91: {  	s18 =	sld [smem:$0x3FD0];
	(tm) =	ssettm $0x1  }
0x92: {  	s4 =	sld [smem:$0x3FFB];
	_ =	sdelay $0x3  }
0x93: {  	_ =	strace s4  }
0x94: {  	s4 =	sld [smem:$0x3FFC];
	_ =	sdelay $0x3  }
0x95: {  	_ =	strace s4  }
0x96: {  	s4 =	sld [smem:$0x3FFD];
	_ =	sdelay $0x3  }
0x97: {  	_ =	strace s4  }
0x98: {  	_ =	strace $0x8FFFFFFF  }
0x99: {  	s19 =	sld [smem:$0x3FDB];
	_ =	sdelay $0x1  }
0x9a: {  	s5 =	simm.s32 $_scs_section_size  }
0x9b: {  	s6 =	simm.s32 $_size__tile_overlayer_lowered;
	s7 =	simm.s32 $_tile_overlayer_lowered  }
0x9c: {  	s22 =	simm.s32 $0x1BFF;
	s21 =	sshll.u32 s7, $0x1;
	s4 =	sadd.s32 s5, s19  }
0x9d: {  	s8 =	simm.s32 $0x0;
	s20 =	sshll.u32 s6, $0x1;
	s6 =	sadd.s32 s21, s4  }
0x9e: {  	[timem:s8], [sflag:s22] =	dma.local [hbm:s6], s20  }
0x9f: {  	_ =	swait.ge [sflag:s22], s20  }
0xa0: {  	s5 =	ssub.s32 $0x0, s20;
	[sflag:s22] =	ssyncset.done $0x0  }
0xa1: {  	[sflag:s22] =	ssyncadd.s32 s5;
	_ =	sdelay $0x1  }
0xa2: {  	s23 =	simm.s32 $0x1B8B  }
0xa3: {  	_ =	swait.ge [sflag:s23], $0x1  }
0xa4: {  	[sflag:s23] =	ssyncset.done $0x0  }
0xa5: {  	s25 =	simm.s32 $0x1B8E;
	s24 =	sld [smem:$0x3FFE];
	[sflag:s23] =	ssyncadd.s32 $0xFFFFFFFF  }
0xa6: {  	s26 =	simm.s32 $execute0_lowered;
	[smem:$0x3FD2] =	sst s25  }
0xa7: {  	s6 =	sshll.u32 s26, $0x1;
	_ =	strace $0x80000046;
	[dreg:$0x1] =	wrdreg $0xFFFFFFFF  }
0xa8: {  	s28 =	simm.s32 $_size_execute0_lowered;
	s4 =	sadd.s32 s4, s6;
	[dreg:$0x0] =	wrdreg $0x0  }
0xa9: {  	s6 =	sshll.u32 s28, $0x1;
	[dreg:$0x2] =	wrdreg s4  }
0xaa: {  	[dreg:$0x3] =	wrdreg s6  }
0xab: {  	[dreg:$0x4] =	wrdreg $0xC0  }
0xac: {  	_ =	task [dreg:s8], $0x5FFFF  }
0xad: {  	[dreg:$0x1] =	wrdreg $0xFFFFFFFF  }
0xae: {  	[dreg:$0x0] =	wrdreg $0x60  }
0xaf: {  	[dreg:$0x2] =	wrdreg s24  }
0xb0: {  	[dreg:$0x3] =	wrdreg s2  }
0xb1: {  	[dreg:$0x4] =	wrdreg s18  }
0xb2: {  	[dreg:$0x5] =	wrdreg $0x9  }
0xb3: {  	_ =	task.clear_ibuf [dreg:s8], $0x6FFFF;
	_ =	strace $0x90000046  }
0xb4: {  	s29 =	simm.s32 $0x9;
	_ =	strace $0x80000048  }
0xb5: {  	_ =	swait.ge [sflag:s29], $0x1  }
0xb6: {  	[sflag:s29] =	ssyncadd.s32 $0xFFFFFFFF  }
0xb7: {  	_ =	strace $0x90000048  }
0xb8: {  	_ =	sfence  }
0xb9: {  	s30 =	sld [smem:$0x0];
	_ =	sdelay $0x2  }
0xba: {  	s31 =	sshll.u32 s1, $0xD;
	s1 =	sshrl.u32 s1, $0x2  }
0xbb: {  	s3 =	sand.u32 $0x4000, s31;
	s1 =	sadd.s32 s1, s30  }
0xbc: {  	s0 =	sor.u32 s3, s0;
	s1 =	sshll.u32 s1, $0x11  }
0xbd: {  	s0 =	sor.u32 s1, s0  }
0xbe: {  	s0 =	sadd.s32 $0x8F2B, s0  }
0xbf: {  	[sflag:s0] =	ssyncadd.remote.s32 $0x1  }
0xc0: {  	_ =	sfence.sel $0xFFFF  }
0xc1: {  	[dreg:$0x0] =	wrdreg $0xFFFFFFFF;
	(pc) =	sbr.abs _section_cstart, $3  }
0xc2: {  	[dreg:$0x1] =	wrdreg $0xFFFFFFFF  }
0xc3: {  	_ =	task.clear_ibuf [dreg:s8], $0x2FFFF;
	_ =	strace $0x9FFFFFFF  }
0xc4: {  	(tm) =	ssettm $0x7FFFFFFF  }
0xc5: {  	_ =	shalt  }
tec
execute0_lowered:
.L_overlay_start_1:
0x0: {  	(tag) =	ssettag $0x1  }
0x1: {  	s3 =	rddreg [dreg:$0x0]  }
0x2: {  	s4 =	rddreg [dreg:$0x1]  }
0x3: {  	s5 =	rddreg [dreg:$0x2]  }
0x4: {  	s0 =	rddreg [dreg:$0x3];
	s2 =	simm.s32 $0x0;
	s6 =	srdreg.scid  }
0x5: {  	s1 =	stileid.u32;
	s10 =	simm.s32 $0x400;
	s11 =	simm.s32 $0x280  }
0x6: {  	s12 =	simm.s32 $0x4400;
	s13 =	simm.s32 $0x300;
	s14 =	simm.s32 $0x8400  }
0x7: {  	s15 =	simm.s32 $0x380;
	s16 =	simm.s32 $0xC400;
	s17 =	simm.s32 $0x1  }
0x8: {  	s18 =	simm.s32 $0x1000;
	s19 =	simm.s32 $0x20000;
	s20 =	simm.s32 $0x10400  }
0x9: {  	s21 =	simm.s32 $0x0;
	[smem:$0x7FF] =	sst s2;
	s6 =	sand.u32 $0x1, s6  }
0xa: {  	s8 =	sshll.u32 s1, $0xA;
	s7 =	ssub.s32 $0x2, s6;
	s6 =	sshll.u32 s6, $0x9  }
0xb: {  	s3 =	sadd.s32 $0x400, s3;
	s9 =	sshrl.u32 s7, $0x1;
	s6 =	sor.u32 s6, s8  }
0xc: {  	_ =	strace $0x80000047;
	s7 =	ssub.s32 s7, s9;
	s8 =	sshrl.u32 s6, $0x3  }
0xd: {  	s5 =	sadd.s32 s5, s6;
	s9 =	simm.s32 $0x200;
	s4 =	sadd.s32 s4, s8  }
0xe: {  	v0 =	vlaneseq.u32;
	s6 =	smax.u32 s7, $0x1;
	s7 =	simm.s32 $0x2;
	s8 =	simm.s32 $0x80  }
.LBB2_1:
0xf: {  	[tilespmem:s2], [sflag:$0x2] =	stream.linear.gather [hbm4b:s4+s2], $0x200, $0x38;
	[tilespmem:$0x18400] =	vst v63  }
0x10: {  	_ =	swait.ge [sflag:s7], $0x200  }
0x11: {  	[sflag:s7] =	ssyncset.done $0x0  }
0x12: {  	[sflag:s7] =	ssyncadd.s32 $0xFFFFFE00  }
0x13: {  	v1 =	vld [tilespmem:$0x0]  }
0x14: {  	v2 =	vld [tilespmem:$0x10]  }
0x15: {  	v3 =	vld [tilespmem:$0x20]  }
0x16: {  	v4 =	vld [tilespmem:$0x30]  }
0x17: {  	v6 =	vld [tilespmem:$0x40]  }
0x18: {  	v8 =	vld [tilespmem:$0x50]  }
0x19: {  	v9 =	vld [tilespmem:$0x60]  }
0x1a: {  	v39 =	vld [tilespmem:$0x70]  }
0x1b: {  	v11 =	vld [tilespmem:$0x80]  }
0x1c: {  	v12 =	vld [tilespmem:$0x90]  }
0x1d: {  	v44 =	vld [tilespmem:$0xA0]  }
0x1e: {  	v14 =	vld [tilespmem:$0xB0];
	v5 =	vshra.s32 v1, $0x2  }
0x1f: {  	v15 =	vld [tilespmem:$0xC0];
	v1 =	vand.u32 $0xFFF, v1;
	v7 =	vshra.s32 v2, $0x2;
	v37 =	vshra.s32 v3, $0x2  }
0x20: {  	v49 =	vld [tilespmem:$0xD0];
	v2 =	vand.u32 $0xFFF, v2;
	v3 =	vand.u32 $0xFFF, v3;
	v38 =	vshra.s32 v4, $0x2  }
0x21: {  	v16 =	vld [tilespmem:$0xE0];
	v4 =	vand.u32 $0xFFF, v4;
	v10 =	vshra.s32 v6, $0x2;
	v41 =	vshra.s32 v8, $0x2  }
0x22: {  	v55 =	vld [tilespmem:$0xF0];
	v6 =	vand.u32 $0xFFF, v6;
	v8 =	vand.u32 $0xFFF, v8;
	v43 =	vshra.s32 v9, $0x2  }
0x23: {  	v57 =	vld [tilespmem:$0x100];
	v9 =	vand.u32 $0xFFF, v9;
	v13 =	vshra.s32 v39, $0x2;
	v46 =	vshra.s32 v11, $0x2  }
0x24: {  	v60 =	vld [tilespmem:$0x110];
	v11 =	vand.u32 $0xFFF, v11;
	v48 =	vshra.s32 v12, $0x2;
	v50 =	vand.u32 $0xFFF, v12  }
0x25: {  	v17 =	vld [tilespmem:$0x120];
	v51 =	vshra.s32 v44, $0x2;
	v52 =	vshra.s32 v14, $0x2;
	v54 =	vand.u32 $0xFFF, v14  }
0x26: {  	v56 =	vshra.s32 v15, $0x2;
	v58 =	vand.u32 $0xFFF, v15;
	v59 =	vshra.s32 v49, $0x2  }
0x27: {  	v62 =	vshra.s32 v16, $0x2;
	v63 =	vand.u32 $0xFFF, v49;
	v16 =	vand.u32 $0xFFF, v16  }
0x28: {  	v18 =	vshra.s32 v55, $0x2;
	v20 =	vand.u32 $0xFFF, v55;
	v21 =	vshra.s32 v57, $0x2  }
0x29: {  	v19 =	vld [tilespmem:$0x130];
	v24 =	vshra.s32 v60, $0x2;
	v25 =	vand.u32 $0xFFF, v60;
	v5 =	vand.u32 $0xFFFFF000, v5  }
0x2a: {  	v22 =	vld [tilespmem:$0x140];
	v27 =	vshra.s32 v17, $0x2;
	v36 =	vand.u32 $0xFFFFF000, v7;
	v1 =	vor.u32 v1, v5  }
0x2b: {  	v30 =	vand.u32 $0xFFF, v17;
	v7 =	vand.u32 $0xFFFFF000, v37;
	v2 =	vor.u32 v2, v36;
	[tilespmem:$0x200] =	vst v1  }
0x2c: {  	v40 =	vand.u32 $0xFFFFF000, v10;
	v10 =	vand.u32 $0xFFFFF000, v41;
	v3 =	vor.u32 v3, v7;
	[tilespmem:$0x210] =	vst v2  }
0x2d: {  	v45 =	vand.u32 $0xFFFFF000, v13;
	v13 =	vand.u32 $0xFFFFF000, v46;
	v42 =	vor.u32 v8, v10;
	[tilespmem:$0x220] =	vst v3  }
0x2e: {  	v31 =	vshra.s32 v19, $0x2;
	v5 =	vand.u32 $0xFFFFF000, v38;
	v47 =	vor.u32 v11, v13;
	[tilespmem:$0x250] =	vst v42  }
0x2f: {  	v26 =	vld [tilespmem:$0x150];
	v34 =	vshra.s32 v22, $0x2;
	v35 =	vand.u32 $0xFFF, v19;
	v4 =	vor.u32 v4, v5;
	[tilespmem:$0x280] =	vst v47  }
0x30: {  	v32 =	vld [tilespmem:$0x170];
	v53 =	vand.u32 $0xFFFFF000, v52;
	v8 =	vand.u32 $0xFFFFF000, v43;
	v5 =	vor.u32 v6, v40;
	[tilespmem:$0x230] =	vst v4  }
0x31: {  	v61 =	vand.u32 $0xFFFFF000, v59;
	v7 =	vand.u32 $0xFFF, v39;
	v8 =	vor.u32 v9, v8;
	[tilespmem:$0x240] =	vst v5  }
0x32: {  	v23 =	vand.u32 $0xFFFFF000, v21;
	v7 =	vor.u32 v7, v45;
	v1 =	vand.u32 $0xFFFFF000, v48;
	[tilespmem:$0x260] =	vst v8  }
0x33: {  	v2 =	vand.u32 $0xFFFFF000, v51;
	v3 =	vand.u32 $0xFFF, v44;
	v1 =	vor.u32 v50, v1;
	[tilespmem:$0x270] =	vst v7  }
0x34: {  	v28 =	vld [tilespmem:$0x160];
	v29 =	vand.u32 $0xFFFFF000, v27;
	v33 =	vand.u32 $0xFFFFF000, v31;
	v2 =	vor.u32 v3, v2;
	[tilespmem:$0x290] =	vst v1  }
0x35: {  	v41 =	vand.u32 $0xFFF, v26;
	v46 =	vand.u32 $0xFFF, v32;
	v3 =	vor.u32 v54, v53;
	[tilespmem:$0x2A0] =	vst v2  }
0x36: {  	v36 =	vand.u32 $0xFFF, v22;
	v6 =	vand.u32 $0xFFFFF000, v62;
	v5 =	vor.u32 v63, v61;
	[tilespmem:$0x2B0] =	vst v3  }
0x37: {  	v49 =	vld [tilespmem:$0x1C0];
	v39 =	vshra.s32 v26, $0x2;
	v4 =	vand.u32 $0xFFFFF000, v56;
	v6 =	vor.u32 v16, v6;
	[tilespmem:$0x2D0] =	vst v5  }
0x38: {  	v37 =	vld [tilespmem:$0x180];
	v9 =	vand.u32 $0xFFFFF000, v24;
	v7 =	vand.u32 $0xFFFFF000, v18;
	v4 =	vor.u32 v58, v4;
	[tilespmem:$0x2E0] =	vst v6  }
0x39: {  	v52 =	vld [tilespmem:$0x1D0];
	v42 =	vshra.s32 v28, $0x2;
	v44 =	vshra.s32 v32, $0x2;
	v1 =	vor.u32 v20, v7;
	[tilespmem:$0x2C0] =	vst v4  }
0x3a: {  	v45 =	vand.u32 $0xFFF, v28;
	v2 =	vand.u32 $0xFFF, v57;
	v3 =	vor.u32 v25, v9;
	[tilespmem:$0x2F0] =	vst v1  }
0x3b: {  	v43 =	vld [tilespmem:$0x1A0];
	v7 =	vand.u32 $0xFFFFF000, v34;
	v6 =	vand.u32 $0xFFFFF000, v44;
	v2 =	vor.u32 v2, v23;
	[tilespmem:$0x310] =	vst v3  }
0x3c: {  	v40 =	vld [tilespmem:$0x190];
	v60 =	vshra.s32 v49, $0x2;
	v4 =	vor.u32 v30, v29;
	v1 =	vor.u32 v35, v33;
	[tilespmem:$0x300] =	vst v2  }
0x3d: {  	v47 =	vld [tilespmem:$0x1B0];
	v38 =	vor.u32 v36, v7;
	v3 =	vand.u32 $0xFFFFF000, v42;
	v48 =	vshra.s32 v37, $0x2;
	[tilespmem:$0x320] =	vst v4  }
0x3e: {  	v50 =	vand.u32 $0xFFF, v37;
	v61 =	vshra.s32 v52, $0x2;
	v62 =	vand.u32 $0xFFF, v52;
	[tilespmem:$0x330] =	vst v1  }
0x3f: {  	v2 =	vand.u32 $0xFFFFF000, v39;
	v1 =	vor.u32 v45, v3;
	v3 =	vor.u32 v46, v6;
	[tilespmem:$0x340] =	vst v38  }
0x40: {  	v56 =	vld [tilespmem:$0x1E0];
	v4 =	vand.u32 $0xFFFFF000, v48;
	v54 =	vshra.s32 v43, $0x2;
	v55 =	vand.u32 $0xFFF, v43;
	[tilespmem:$0x360] =	vst v1  }
0x41: {  	v58 =	vld [tilespmem:$0x1F0];
	v2 =	vor.u32 v41, v2;
	v51 =	vshra.s32 v40, $0x2;
	v1 =	vand.u32 $0xFFF, v40;
	[tilespmem:$0x370] =	vst v3  }
0x42: {  	v5 =	vand.u32 $0xFFFFF000, v54;
	v57 =	vshra.s32 v47, $0x2;
	[tilespmem:$0x350] =	vst v2;
	v2 =	vor.u32 v50, v4  }
0x43: {  	v59 =	vand.u32 $0xFFF, v47;
	v53 =	vand.u32 $0xFFFFF000, v51;
	v3 =	vor.u32 v55, v5;
	[tilespmem:$0x380] =	vst v2  }
0x44: {  	v4 =	vand.u32 $0xFFFFF000, v61;
	v1 =	vor.u32 v1, v53;
	v2 =	vand.u32 $0xFFFFF000, v57;
	[tilespmem:$0x3A0] =	vst v3  }
0x45: {  	v3 =	vand.u32 $0xFFF, v49;
	[tilespmem:$0x390] =	vst v1;
	v1 =	vor.u32 v59, v2;
	v2 =	vand.u32 $0xFFFFF000, v60  }
0x46: {  	v63 =	vshra.s32 v58, $0x2;
	[tilespmem:$0x3B0] =	vst v1;
	v1 =	vor.u32 v3, v2;
	v3 =	vshra.s32 v56, $0x2  }
0x47: {  	v2 =	vor.u32 v62, v4;
	[tilespmem:$0x3C0] =	vst v1;
	v1 =	vand.u32 $0xFFFFF000, v3;
	v3 =	vand.u32 $0xFFF, v56  }
0x48: {  	[tilespmem:$0x3D0] =	vst v2;
	v2 =	vand.u32 $0xFFFFF000, v63;
	v1 =	vor.u32 v3, v1;
	v3 =	vand.u32 $0xFFF, v58  }
0x49: {  	[tilespmem:$0x3E0] =	vst v1;
	v1 =	vor.u32 v3, v2  }
0x4a: {  	[tilespmem:$0x3F0] =	vst v1  }
0x4b: {  	[tilespmem:s10], [sflag:$0x1] =	stream.indirect.gather [hbm4b:s3+s8], $0x80, s9, s8, $0xb8;
	[tilespmem:$0x18400] =	vst v63  }
0x4c: {  	_ = 	snop  }
0x4d: {  	[tilespmem:s12], [sflag:$0x1] =	stream.indirect.gather [hbm4b:s3+s8], $0x80, s11, s8, $0xb8;
	[tilespmem:$0x18400] =	vst v63  }
0x4e: {  	_ = 	snop  }
0x4f: {  	[tilespmem:s14], [sflag:$0x1] =	stream.indirect.gather [hbm4b:s3+s8], $0x80, s13, s8, $0xb8;
	[tilespmem:$0x18400] =	vst v63  }
0x50: {  	_ = 	snop  }
0x51: {  	[tilespmem:s16], [sflag:$0x1] =	stream.indirect.gather [hbm4b:s3+s8], $0x80, s15, s8, $0xb8;
	[tilespmem:$0x18400] =	vst v63  }
0x52: {  	_ =	swait.ge [sflag:s17], $0x4000  }
0x53: {  	[sflag:s17] =	ssyncset.done $0x0  }
0x54: {  	[sflag:s17] =	ssyncadd.s32 $0xFFFFC000  }
0x55: {  	_ =	swait.ge [sflag:s17], $0x4000  }
0x56: {  	[sflag:s17] =	ssyncset.done $0x0  }
0x57: {  	[sflag:s17] =	ssyncadd.s32 $0xFFFFC000  }
0x58: {  	_ =	swait.ge [sflag:s17], $0x4000  }
0x59: {  	[sflag:s17] =	ssyncset.done $0x0  }
0x5a: {  	[sflag:s17] =	ssyncadd.s32 $0xFFFFC000  }
0x5b: {  	_ =	swait.ge [sflag:s17], $0x4000  }
0x5c: {  	[sflag:s17] =	ssyncset.done $0x0  }
0x5d: {  	s22 =	simm.s32 $0x0;
	s23 =	simm.s32 $0x0;
	[sflag:s17] =	ssyncadd.s32 $0xFFFFC000  }
.LBB2_2:
0x5e: {  	v1 =	vor.u32 s23, v0;
	_ =	sdelay $0x4  }
0x5f: {  	v2 =	vld.idx.msk [tilespmem:v1+s2+$0x0], $0xffff;
	_ =	sdelay $0x4  }
0x60: {  	v2 =	vshrl.u32 v2, $0x7  }
0x61: {  	v1 =	vshll.u32 v1, $0x7;
	v2 =	vand.u32 $0x60, v2  }
0x62: {  	v1 =	vor.u32 v1, v2;
	_ =	sdelay $0x4  }
0x63: {  	v2 =	vld.idx.msk [tilespmem:v1+s10+$0x0], $0xffff;
	_ =	sdelay $0x2  }
0x64: {  	v3 =	vor.u32 $0x1, v1  }
0x65: {  	s24 =	sand.u32 $0x70, s23;
	s25 =	sand.u32 $0xC00, s22  }
0x66: {  	s24 =	sor.u32 s24, s25;
	v4 =	vshll.u32 v2, $0x10  }
0x67: {  	v2 =	vand.u32 $0xFFFF0000, v2;
	[tilespmem:s24+$0x10400] =	vst v4  }
0x68: {  	[tilespmem:s24+$0x14400] =	vst v2  }
0x69: {  	v3 =	vld.idx.msk [tilespmem:v3+s10+$0x0], $0xffff;
	_ =	sdelay $0x2  }
0x6a: {  	v5 =	vor.u32 $0x2, v1;
	_ =	sdelay $0x1  }
0x6b: {  	s25 =	sadd.s32 $0x10400, s24;
	v6 =	vshll.u32 v3, $0x10  }
0x6c: {  	v3 =	vand.u32 $0xFFFF0000, v3;
	[tilespmem:s25+$0x80] =	vst v6  }
0x6d: {  	[tilespmem:s24+$0x14480] =	vst v3  }
0x6e: {  	v5 =	vld.idx.msk [tilespmem:v5+s10+$0x0], $0xffff;
	_ =	sdelay $0x2  }
0x6f: {  	v7 =	vor.u32 $0x3, v1;
	_ =	sdelay $0x1  }
0x70: {  	v8 =	vshll.u32 v5, $0x10  }
0x71: {  	v5 =	vand.u32 $0xFFFF0000, v5;
	[tilespmem:s25+$0x100] =	vst v8  }
0x72: {  	[tilespmem:s24+$0x14500] =	vst v5  }
0x73: {  	v7 =	vld.idx.msk [tilespmem:v7+s10+$0x0], $0xffff;
	_ =	sdelay $0x2  }
0x74: {  	v9 =	vor.u32 $0x4, v1;
	_ =	sdelay $0x1  }
0x75: {  	v10 =	vshll.u32 v7, $0x10  }
0x76: {  	v7 =	vand.u32 $0xFFFF0000, v7;
	[tilespmem:s25+$0x180] =	vst v10  }
0x77: {  	[tilespmem:s24+$0x14580] =	vst v7  }
0x78: {  	v9 =	vld.idx.msk [tilespmem:v9+s10+$0x0], $0xffff;
	_ =	sdelay $0x2  }
0x79: {  	v11 =	vor.u32 $0x5, v1;
	_ =	sdelay $0x1  }
0x7a: {  	v12 =	vshll.u32 v9, $0x10  }
0x7b: {  	v9 =	vand.u32 $0xFFFF0000, v9;
	[tilespmem:s25+$0x200] =	vst v12  }
0x7c: {  	[tilespmem:s24+$0x14600] =	vst v9  }
0x7d: {  	v11 =	vld.idx.msk [tilespmem:v11+s10+$0x0], $0xffff;
	_ =	sdelay $0x2  }
0x7e: {  	v13 =	vor.u32 $0x6, v1;
	_ =	sdelay $0x1  }
0x7f: {  	v14 =	vshll.u32 v11, $0x10  }
0x80: {  	v11 =	vand.u32 $0xFFFF0000, v11;
	[tilespmem:s25+$0x280] =	vst v14  }
0x81: {  	[tilespmem:s24+$0x14680] =	vst v11  }
0x82: {  	v13 =	vld.idx.msk [tilespmem:v13+s10+$0x0], $0xffff;
	_ =	sdelay $0x2  }
0x83: {  	v15 =	vor.u32 $0x7, v1;
	_ =	sdelay $0x1  }
0x84: {  	v16 =	vshll.u32 v13, $0x10  }
0x85: {  	v13 =	vand.u32 $0xFFFF0000, v13;
	[tilespmem:s25+$0x300] =	vst v16  }
0x86: {  	[tilespmem:s24+$0x14700] =	vst v13  }
0x87: {  	v15 =	vld.idx.msk [tilespmem:v15+s10+$0x0], $0xffff;
	_ =	sdelay $0x2  }
0x88: {  	v17 =	vor.u32 $0x8, v1  }
0x89: {  	s26 =	sor.u32 s22, s23  }
0x8a: {  	s26 =	sor.u32 $0x380, s26;
	v18 =	vshll.u32 v15, $0x10  }
0x8b: {  	v15 =	vand.u32 $0xFFFF0000, v15;
	[tilespmem:s26+$0x10400] =	vst v18  }
0x8c: {  	[tilespmem:s24+$0x14780] =	vst v15  }
0x8d: {  	v17 =	vld.idx.msk [tilespmem:v17+s10+$0x0], $0xffff;
	_ =	sdelay $0x2  }
0x8e: {  	v19 =	vor.u32 $0x9, v1;
	_ =	sdelay $0x1  }
0x8f: {  	v20 =	vshll.u32 v17, $0x10  }
0x90: {  	v17 =	vand.u32 $0xFFFF0000, v17;
	[tilespmem:s24+$0x11400] =	vst v20  }
0x91: {  	[tilespmem:s24+$0x15400] =	vst v17  }
0x92: {  	v19 =	vld.idx.msk [tilespmem:v19+s10+$0x0], $0xffff;
	_ =	sdelay $0x2  }
0x93: {  	v21 =	vor.u32 $0xA, v1;
	_ =	sdelay $0x1  }
0x94: {  	v22 =	vshll.u32 v19, $0x10  }
0x95: {  	v19 =	vand.u32 $0xFFFF0000, v19;
	[tilespmem:s24+$0x11480] =	vst v22  }
0x96: {  	[tilespmem:s24+$0x15480] =	vst v19  }
0x97: {  	v21 =	vld.idx.msk [tilespmem:v21+s10+$0x0], $0xffff;
	_ =	sdelay $0x2  }
0x98: {  	v23 =	vor.u32 $0xB, v1;
	_ =	sdelay $0x1  }
0x99: {  	v24 =	vshll.u32 v21, $0x10  }
0x9a: {  	v21 =	vand.u32 $0xFFFF0000, v21;
	[tilespmem:s24+$0x11500] =	vst v24  }
0x9b: {  	[tilespmem:s24+$0x15500] =	vst v21  }
0x9c: {  	v23 =	vld.idx.msk [tilespmem:v23+s10+$0x0], $0xffff;
	_ =	sdelay $0x2  }
0x9d: {  	v25 =	vor.u32 $0xC, v1;
	_ =	sdelay $0x1  }
0x9e: {  	v26 =	vshll.u32 v23, $0x10  }
0x9f: {  	v23 =	vand.u32 $0xFFFF0000, v23;
	[tilespmem:s24+$0x11580] =	vst v26  }
0xa0: {  	[tilespmem:s24+$0x15580] =	vst v23  }
0xa1: {  	v25 =	vld.idx.msk [tilespmem:v25+s10+$0x0], $0xffff;
	_ =	sdelay $0x2  }
0xa2: {  	v27 =	vor.u32 $0xD, v1;
	_ =	sdelay $0x1  }
0xa3: {  	v28 =	vshll.u32 v25, $0x10  }
0xa4: {  	v25 =	vand.u32 $0xFFFF0000, v25;
	[tilespmem:s24+$0x11600] =	vst v28  }
0xa5: {  	[tilespmem:s24+$0x15600] =	vst v25  }
0xa6: {  	v27 =	vld.idx.msk [tilespmem:v27+s10+$0x0], $0xffff;
	_ =	sdelay $0x2  }
0xa7: {  	v29 =	vor.u32 $0xE, v1;
	_ =	sdelay $0x1  }
0xa8: {  	v30 =	vshll.u32 v27, $0x10  }
0xa9: {  	v27 =	vand.u32 $0xFFFF0000, v27;
	[tilespmem:s24+$0x11680] =	vst v30  }
0xaa: {  	[tilespmem:s24+$0x15680] =	vst v27  }
0xab: {  	v29 =	vld.idx.msk [tilespmem:v29+s10+$0x0], $0xffff;
	_ =	sdelay $0x2  }
0xac: {  	v31 =	vor.u32 $0xF, v1;
	_ =	sdelay $0x1  }
0xad: {  	v32 =	vshll.u32 v29, $0x10  }
0xae: {  	v29 =	vand.u32 $0xFFFF0000, v29;
	[tilespmem:s24+$0x11700] =	vst v32  }
0xaf: {  	[tilespmem:s24+$0x15700] =	vst v29  }
0xb0: {  	v31 =	vld.idx.msk [tilespmem:v31+s10+$0x0], $0xffff;
	_ =	sdelay $0x2  }
0xb1: {  	v33 =	vor.u32 $0x10, v1;
	_ =	sdelay $0x1  }
0xb2: {  	v34 =	vshll.u32 v31, $0x10  }
0xb3: {  	v31 =	vand.u32 $0xFFFF0000, v31;
	[tilespmem:s24+$0x11780] =	vst v34  }
0xb4: {  	[tilespmem:s24+$0x15780] =	vst v31  }
0xb5: {  	v33 =	vld.idx.msk [tilespmem:v33+s10+$0x0], $0xffff;
	_ =	sdelay $0x2  }
0xb6: {  	v35 =	vor.u32 $0x11, v1  }
0xb7: {  	v4 =	vmul.f32 v4, v4;
	v2 =	vmul.f32 v2, v2  }
0xb8: {  	v36 =	vshll.u32 v33, $0x10  }
0xb9: {  	v2 =	vadd.f32 v2, v4;
	v52 =	vmul.f32 v6, v6;
	v53 =	vand.u32 $0xFFFF0000, v33;
	[tilespmem:s24+$0x12400] =	vst v36  }
0xba: {  	[tilespmem:s24+$0x16400] =	vst v53  }
0xbb: {  	v3 =	vmul.f32 v3, v3;
	v2 =	vadd.f32 v52, v2;
	v54 =	vld.idx.msk [tilespmem:v35+s10+$0x0], $0xffff;
	_ =	sdelay $0x1  }
0xbc: {  	v2 =	vadd.f32 v2, v3;
	v3 =	vmul.f32 v8, v8  }
0xbd: {  	v55 =	vor.u32 $0x12, v1  }
0xbe: {  	v2 =	vadd.f32 v3, v2;
	v3 =	vmul.f32 v5, v5  }
0xbf: {  	v56 =	vshll.u32 v54, $0x10  }
0xc0: {  	v2 =	vadd.f32 v2, v3;
	v3 =	vmul.f32 v10, v10;
	v4 =	vand.u32 $0xFFFF0000, v54;
	[tilespmem:s24+$0x12480] =	vst v56  }
0xc1: {  	[tilespmem:s24+$0x16480] =	vst v4  }
0xc2: {  	v2 =	vadd.f32 v3, v2;
	v3 =	vmul.f32 v7, v7;
	v57 =	vld.idx.msk [tilespmem:v55+s10+$0x0], $0xffff;
	_ =	sdelay $0x1  }
0xc3: {  	v2 =	vadd.f32 v2, v3;
	v3 =	vmul.f32 v12, v12  }
0xc4: {  	v58 =	vor.u32 $0x13, v1  }
0xc5: {  	v2 =	vadd.f32 v3, v2;
	v3 =	vmul.f32 v9, v9  }
0xc6: {  	v59 =	vshll.u32 v57, $0x10  }
0xc7: {  	v2 =	vadd.f32 v2, v3;
	v3 =	vmul.f32 v14, v14;
	v7 =	vand.u32 $0xFFFF0000, v57;
	[tilespmem:s24+$0x12500] =	vst v59  }
0xc8: {  	[tilespmem:s24+$0x16500] =	vst v7  }
0xc9: {  	v2 =	vadd.f32 v3, v2;
	v3 =	vmul.f32 v11, v11;
	v8 =	vld.idx.msk [tilespmem:v58+s10+$0x0], $0xffff;
	_ =	sdelay $0x1  }
0xca: {  	v2 =	vadd.f32 v2, v3;
	v3 =	vmul.f32 v16, v16  }
0xcb: {  	v60 =	vor.u32 $0x14, v1  }
0xcc: {  	v2 =	vadd.f32 v3, v2;
	v3 =	vmul.f32 v13, v13  }
0xcd: {  	v61 =	vshll.u32 v8, $0x10  }
0xce: {  	v2 =	vadd.f32 v2, v3;
	v3 =	vmul.f32 v18, v18;
	v8 =	vand.u32 $0xFFFF0000, v8;
	[tilespmem:s24+$0x12580] =	vst v61  }
0xcf: {  	[tilespmem:s24+$0x16580] =	vst v8  }
0xd0: {  	v2 =	vadd.f32 v3, v2;
	v3 =	vmul.f32 v15, v15;
	v10 =	vld.idx.msk [tilespmem:v60+s10+$0x0], $0xffff;
	_ =	sdelay $0x1  }
0xd1: {  	v2 =	vadd.f32 v2, v3;
	v3 =	vmul.f32 v20, v20  }
0xd2: {  	v62 =	vor.u32 $0x15, v1  }
0xd3: {  	v2 =	vadd.f32 v3, v2;
	v3 =	vmul.f32 v17, v17  }
0xd4: {  	v63 =	vshll.u32 v10, $0x10  }
0xd5: {  	v2 =	vadd.f32 v2, v3;
	v3 =	vmul.f32 v22, v22;
	v10 =	vand.u32 $0xFFFF0000, v10;
	[tilespmem:s24+$0x12600] =	vst v63  }
0xd6: {  	[tilespmem:s24+$0x16600] =	vst v10  }
0xd7: {  	v2 =	vadd.f32 v3, v2;
	v3 =	vmul.f32 v19, v19;
	v12 =	vld.idx.msk [tilespmem:v62+s10+$0x0], $0xffff;
	_ =	sdelay $0x1  }
0xd8: {  	v2 =	vadd.f32 v2, v3;
	v3 =	vmul.f32 v24, v24  }
0xd9: {  	v22 =	vor.u32 $0x16, v1  }
0xda: {  	v2 =	vadd.f32 v3, v2;
	v3 =	vmul.f32 v21, v21  }
0xdb: {  	v24 =	vshll.u32 v12, $0x10  }
0xdc: {  	v2 =	vadd.f32 v2, v3;
	v3 =	vmul.f32 v26, v26;
	v12 =	vand.u32 $0xFFFF0000, v12;
	[tilespmem:s24+$0x12680] =	vst v24  }
0xdd: {  	[tilespmem:s24+$0x16680] =	vst v12  }
0xde: {  	v2 =	vadd.f32 v3, v2;
	v3 =	vmul.f32 v23, v23;
	v14 =	vld.idx.msk [tilespmem:v22+s10+$0x0], $0xffff;
	_ =	sdelay $0x1  }
0xdf: {  	v2 =	vadd.f32 v2, v3;
	v3 =	vmul.f32 v28, v28  }
0xe0: {  	v26 =	vor.u32 $0x17, v1  }
0xe1: {  	v2 =	vadd.f32 v3, v2;
	v3 =	vmul.f32 v25, v25  }
0xe2: {  	v28 =	vshll.u32 v14, $0x10  }
0xe3: {  	v2 =	vadd.f32 v2, v3;
	v3 =	vmul.f32 v30, v30;
	v14 =	vand.u32 $0xFFFF0000, v14;
	[tilespmem:s24+$0x12700] =	vst v28  }
0xe4: {  	[tilespmem:s24+$0x16700] =	vst v14  }
0xe5: {  	v2 =	vadd.f32 v3, v2;
	v3 =	vmul.f32 v27, v27;
	v16 =	vld.idx.msk [tilespmem:v26+s10+$0x0], $0xffff;
	_ =	sdelay $0x1  }
0xe6: {  	v2 =	vadd.f32 v2, v3;
	v3 =	vmul.f32 v32, v32  }
0xe7: {  	v33 =	vor.u32 $0x18, v1  }
0xe8: {  	v2 =	vadd.f32 v3, v2;
	v3 =	vmul.f32 v29, v29  }
0xe9: {  	v35 =	vshll.u32 v16, $0x10  }
0xea: {  	v2 =	vadd.f32 v2, v3;
	v3 =	vmul.f32 v34, v34;
	v16 =	vand.u32 $0xFFFF0000, v16;
	[tilespmem:s24+$0x12780] =	vst v35  }
0xeb: {  	[tilespmem:s24+$0x16780] =	vst v16  }
0xec: {  	v2 =	vadd.f32 v3, v2;
	v3 =	vmul.f32 v31, v31;
	v18 =	vld.idx.msk [tilespmem:v33+s10+$0x0], $0xffff;
	_ =	sdelay $0x1  }
0xed: {  	v2 =	vadd.f32 v2, v3;
	v3 =	vmul.f32 v36, v36  }
0xee: {  	v37 =	vor.u32 $0x19, v1  }
0xef: {  	v2 =	vadd.f32 v3, v2;
	v3 =	vmul.f32 v53, v53  }
0xf0: {  	v38 =	vshll.u32 v18, $0x10  }
0xf1: {  	v2 =	vadd.f32 v2, v3;
	v3 =	vmul.f32 v56, v56;
	v39 =	vand.u32 $0xFFFF0000, v18;
	[tilespmem:s24+$0x13400] =	vst v38  }
0xf2: {  	[tilespmem:s24+$0x17400] =	vst v39  }
0xf3: {  	v2 =	vadd.f32 v3, v2;
	v3 =	vmul.f32 v4, v4;
	v40 =	vld.idx.msk [tilespmem:v37+s10+$0x0], $0xffff;
	_ =	sdelay $0x1  }
0xf4: {  	v2 =	vadd.f32 v2, v3;
	v3 =	vmul.f32 v59, v59  }
0xf5: {  	v41 =	vor.u32 $0x1A, v1  }
0xf6: {  	v2 =	vadd.f32 v3, v2;
	v3 =	vmul.f32 v7, v7  }
0xf7: {  	v42 =	vshll.u32 v40, $0x10  }
0xf8: {  	v2 =	vadd.f32 v2, v3;
	v3 =	vmul.f32 v61, v61;
	v4 =	vand.u32 $0xFFFF0000, v40;
	[tilespmem:s24+$0x13480] =	vst v42  }
0xf9: {  	[tilespmem:s24+$0x17480] =	vst v4  }
0xfa: {  	v2 =	vadd.f32 v3, v2;
	v3 =	vmul.f32 v8, v8;
	v43 =	vld.idx.msk [tilespmem:v41+s10+$0x0], $0xffff;
	_ =	sdelay $0x1  }
0xfb: {  	v2 =	vadd.f32 v2, v3;
	v3 =	vmul.f32 v63, v63  }
0xfc: {  	v44 =	vor.u32 $0x1B, v1  }
0xfd: {  	v2 =	vadd.f32 v3, v2;
	v3 =	vmul.f32 v10, v10  }
0xfe: {  	v45 =	vshll.u32 v43, $0x10  }
0xff: {  	v2 =	vadd.f32 v2, v3;
	v3 =	vmul.f32 v24, v24;
	v8 =	vand.u32 $0xFFFF0000, v43;
	[tilespmem:s24+$0x13500] =	vst v45  }
0x100: {  	[tilespmem:s24+$0x17500] =	vst v8  }
0x101: {  	v2 =	vadd.f32 v3, v2;
	v3 =	vmul.f32 v12, v12;
	v9 =	vld.idx.msk [tilespmem:v44+s10+$0x0], $0xffff;
	_ =	sdelay $0x1  }
0x102: {  	v2 =	vadd.f32 v2, v3;
	v3 =	vmul.f32 v28, v28  }
0x103: {  	v46 =	vor.u32 $0x1C, v1  }
0x104: {  	v2 =	vadd.f32 v3, v2;
	v3 =	vmul.f32 v14, v14  }
0x105: {  	v47 =	vshll.u32 v9, $0x10  }
0x106: {  	v2 =	vadd.f32 v2, v3;
	v3 =	vmul.f32 v35, v35;
	v9 =	vand.u32 $0xFFFF0000, v9;
	[tilespmem:s24+$0x13580] =	vst v47  }
0x107: {  	[tilespmem:s24+$0x17580] =	vst v9  }
0x108: {  	v2 =	vadd.f32 v3, v2;
	v3 =	vmul.f32 v16, v16;
	v11 =	vld.idx.msk [tilespmem:v46+s10+$0x0], $0xffff;
	_ =	sdelay $0x1  }
0x109: {  	v2 =	vadd.f32 v2, v3;
	v3 =	vmul.f32 v38, v38  }
0x10a: {  	v48 =	vor.u32 $0x1D, v1  }
0x10b: {  	v2 =	vadd.f32 v3, v2;
	v3 =	vmul.f32 v39, v39  }
0x10c: {  	v49 =	vshll.u32 v11, $0x10  }
0x10d: {  	v2 =	vadd.f32 v2, v3;
	v3 =	vmul.f32 v42, v42;
	v50 =	vand.u32 $0xFFFF0000, v11;
	[tilespmem:s24+$0x13600] =	vst v49  }
0x10e: {  	[tilespmem:s24+$0x17600] =	vst v50  }
0x10f: {  	v2 =	vadd.f32 v3, v2;
	v3 =	vmul.f32 v4, v4;
	v51 =	vld.idx.msk [tilespmem:v48+s10+$0x0], $0xffff;
	_ =	sdelay $0x1  }
0x110: {  	v2 =	vadd.f32 v2, v3;
	v3 =	vmul.f32 v45, v45  }
0x111: {  	v52 =	vor.u32 $0x1E, v1  }
0x112: {  	v2 =	vadd.f32 v3, v2;
	v3 =	vmul.f32 v8, v8  }
0x113: {  	v53 =	vshll.u32 v51, $0x10  }
0x114: {  	v2 =	vadd.f32 v2, v3;
	v3 =	vmul.f32 v47, v47;
	v4 =	vand.u32 $0xFFFF0000, v51;
	[tilespmem:s24+$0x13680] =	vst v53  }
0x115: {  	[tilespmem:s24+$0x17680] =	vst v4  }
0x116: {  	v2 =	vadd.f32 v3, v2;
	v3 =	vmul.f32 v9, v9;
	v6 =	vld.idx.msk [tilespmem:v52+s10+$0x0], $0xffff;
	_ =	sdelay $0x1  }
0x117: {  	v2 =	vadd.f32 v2, v3;
	v3 =	vmul.f32 v49, v49  }
0x118: {  	v1 =	vor.u32 $0x1F, v1  }
0x119: {  	v2 =	vadd.f32 v3, v2;
	v3 =	vmul.f32 v50, v50  }
0x11a: {  	v54 =	vshll.u32 v6, $0x10  }
0x11b: {  	v2 =	vadd.f32 v2, v3;
	v3 =	vmul.f32 v53, v53;
	v6 =	vand.u32 $0xFFFF0000, v6;
	[tilespmem:s24+$0x13700] =	vst v54  }
0x11c: {  	[tilespmem:s24+$0x17700] =	vst v6  }
0x11d: {  	v2 =	vadd.f32 v3, v2;
	v3 =	vmul.f32 v4, v4;
	v1 =	vld.idx.msk [tilespmem:v1+s10+$0x0], $0xffff;
	_ =	sdelay $0x1  }
0x11e: {  	v2 =	vadd.f32 v2, v3;
	v3 =	vmul.f32 v54, v54;
	_ =	sdelay $0x1  }
0x11f: {  	v2 =	vadd.f32 v3, v2;
	v3 =	vmul.f32 v6, v6  }
0x120: {  	v55 =	vshll.u32 v1, $0x10  }
0x121: {  	v2 =	vadd.f32 v2, v3;
	v3 =	vmul.f32 v55, v55  }
0x122: {  	v1 =	vand.u32 $0xFFFF0000, v1  }
0x123: {  	v2 =	vadd.f32 v3, v2;
	v3 =	vmul.f32 v1, v1;
	_ =	sdelay $0x1  }
0x124: {  	v2 =	vadd.f32 v2, v3;
	_ =	sdelay $0x1  }
0x125: {  	v3 =	vshra.s32 v2, $0x1;
	v2 =	vmul.f32 $5.000000000e-01, v2  }
0x126: {  	v3 =	vsub.s32 $0x5F3759DF, v3  }
0x127: {  	v56 =	vmul.f32 v3, v2;
	_ =	sdelay $0x1  }
0x128: {  	v5 =	vmul.f32 v3, v56;
	_ =	sdelay $0x1  }
0x129: {  	v5 =	vsub.f32 $1.500000000e+00, v5;
	_ =	sdelay $0x1  }
0x12a: {  	v3 =	vmul.f32 v3, v5;
	_ =	sdelay $0x1  }
0x12b: {  	v5 =	vmul.f32 v3, v2;
	_ =	sdelay $0x1  }
0x12c: {  	v5 =	vmul.f32 v5, v3;
	_ =	sdelay $0x1  }
0x12d: {  	v5 =	vsub.f32 $1.500000000e+00, v5;
	_ =	sdelay $0x1  }
0x12e: {  	v3 =	vmul.f32 v5, v3;
	_ =	sdelay $0x1  }
0x12f: {  	v2 =	vmul.f32 v3, v2;
	_ =	sdelay $0x1  }
0x130: {  	[tilespmem:s24+$0x13780] =	vst v55;
	v2 =	vmul.f32 v2, v3  }
0x131: {  	v57 =	vld [tilespmem:s24+$0x10400];
	[tilespmem:s24+$0x17780] =	vst v1  }
0x132: {  	v1 =	vsub.f32 $1.500000000e+00, v2;
	v2 =	vld [tilespmem:s25+$0x80]  }
0x133: {  	v58 =	vld [tilespmem:s25+$0x100]  }
0x134: {  	v1 =	vmul.f32 v1, v3;
	v3 =	vld [tilespmem:s25+$0x180]  }
0x135: {  	v59 =	vld [tilespmem:s25+$0x200]  }
0x136: {  	v60 =	vld [tilespmem:s25+$0x280];
	v4 =	vmul.f32 v1, v57  }
0x137: {  	v61 =	vld [tilespmem:s25+$0x300];
	v2 =	vmul.f32 v1, v2  }
0x138: {  	v62 =	vmul.f32 v1, v58;
	[tilespmem:s24+$0x10400] =	vst v4  }
0x139: {  	[tilespmem:s25+$0x80] =	vst v2;
	v2 =	vmul.f32 v1, v3  }
0x13a: {  	[tilespmem:s25+$0x100] =	vst v62;
	v3 =	vmul.f32 v1, v59  }
0x13b: {  	[tilespmem:s25+$0x180] =	vst v2;
	v2 =	vmul.f32 v1, v60  }
0x13c: {  	[tilespmem:s25+$0x200] =	vst v3;
	v3 =	vmul.f32 v1, v61  }
0x13d: {  	[tilespmem:s25+$0x280] =	vst v2  }
0x13e: {  	[tilespmem:s25+$0x300] =	vst v3  }
0x13f: {  	v2 =	vld [tilespmem:s26+$0x10400];
	_ =	sdelay $0x4  }
0x140: {  	v2 =	vmul.f32 v1, v2;
	_ =	sdelay $0x1  }
0x141: {  	[tilespmem:s26+$0x10400] =	vst v2  }
0x142: {  	v2 =	vld [tilespmem:s24+$0x11400]  }
0x143: {  	v3 =	vld [tilespmem:s24+$0x11480]  }
0x144: {  	v4 =	vld [tilespmem:s24+$0x11500]  }
0x145: {  	v63 =	vld [tilespmem:s24+$0x11580]  }
0x146: {  	v12 =	vld [tilespmem:s24+$0x11600]  }
0x147: {  	v13 =	vld [tilespmem:s24+$0x11680];
	v2 =	vmul.f32 v1, v2  }
0x148: {  	v14 =	vld [tilespmem:s24+$0x11700];
	v3 =	vmul.f32 v1, v3  }
0x149: {  	v15 =	vld [tilespmem:s24+$0x11780];
	[tilespmem:s24+$0x11400] =	vst v2;
	v2 =	vmul.f32 v4, v1  }
0x14a: {  	v16 =	vld [tilespmem:s24+$0x12400];
	[tilespmem:s24+$0x11480] =	vst v3;
	v3 =	vmul.f32 v63, v1  }
0x14b: {  	v17 =	vld [tilespmem:s24+$0x12480];
	[tilespmem:s24+$0x11500] =	vst v2;
	v2 =	vmul.f32 v12, v1  }
0x14c: {  	v18 =	vld [tilespmem:s24+$0x12500];
	[tilespmem:s24+$0x11580] =	vst v3;
	v3 =	vmul.f32 v13, v1  }
0x14d: {  	v19 =	vld [tilespmem:s24+$0x12580];
	[tilespmem:s24+$0x11600] =	vst v2;
	v2 =	vmul.f32 v14, v1  }
0x14e: {  	v20 =	vld [tilespmem:s24+$0x12600];
	[tilespmem:s24+$0x11680] =	vst v3;
	v3 =	vmul.f32 v15, v1  }
0x14f: {  	v21 =	vld [tilespmem:s24+$0x12680];
	[tilespmem:s24+$0x11700] =	vst v2;
	v2 =	vmul.f32 v16, v1  }
0x150: {  	v22 =	vld [tilespmem:s24+$0x12700];
	[tilespmem:s24+$0x11780] =	vst v3;
	v3 =	vmul.f32 v17, v1  }
0x151: {  	v23 =	vld [tilespmem:s24+$0x12780];
	[tilespmem:s24+$0x12400] =	vst v2;
	v2 =	vmul.f32 v18, v1  }
0x152: {  	v24 =	vld [tilespmem:s24+$0x13400];
	[tilespmem:s24+$0x12480] =	vst v3;
	v3 =	vmul.f32 v19, v1  }
0x153: {  	v25 =	vld [tilespmem:s24+$0x13480];
	[tilespmem:s24+$0x12500] =	vst v2;
	v2 =	vmul.f32 v20, v1  }
0x154: {  	v26 =	vld [tilespmem:s24+$0x13500];
	[tilespmem:s24+$0x12580] =	vst v3;
	v3 =	vmul.f32 v21, v1  }
0x155: {  	v27 =	vld [tilespmem:s24+$0x13580];
	[tilespmem:s24+$0x12600] =	vst v2;
	v2 =	vmul.f32 v22, v1  }
0x156: {  	v28 =	vld [tilespmem:s24+$0x13600];
	[tilespmem:s24+$0x12680] =	vst v3;
	v3 =	vmul.f32 v23, v1  }
0x157: {  	v29 =	vld [tilespmem:s24+$0x13680];
	[tilespmem:s24+$0x12700] =	vst v2;
	v2 =	vmul.f32 v24, v1  }
0x158: {  	v30 =	vld [tilespmem:s24+$0x13700];
	[tilespmem:s24+$0x12780] =	vst v3;
	v3 =	vmul.f32 v25, v1  }
0x159: {  	v31 =	vld [tilespmem:s24+$0x13780];
	[tilespmem:s24+$0x13400] =	vst v2;
	v2 =	vmul.f32 v26, v1  }
0x15a: {  	v32 =	vld [tilespmem:s24+$0x14400];
	[tilespmem:s24+$0x13480] =	vst v3;
	v3 =	vmul.f32 v27, v1  }
0x15b: {  	v33 =	vld [tilespmem:s24+$0x14480];
	[tilespmem:s24+$0x13500] =	vst v2;
	v2 =	vmul.f32 v28, v1  }
0x15c: {  	v34 =	vld [tilespmem:s24+$0x14500];
	[tilespmem:s24+$0x13580] =	vst v3;
	v3 =	vmul.f32 v29, v1  }
0x15d: {  	v35 =	vld [tilespmem:s24+$0x14580];
	[tilespmem:s24+$0x13600] =	vst v2;
	v2 =	vmul.f32 v30, v1  }
0x15e: {  	v36 =	vld [tilespmem:s24+$0x14600];
	[tilespmem:s24+$0x13680] =	vst v3;
	v3 =	vmul.f32 v31, v1  }
0x15f: {  	v37 =	vld [tilespmem:s24+$0x14680];
	[tilespmem:s24+$0x13700] =	vst v2;
	v2 =	vmul.f32 v32, v1  }
0x160: {  	v38 =	vld [tilespmem:s24+$0x14700];
	[tilespmem:s24+$0x13780] =	vst v3;
	v3 =	vmul.f32 v33, v1  }
0x161: {  	v39 =	vld [tilespmem:s24+$0x14780];
	[tilespmem:s24+$0x14400] =	vst v2;
	v2 =	vmul.f32 v34, v1  }
0x162: {  	v40 =	vld [tilespmem:s24+$0x15400];
	[tilespmem:s24+$0x14480] =	vst v3;
	v3 =	vmul.f32 v35, v1  }
0x163: {  	v41 =	vld [tilespmem:s24+$0x15480];
	[tilespmem:s24+$0x14500] =	vst v2;
	v2 =	vmul.f32 v36, v1  }
0x164: {  	v42 =	vld [tilespmem:s24+$0x15500];
	[tilespmem:s24+$0x14580] =	vst v3;
	v3 =	vmul.f32 v37, v1  }
0x165: {  	v43 =	vld [tilespmem:s24+$0x15580];
	[tilespmem:s24+$0x14600] =	vst v2;
	v2 =	vmul.f32 v38, v1  }
0x166: {  	v44 =	vld [tilespmem:s24+$0x15600];
	[tilespmem:s24+$0x14680] =	vst v3;
	v3 =	vmul.f32 v39, v1  }
0x167: {  	v45 =	vld [tilespmem:s24+$0x15680];
	[tilespmem:s24+$0x14700] =	vst v2;
	v2 =	vmul.f32 v40, v1  }
0x168: {  	v46 =	vld [tilespmem:s24+$0x15700];
	[tilespmem:s24+$0x14780] =	vst v3;
	v3 =	vmul.f32 v41, v1  }
0x169: {  	v47 =	vld [tilespmem:s24+$0x15780];
	[tilespmem:s24+$0x15400] =	vst v2;
	v2 =	vmul.f32 v42, v1  }
0x16a: {  	v48 =	vld [tilespmem:s24+$0x16400];
	[tilespmem:s24+$0x15480] =	vst v3;
	v3 =	vmul.f32 v43, v1  }
0x16b: {  	v49 =	vld [tilespmem:s24+$0x16480];
	[tilespmem:s24+$0x15500] =	vst v2;
	v2 =	vmul.f32 v44, v1  }
0x16c: {  	v50 =	vld [tilespmem:s24+$0x16500];
	[tilespmem:s24+$0x15580] =	vst v3;
	v3 =	vmul.f32 v45, v1  }
0x16d: {  	v51 =	vld [tilespmem:s24+$0x16580];
	[tilespmem:s24+$0x15600] =	vst v2;
	v2 =	vmul.f32 v46, v1  }
0x16e: {  	v52 =	vld [tilespmem:s24+$0x16600];
	[tilespmem:s24+$0x15680] =	vst v3;
	v3 =	vmul.f32 v47, v1  }
0x16f: {  	v53 =	vld [tilespmem:s24+$0x16680];
	[tilespmem:s24+$0x15700] =	vst v2;
	v2 =	vmul.f32 v48, v1  }
0x170: {  	v54 =	vld [tilespmem:s24+$0x16700];
	[tilespmem:s24+$0x15780] =	vst v3;
	v3 =	vmul.f32 v49, v1  }
0x171: {  	v55 =	vld [tilespmem:s24+$0x16780];
	[tilespmem:s24+$0x16400] =	vst v2;
	v2 =	vmul.f32 v50, v1  }
0x172: {  	v56 =	vld [tilespmem:s24+$0x17400];
	[tilespmem:s24+$0x16480] =	vst v3;
	v3 =	vmul.f32 v51, v1  }
0x173: {  	v57 =	vld [tilespmem:s24+$0x17480];
	[tilespmem:s24+$0x16500] =	vst v2;
	v2 =	vmul.f32 v52, v1  }
0x174: {  	v58 =	vld [tilespmem:s24+$0x17500];
	[tilespmem:s24+$0x16580] =	vst v3;
	v3 =	vmul.f32 v53, v1  }
0x175: {  	v59 =	vld [tilespmem:s24+$0x17580];
	[tilespmem:s24+$0x16600] =	vst v2;
	v2 =	vmul.f32 v54, v1  }
0x176: {  	v60 =	vld [tilespmem:s24+$0x17600];
	[tilespmem:s24+$0x16680] =	vst v3;
	v3 =	vmul.f32 v55, v1  }
0x177: {  	v61 =	vld [tilespmem:s24+$0x17680];
	[tilespmem:s24+$0x16700] =	vst v2;
	v2 =	vmul.f32 v56, v1  }
0x178: {  	v62 =	vld [tilespmem:s24+$0x17700];
	[tilespmem:s24+$0x16780] =	vst v3;
	v3 =	vmul.f32 v57, v1  }
0x179: {  	v63 =	vld [tilespmem:s24+$0x17780];
	[tilespmem:s24+$0x17400] =	vst v2;
	v2 =	vmul.f32 v58, v1  }
0x17a: {  	[tilespmem:s24+$0x17480] =	vst v3;
	v3 =	vmul.f32 v59, v1  }
0x17b: {  	p0 =	sne.s32 s23, $0x1F0;
	[tilespmem:s24+$0x17500] =	vst v2;
	v2 =	vmul.f32 v60, v1  }
.Ltmp0:
0x17c: {  	[tilespmem:s24+$0x17580] =	vst v3;
	v3 =	vmul.f32 v61, v1;
	(pc) =	sbr.rel @p0 .LBB2_2-.Ltmp0, $4  }
0x17d: {  	[tilespmem:s24+$0x17600] =	vst v2;
	v2 =	vmul.f32 v62, v1  }
0x17e: {  	[tilespmem:s24+$0x17680] =	vst v3;
	v1 =	vmul.f32 v63, v1  }
0x17f: {  	[tilespmem:s24+$0x17700] =	vst v2  }
0x180: {  	s22 =	sadd.s32 $0x80, s22;
	s23 =	sadd.s32 $0x10, s23;
	[tilespmem:s24+$0x17780] =	vst v1  }
0x181: {  	s21 =	sadd.s32 $0x1, s21  }
0x182: {  	p0 =	sne.s32 s21, s6  }
.Ltmp1:
0x183: {  	_ = 	snop;
	(pc) =	sbr.rel @p0 .LBB2_1-.Ltmp1, $4  }
0x184: {  	[hbm4b:s5+s18] =	stream.strided.scatter [tilespmem:s20], [sflag:$0x2], $0x8000, s19, s18, $0x38;
	[tilespmem:$0x18400] =	vst v63  }
0x185: {  	_ =	swait.ge [sflag:s7], $0x8000  }
0x186: {  	[sflag:s7] =	ssyncset.done $0x0  }
0x187: {  	[sflag:s7] =	ssyncadd.s32 $0xFFFF8000  }
0x188: {  	_ =	sfence.sel $0x180000  }
0x189: {  	[bflag:$0x0] =	sbarrier.arrive $0xFFFF  }
0x18a: {  	p0 =	sne.s32 s1, $0x0;
	_ =	strace $0x90000047  }
0x18b: {  	s0 =	sadd.s32 @!p0 $0x100000, s0;
	[bflag:$0x2] =	sbarrier.arrive $0xFFFF  }
0x18c: {  	[sflag:s0] =	ssyncadd.tile.s32 @!p0 $0x1;
	_ =	shalt  }
.Lfunc_end2:
_tile_overlayer_lowered:
.L_overlay_start_2:
0x18d: {  	(tag) =	ssettag $0x2  }
0x18e: {  	s0 =	rddreg [dreg:$0x0];
	s2 =	stileid.u32  }
0x18f: {  	s1 =	rddreg [dreg:$0x1];
	p0 =	sne.s32 s2, $0x0  }
0x190: {  	s3 =	rddreg [dreg:$0x2];
	[bflag:$0x3] =	sbarrier.arrive $0xFFFF;
	s2 =	simm.s32 @!p0 $0x1C02  }
0x191: {  	[timem:s3], [sflag:s2] =	dma.local @!p0 [hbm:s0], s1  }
0x192: {  	s0 =	simm.s32 @!p0 $0x2  }
0x193: {  	_ =	swait.ge @!p0 [sflag:s0], s1  }
0x194: {  	s1 =	ssub.s32 @!p0 $0x0, s1;
	[sflag:s0] =	ssyncset.done @!p0 $0x0  }
0x195: {  	[sflag:s0] =	ssyncadd.s32 @!p0 s1  }
0x196: {  	[bflag:$0x3] =	sbarrier.arrive $0xFFFF  }
0x197: {  	_ =	shalt  }

</sc_bundles>
